<compile_context>
chip_gen: v7x
topology: tpu7x:2x2x1
jax: 0.10.2.dev20260603
libtpu: 0.0.44.dev20260713+nightly
codegen_flags: <defaults>
</compile_context>

<pallas_src>
import dataclasses
import functools

import jax
import jax.numpy as jnp
from jax import lax
from jax.experimental import pallas as pl
from jax.experimental.pallas import tpu as pltpu
from jax.experimental.pallas import tpu_sc as plsc

_EMBED = 384
_NQ = 32
_K = 8
_CORPUS = 100000
_BLK = 4096
_PAD = 102400
_NB = _PAD // _BLK
_CH = 12800
_NCH = _PAD // _CH
_GRP = 8
_NGRP = _CH // (16 * _GRP)


def _score_kernel(q_ref, k_ref, s_ref):
    i = pl.program_id(0)
    kb = k_ref[...]
    norm = jnp.sqrt(jnp.sum(kb * kb, axis=1, keepdims=True))
    kn = kb * (1.0 / jnp.maximum(norm, 1e-12))
    s = jax.lax.dot_general(
        q_ref[...], kn.astype(jnp.bfloat16),
        (((1,), (1,)), ((), ())),
        preferred_element_type=jnp.float32,
    )

    @pl.when(i < _NB - 1)
    def _store():
        s_ref[...] = s

    @pl.when(i == _NB - 1)
    def _store_masked():
        lane = jax.lax.broadcasted_iota(jnp.int32, (_NQ, _BLK), 1)
        s_ref[...] = jnp.where(lane + i * _BLK < _CORPUS, s, -jnp.inf)


_vsc_mesh = plsc.VectorSubcoreMesh(core_axis_name="c", subcore_axis_name="s")

_sc_params = pltpu.CompilerParams()
if "needs_layout_passes" in pltpu.CompilerParams.__dataclass_fields__:
    _sc_params = dataclasses.replace(_sc_params, needs_layout_passes=False)


@functools.partial(
    pl.kernel,
    compiler_params=_sc_params,
    out_type=[
        jax.ShapeDtypeStruct((_NQ, 16), jnp.float32),
        jax.ShapeDtypeStruct((_NQ, 16), jnp.int32),
    ],
    mesh=_vsc_mesh,
    scratch_types=[
        pltpu.VMEM((_CH,), jnp.float32),
        pltpu.VMEM((_CH,), jnp.float32),
        pltpu.VMEM((16,), jnp.float32),
        pltpu.VMEM((16,), jnp.int32),
        pltpu.SemaphoreType.DMA,
        pltpu.SemaphoreType.DMA,
    ],
)
def _sc_topk(s_hbm, outs_hbm, outi_hbm, buf0, buf1, ovs, ovi, sem0, sem1):
    row = lax.axis_index("s") * 2 + lax.axis_index("c")
    bufs = (buf0, buf1)
    sems = (sem0, sem1)
    lane16 = lax.iota(jnp.int32, 16)
    neg_inf = jnp.float32(-jnp.inf)

    def copy(c, b):
        return pltpu.make_async_copy(
            s_hbm.at[row, pl.ds(c * _CH, _CH)], bufs[b], sems[b])

    copy(0, 0).start()
    copy(1, 1).start()

    def merge(carry_bs_bi, v, gbase):
        bs, bi = carry_bs_bi
        idx = jnp.full((16,), gbase, jnp.int32) + lane16
        sv, si = plsc.sort_key_val(v, idx, descending=True)
        rs = lax.rev(sv, (0,))
        ri = lax.rev(si, (0,))
        take = bs >= rs
        ck = jnp.where(take, bs, rs)
        ci = jnp.where(take, bi, ri)
        return plsc.sort_key_val(ck, ci, descending=True)

    def make_group_body(b, base0):
        def group_body(g, carry):
            best_s, best_i, th = carry
            base = g * (16 * _GRP)
            v = [bufs[b][pl.ds(base + 16 * j, 16)] for j in range(_GRP)]
            m01 = jnp.maximum(v[0], v[1])
            m23 = jnp.maximum(v[2], v[3])
            m45 = jnp.maximum(v[4], v[5])
            m67 = jnp.maximum(v[6], v[7])
            m = jnp.maximum(jnp.maximum(m01, m23), jnp.maximum(m45, m67))
            gm = jnp.max(m)

            def slow():
                bsbi = (best_s, best_i)
                for j in range(_GRP):
                    bsbi = merge(bsbi, v[j], base0 + base + 16 * j)
                nbs, nbi = bsbi
                nth = jnp.max(jnp.where(lane16 == _K - 1, nbs, neg_inf))
                return nbs, nbi, nth

            return lax.cond(gm > th, slow, lambda: carry)

        return group_body

    carry = (
        jnp.full((16,), -jnp.inf, jnp.float32),
        jnp.zeros((16,), jnp.int32),
        neg_inf,
    )
    for c in range(_NCH):
        b = c % 2
        copy(c, b).wait()
        carry = lax.fori_loop(0, _NGRP, make_group_body(b, c * _CH), carry)
        if c + 2 < _NCH:
            copy(c + 2, b).start()

    best_s, best_i, _ = carry
    ovs[...] = best_s
    ovi[...] = best_i
    pltpu.sync_copy(ovs, outs_hbm.at[row])
    pltpu.sync_copy(ovi, outi_hbm.at[row])


@jax.jit
def kernel(queries, keys):
    qn = queries / jnp.clip(
        jnp.linalg.norm(queries, axis=1, keepdims=True), 1e-12, None
    )
    scores = pl.pallas_call(
        _score_kernel,
        grid=(_NB,),
        in_specs=[
            pl.BlockSpec((_NQ, _EMBED), lambda i: (0, 0)),
            pl.BlockSpec((_BLK, _EMBED), lambda i: (i, 0)),
        ],
        out_specs=pl.BlockSpec((_NQ, _BLK), lambda i: (0, i)),
        out_shape=jax.ShapeDtypeStruct((_NQ, _PAD), jnp.float32),
    )(qn.astype(jnp.bfloat16), keys)
    outs16, outi16 = _sc_topk(scores)
    return outs16[:, :_K], outi16[:, :_K]

# --- scband reference (transcript-rebuilt; emitter-appended) ---
"""Pipeline reference for scband-micro-retriever-57226144252178 (READ-ONLY COPY).

The authoritative reference and input builder live on the scoring server;
editing this copy changes nothing except your own understanding.
"""

import jax, jax.numpy as jnp
import numpy as np

EMBED_DIM = 384
NUM_RETRIEVED = 8
NUM_QUERIES = 32
CORPUS_SIZE = 100000


def setup_inputs(seed: int = 0) -> dict:
    key = jax.random.key(seed)
    k1, k2 = jax.random.split(key)
    queries = jax.random.normal(k1, (NUM_QUERIES, EMBED_DIM), dtype=jnp.float32)
    keys = jax.random.normal(k2, (CORPUS_SIZE, EMBED_DIM), dtype=jnp.float32)
    return {"queries": queries, "keys": keys}


def reference(queries, keys):
    # Faithful to DocumentIndex: both corpus docs and queries are L2-normalized
    # (F.normalize(p=2, dim=1)) and searched with IndexFlatIP (exact inner product),
    # returning top-k (num_retrieved) scores and document indices.
    q = queries / jnp.clip(jnp.linalg.norm(queries, axis=1, keepdims=True), 1e-12, None)
    k = keys / jnp.clip(jnp.linalg.norm(keys, axis=1, keepdims=True), 1e-12, None)
    scores = jnp.dot(q, k.T)  # [Q, K] inner-product similarity
    topk_scores, topk_indices = jax.lax.top_k(scores, NUM_RETRIEVED)
    return topk_scores, topk_indices

if __name__ == "__main__":
    import jax
    _d = setup_inputs()
    print(jax.jit(kernel)(*tuple(_d.values())))

</pallas_src>

<mosaic_0001>
#map = affine_map<(d0, d1) -> (0, 0)>
module attributes {stable_mosaic.version = 14 : i64} {
  func.func @_sc_topk(%arg0: i32, %arg1: i32, %arg2: memref<32x102400xf32, #tpu.memory_space<hbm>>, %arg3: memref<32x16xf32, #tpu.memory_space<hbm>>, %arg4: memref<32x16xi32, #tpu.memory_space<hbm>>, %arg5: memref<12800xf32, #tpu.memory_space<vmem>>, %arg6: memref<12800xf32, #tpu.memory_space<vmem>>, %arg7: memref<16xf32, #tpu.memory_space<vmem>>, %arg8: memref<16xi32, #tpu.memory_space<vmem>>, %arg9: memref<!tpu.dma_semaphore, #tpu.memory_space<semaphore_mem>>, %arg10: memref<!tpu.dma_semaphore, #tpu.memory_space<semaphore_mem>>) attributes {dimension_semantics = [#tpu.dimension_semantics<core_parallel>, #tpu.dimension_semantics<subcore_parallel>], iteration_bounds = array<i64: 2, 16>, scalar_prefetch = 0 : i64, scratch_operands = 6 : i64, tpu.core_type = #tpu.core_type<sc_vector_subcore>, window_params = [{transform_indices = #map}, {transform_indices = #map}, {transform_indices = #map}]} {
    %mul3A = arith.constant 2 : i32
    %mul3A_0 = arith.muli %arg1, %mul3A : i32
    %add3A = arith.addi %mul3A_0, %arg0 : i32
    %iota3A = tpu.iota {dimensions = array<i32: 0>} : vector<16xi32>
    %dma_start3A = arith.constant 0 : i32
    %dma_start3A_1 = tpu.memref_slice %arg2[%add3A, %dma_start3A] : memref<32x102400xf32, #tpu.memory_space<hbm>> -> memref<1x12800xf32, #tpu.memory_space<hbm>>
    %dma_start3A_2 = tpu.memref_squeeze %dma_start3A_1 : memref<1x12800xf32, #tpu.memory_space<hbm>> -> memref<12800xf32, #tpu.memory_space<hbm>>
    %dma_start3A_3 = arith.constant 0 : i32
    %dma_start3A_4 = tpu.memref_slice %arg2[%add3A, %dma_start3A_3] : memref<32x102400xf32, #tpu.memory_space<hbm>> -> memref<1x12800xf32, #tpu.memory_space<hbm>>
    %dma_start3A_5 = tpu.memref_squeeze %dma_start3A_4 : memref<1x12800xf32, #tpu.memory_space<hbm>> -> memref<12800xf32, #tpu.memory_space<hbm>>
    tpu.enqueue_dma source(%dma_start3A_5 : memref<12800xf32, #tpu.memory_space<hbm>>) target(%arg5 : memref<12800xf32, #tpu.memory_space<vmem>>) target_semaphore(%arg9 : memref<!tpu.dma_semaphore, #tpu.memory_space<semaphore_mem>>)
    %dma_start3A_6 = arith.constant 12800 : i32
    %dma_start3A_7 = tpu.memref_slice %arg2[%add3A, %dma_start3A_6] : memref<32x102400xf32, #tpu.memory_space<hbm>> -> memref<1x12800xf32, #tpu.memory_space<hbm>>
    %dma_start3A_8 = tpu.memref_squeeze %dma_start3A_7 : memref<1x12800xf32, #tpu.memory_space<hbm>> -> memref<12800xf32, #tpu.memory_space<hbm>>
    %dma_start3A_9 = arith.constant 12800 : i32
    %dma_start3A_10 = tpu.memref_slice %arg2[%add3A, %dma_start3A_9] : memref<32x102400xf32, #tpu.memory_space<hbm>> -> memref<1x12800xf32, #tpu.memory_space<hbm>>
    %dma_start3A_11 = tpu.memref_squeeze %dma_start3A_10 : memref<1x12800xf32, #tpu.memory_space<hbm>> -> memref<12800xf32, #tpu.memory_space<hbm>>
    tpu.enqueue_dma source(%dma_start3A_11 : memref<12800xf32, #tpu.memory_space<hbm>>) target(%arg6 : memref<12800xf32, #tpu.memory_space<vmem>>) target_semaphore(%arg10 : memref<!tpu.dma_semaphore, #tpu.memory_space<semaphore_mem>>)
    %broadcast_in_dim3A = arith.constant 0xFF800000 : f32
    %broadcast_in_dim3A_12 = vector.broadcast %broadcast_in_dim3A : f32 to vector<16xf32>
    %broadcast_in_dim3A_13 = arith.constant 0 : i32
    %broadcast_in_dim3A_14 = vector.broadcast %broadcast_in_dim3A_13 : i32 to vector<16xi32>
    %dma_wait3A = arith.constant 0 : i32
    %dma_wait3A_15 = tpu.memref_slice %arg2[%add3A, %dma_wait3A] : memref<32x102400xf32, #tpu.memory_space<hbm>> -> memref<1x12800xf32, #tpu.memory_space<hbm>>
    %dma_wait3A_16 = tpu.memref_squeeze %dma_wait3A_15 : memref<1x12800xf32, #tpu.memory_space<hbm>> -> memref<12800xf32, #tpu.memory_space<hbm>>
    %dma_wait3A_17 = arith.constant 0 : i32
    %dma_wait3A_18 = tpu.memref_slice %arg2[%add3A, %dma_wait3A_17] : memref<32x102400xf32, #tpu.memory_space<hbm>> -> memref<1x12800xf32, #tpu.memory_space<hbm>>
    %dma_wait3A_19 = tpu.memref_squeeze %dma_wait3A_18 : memref<1x12800xf32, #tpu.memory_space<hbm>> -> memref<12800xf32, #tpu.memory_space<hbm>>
    tpu.wait_dma2 semaphore(%arg9 : memref<!tpu.dma_semaphore, #tpu.memory_space<semaphore_mem>>) src(%dma_wait3A_19 : memref<12800xf32, #tpu.memory_space<hbm>>) dst(%arg5 : memref<12800xf32, #tpu.memory_space<vmem>>)
    %scan3A = arith.constant 0xFF800000 : f32
    %scan3A_20 = arith.constant 0xFF800000 : f32
    %scan3A_21 = arith.constant 0 : i32
    %scan3A_22 = arith.constant 100 : i32
    %scan3A_23 = arith.addi %scan3A_21, %scan3A_22 : i32
    %scan3A_24 = arith.constant 1 : i32
    %scan3A_25:3 = scf.for %scan3A_157 = %scan3A_21 to %scan3A_23 step %scan3A_24 iter_args(%scan3A_158 = %broadcast_in_dim3A_12, %scan3A_159 = %broadcast_in_dim3A_14, %scan3A_160 = %scan3A_20) -> (vector<16xf32>, vector<16xi32>, f32)  : i32 {
      %mul3A_161 = arith.constant 128 : i32
      %mul3A_162 = arith.muli %scan3A_157, %mul3A_161 : i32
      %add3A_163 = arith.constant 0 : i32
      %add3A_164 = arith.addi %mul3A_162, %add3A_163 : i32
      %get3A = arith.index_cast %add3A_164 : i32 to index
      %get3A_165 = tpu.vector_load %arg5[%get3A] {strides = array<i32>} : memref<12800xf32, #tpu.memory_space<vmem>>, vector<16xf32>,
      %add3A_166 = arith.constant 16 : i32
      %add3A_167 = arith.addi %mul3A_162, %add3A_166 : i32
      %get3A_168 = arith.index_cast %add3A_167 : i32 to index
      %get3A_169 = tpu.vector_load %arg5[%get3A_168] {strides = array<i32>} : memref<12800xf32, #tpu.memory_space<vmem>>, vector<16xf32>,
      %add3A_170 = arith.constant 32 : i32
      %add3A_171 = arith.addi %mul3A_162, %add3A_170 : i32
      %get3A_172 = arith.index_cast %add3A_171 : i32 to index
      %get3A_173 = tpu.vector_load %arg5[%get3A_172] {strides = array<i32>} : memref<12800xf32, #tpu.memory_space<vmem>>, vector<16xf32>,
      %add3A_174 = arith.constant 48 : i32
      %add3A_175 = arith.addi %mul3A_162, %add3A_174 : i32
      %get3A_176 = arith.index_cast %add3A_175 : i32 to index
      %get3A_177 = tpu.vector_load %arg5[%get3A_176] {strides = array<i32>} : memref<12800xf32, #tpu.memory_space<vmem>>, vector<16xf32>,
      %add3A_178 = arith.constant 64 : i32
      %add3A_179 = arith.addi %mul3A_162, %add3A_178 : i32
      %get3A_180 = arith.index_cast %add3A_179 : i32 to index
      %get3A_181 = tpu.vector_load %arg5[%get3A_180] {strides = array<i32>} : memref<12800xf32, #tpu.memory_space<vmem>>, vector<16xf32>,
      %add3A_182 = arith.constant 80 : i32
      %add3A_183 = arith.addi %mul3A_162, %add3A_182 : i32
      %get3A_184 = arith.index_cast %add3A_183 : i32 to index
      %get3A_185 = tpu.vector_load %arg5[%get3A_184] {strides = array<i32>} : memref<12800xf32, #tpu.memory_space<vmem>>, vector<16xf32>,
      %add3A_186 = arith.constant 96 : i32
      %add3A_187 = arith.addi %mul3A_162, %add3A_186 : i32
      %get3A_188 = arith.index_cast %add3A_187 : i32 to index
      %get3A_189 = tpu.vector_load %arg5[%get3A_188] {strides = array<i32>} : memref<12800xf32, #tpu.memory_space<vmem>>, vector<16xf32>,
      %add3A_190 = arith.constant 112 : i32
      %add3A_191 = arith.addi %mul3A_162, %add3A_190 : i32
      %get3A_192 = arith.index_cast %add3A_191 : i32 to index
      %get3A_193 = tpu.vector_load %arg5[%get3A_192] {strides = array<i32>} : memref<12800xf32, #tpu.memory_space<vmem>>, vector<16xf32>,
      %max3A = arith.maximumf %get3A_165, %get3A_169 : vector<16xf32>
      %max3A_194 = arith.maximumf %get3A_173, %get3A_177 : vector<16xf32>
      %max3A_195 = arith.maximumf %get3A_181, %get3A_185 : vector<16xf32>
      %max3A_196 = arith.maximumf %get3A_189, %get3A_193 : vector<16xf32>
      %max3A_197 = arith.maximumf %max3A, %max3A_194 : vector<16xf32>
      %max3A_198 = arith.maximumf %max3A_195, %max3A_196 : vector<16xf32>
      %max3A_199 = arith.maximumf %max3A_197, %max3A_198 : vector<16xf32>
      %reduce_max3A = arith.constant true
      %reduce_max3A_200 = vector.broadcast %reduce_max3A : i1 to vector<16xi1>
      %reduce_max3A_201 = tpu.scan <max>, %max3A_199 masked %reduce_max3A_200 : vector<16xf32>, vector<16xi1> -> vector<16xf32>
      %reduce_max3A_202 = vector.extract %reduce_max3A_201[15] : f32 from vector<16xf32>
      %gt3A = arith.cmpf ogt, %reduce_max3A_202, %scan3A_160 : f32
      %convert_element_type3A = arith.extui %gt3A : i1 to i32
      %cond3A = arith.constant 0 : i32
      %cond3A_203 = arith.cmpi ne, %convert_element_type3A, %cond3A : i32
      %cond3A_204:3 = scf.if %cond3A_203 -> (vector<16xf32>, vector<16xi32>, f32) {
        %add3A_205 = arith.constant 0 : i32
        %add3A_206 = arith.addi %add3A_205, %mul3A_162 : i32
        %add3A_207 = arith.constant 0 : i32
        %add3A_208 = arith.addi %add3A_206, %add3A_207 : i32
        %broadcast_in_dim3A_209 = vector.broadcast %add3A_208 : i32 to vector<16xi32>
        %add3A_210 = arith.addi %broadcast_in_dim3A_209, %iota3A : vector<16xi32>
        %masked_sort3A = arith.constant dense<true> : vector<16xi1>
        %masked_sort3A_211, %masked_sort3A_212, %masked_sort3A_213 = tpu.sort %get3A_165, %add3A_210 masked %masked_sort3A {descending = true} : (vector<16xf32>, vector<16xi32>, vector<16xi1>) -> (vector<16xi1>, vector<16xf32>, vector<16xi32>)
        %rev3A = arith.constant 15 : i32
        %rev3A_214 = vector.broadcast %rev3A : i32 to vector<16xi32>
        %rev3A_215 = tpu.iota {dimensions = array<i32: 0>} : vector<16xi32>
        %rev3A_216 = arith.subi %rev3A_214, %rev3A_215 : vector<16xi32>
        %rev3A_217 = tpu.dynamic_gather %masked_sort3A_212[%rev3A_216] in [0] : vector<16xf32>, vector<16xi32> -> vector<16xf32>
        %rev3A_218 = arith.constant 15 : i32
        %rev3A_219 = vector.broadcast %rev3A_218 : i32 to vector<16xi32>
        %rev3A_220 = tpu.iota {dimensions = array<i32: 0>} : vector<16xi32>
        %rev3A_221 = arith.subi %rev3A_219, %rev3A_220 : vector<16xi32>
        %rev3A_222 = tpu.dynamic_gather %masked_sort3A_213[%rev3A_221] in [0] : vector<16xi32>, vector<16xi32> -> vector<16xi32>
        %ge3A = arith.cmpf oge, %scan3A_158, %rev3A_217 : vector<16xf32>
        %select_n3A = arith.select %ge3A, %scan3A_158, %rev3A_217 : vector<16xi1>, vector<16xf32>
        %select_n3A_223 = arith.select %ge3A, %scan3A_159, %rev3A_222 : vector<16xi1>, vector<16xi32>
        %masked_sort3A_224 = arith.constant dense<true> : vector<16xi1>
        %masked_sort3A_225, %masked_sort3A_226, %masked_sort3A_227 = tpu.sort %select_n3A, %select_n3A_223 masked %masked_sort3A_224 {descending = true} : (vector<16xf32>, vector<16xi32>, vector<16xi1>) -> (vector<16xi1>, vector<16xf32>, vector<16xi32>)
        %add3A_228 = arith.constant 0 : i32
        %add3A_229 = arith.addi %add3A_228, %mul3A_162 : i32
        %add3A_230 = arith.constant 16 : i32
        %add3A_231 = arith.addi %add3A_229, %add3A_230 : i32
        %broadcast_in_dim3A_232 = vector.broadcast %add3A_231 : i32 to vector<16xi32>
        %add3A_233 = arith.addi %broadcast_in_dim3A_232, %iota3A : vector<16xi32>
        %masked_sort3A_234 = arith.constant dense<true> : vector<16xi1>
        %masked_sort3A_235, %masked_sort3A_236, %masked_sort3A_237 = tpu.sort %get3A_169, %add3A_233 masked %masked_sort3A_234 {descending = true} : (vector<16xf32>, vector<16xi32>, vector<16xi1>) -> (vector<16xi1>, vector<16xf32>, vector<16xi32>)
        %rev3A_238 = arith.constant 15 : i32
        %rev3A_239 = vector.broadcast %rev3A_238 : i32 to vector<16xi32>
        %rev3A_240 = tpu.iota {dimensions = array<i32: 0>} : vector<16xi32>
        %rev3A_241 = arith.subi %rev3A_239, %rev3A_240 : vector<16xi32>
        %rev3A_242 = tpu.dynamic_gather %masked_sort3A_236[%rev3A_241] in [0] : vector<16xf32>, vector<16xi32> -> vector<16xf32>
        %rev3A_243 = arith.constant 15 : i32
        %rev3A_244 = vector.broadcast %rev3A_243 : i32 to vector<16xi32>
        %rev3A_245 = tpu.iota {dimensions = array<i32: 0>} : vector<16xi32>
        %rev3A_246 = arith.subi %rev3A_244, %rev3A_245 : vector<16xi32>
        %rev3A_247 = tpu.dynamic_gather %masked_sort3A_237[%rev3A_246] in [0] : vector<16xi32>, vector<16xi32> -> vector<16xi32>
        %ge3A_248 = arith.cmpf oge, %masked_sort3A_226, %rev3A_242 : vector<16xf32>
        %select_n3A_249 = arith.select %ge3A_248, %masked_sort3A_226, %rev3A_242 : vector<16xi1>, vector<16xf32>
        %select_n3A_250 = arith.select %ge3A_248, %masked_sort3A_227, %rev3A_247 : vector<16xi1>, vector<16xi32>
        %masked_sort3A_251 = arith.constant dense<true> : vector<16xi1>
        %masked_sort3A_252, %masked_sort3A_253, %masked_sort3A_254 = tpu.sort %select_n3A_249, %select_n3A_250 masked %masked_sort3A_251 {descending = true} : (vector<16xf32>, vector<16xi32>, vector<16xi1>) -> (vector<16xi1>, vector<16xf32>, vector<16xi32>)
        %add3A_255 = arith.constant 0 : i32
        %add3A_256 = arith.addi %add3A_255, %mul3A_162 : i32
        %add3A_257 = arith.constant 32 : i32
        %add3A_258 = arith.addi %add3A_256, %add3A_257 : i32
        %broadcast_in_dim3A_259 = vector.broadcast %add3A_258 : i32 to vector<16xi32>
        %add3A_260 = arith.addi %broadcast_in_dim3A_259, %iota3A : vector<16xi32>
        %masked_sort3A_261 = arith.constant dense<true> : vector<16xi1>
        %masked_sort3A_262, %masked_sort3A_263, %masked_sort3A_264 = tpu.sort %get3A_173, %add3A_260 masked %masked_sort3A_261 {descending = true} : (vector<16xf32>, vector<16xi32>, vector<16xi1>) -> (vector<16xi1>, vector<16xf32>, vector<16xi32>)
        %rev3A_265 = arith.constant 15 : i32
        %rev3A_266 = vector.broadcast %rev3A_265 : i32 to vector<16xi32>
        %rev3A_267 = tpu.iota {dimensions = array<i32: 0>} : vector<16xi32>
        %rev3A_268 = arith.subi %rev3A_266, %rev3A_267 : vector<16xi32>
        %rev3A_269 = tpu.dynamic_gather %masked_sort3A_263[%rev3A_268] in [0] : vector<16xf32>, vector<16xi32> -> vector<16xf32>
        %rev3A_270 = arith.constant 15 : i32
        %rev3A_271 = vector.broadcast %rev3A_270 : i32 to vector<16xi32>
        %rev3A_272 = tpu.iota {dimensions = array<i32: 0>} : vector<16xi32>
        %rev3A_273 = arith.subi %rev3A_271, %rev3A_272 : vector<16xi32>
        %rev3A_274 = tpu.dynamic_gather %masked_sort3A_264[%rev3A_273] in [0] : vector<16xi32>, vector<16xi32> -> vector<16xi32>
        %ge3A_275 = arith.cmpf oge, %masked_sort3A_253, %rev3A_269 : vector<16xf32>
        %select_n3A_276 = arith.select %ge3A_275, %masked_sort3A_253, %rev3A_269 : vector<16xi1>, vector<16xf32>
        %select_n3A_277 = arith.select %ge3A_275, %masked_sort3A_254, %rev3A_274 : vector<16xi1>, vector<16xi32>
        %masked_sort3A_278 = arith.constant dense<true> : vector<16xi1>
        %masked_sort3A_279, %masked_sort3A_280, %masked_sort3A_281 = tpu.sort %select_n3A_276, %select_n3A_277 masked %masked_sort3A_278 {descending = true} : (vector<16xf32>, vector<16xi32>, vector<16xi1>) -> (vector<16xi1>, vector<16xf32>, vector<16xi32>)
        %add3A_282 = arith.constant 0 : i32
        %add3A_283 = arith.addi %add3A_282, %mul3A_162 : i32
        %add3A_284 = arith.constant 48 : i32
        %add3A_285 = arith.addi %add3A_283, %add3A_284 : i32
        %broadcast_in_dim3A_286 = vector.broadcast %add3A_285 : i32 to vector<16xi32>
        %add3A_287 = arith.addi %broadcast_in_dim3A_286, %iota3A : vector<16xi32>
        %masked_sort3A_288 = arith.constant dense<true> : vector<16xi1>
        %masked_sort3A_289, %masked_sort3A_290, %masked_sort3A_291 = tpu.sort %get3A_177, %add3A_287 masked %masked_sort3A_288 {descending = true} : (vector<16xf32>, vector<16xi32>, vector<16xi1>) -> (vector<16xi1>, vector<16xf32>, vector<16xi32>)
        %rev3A_292 = arith.constant 15 : i32
        %rev3A_293 = vector.broadcast %rev3A_292 : i32 to vector<16xi32>
        %rev3A_294 = tpu.iota {dimensions = array<i32: 0>} : vector<16xi32>
        %rev3A_295 = arith.subi %rev3A_293, %rev3A_294 : vector<16xi32>
        %rev3A_296 = tpu.dynamic_gather %masked_sort3A_290[%rev3A_295] in [0] : vector<16xf32>, vector<16xi32> -> vector<16xf32>
        %rev3A_297 = arith.constant 15 : i32
        %rev3A_298 = vector.broadcast %rev3A_297 : i32 to vector<16xi32>
        %rev3A_299 = tpu.iota {dimensions = array<i32: 0>} : vector<16xi32>
        %rev3A_300 = arith.subi %rev3A_298, %rev3A_299 : vector<16xi32>
        %rev3A_301 = tpu.dynamic_gather %masked_sort3A_291[%rev3A_300] in [0] : vector<16xi32>, vector<16xi32> -> vector<16xi32>
        %ge3A_302 = arith.cmpf oge, %masked_sort3A_280, %rev3A_296 : vector<16xf32>
        %select_n3A_303 = arith.select %ge3A_302, %masked_sort3A_280, %rev3A_296 : vector<16xi1>, vector<16xf32>
        %select_n3A_304 = arith.select %ge3A_302, %masked_sort3A_281, %rev3A_301 : vector<16xi1>, vector<16xi32>
        %masked_sort3A_305 = arith.constant dense<true> : vector<16xi1>
        %masked_sort3A_306, %masked_sort3A_307, %masked_sort3A_308 = tpu.sort %select_n3A_303, %select_n3A_304 masked %masked_sort3A_305 {descending = true} : (vector<16xf32>, vector<16xi32>, vector<16xi1>) -> (vector<16xi1>, vector<16xf32>, vector<16xi32>)
        %add3A_309 = arith.constant 0 : i32
        %add3A_310 = arith.addi %add3A_309, %mul3A_162 : i32
        %add3A_311 = arith.constant 64 : i32
        %add3A_312 = arith.addi %add3A_310, %add3A_311 : i32
        %broadcast_in_dim3A_313 = vector.broadcast %add3A_312 : i32 to vector<16xi32>
        %add3A_314 = arith.addi %broadcast_in_dim3A_313, %iota3A : vector<16xi32>
        %masked_sort3A_315 = arith.constant dense<true> : vector<16xi1>
        %masked_sort3A_316, %masked_sort3A_317, %masked_sort3A_318 = tpu.sort %get3A_181, %add3A_314 masked %masked_sort3A_315 {descending = true} : (vector<16xf32>, vector<16xi32>, vector<16xi1>) -> (vector<16xi1>, vector<16xf32>, vector<16xi32>)
        %rev3A_319 = arith.constant 15 : i32
        %rev3A_320 = vector.broadcast %rev3A_319 : i32 to vector<16xi32>
        %rev3A_321 = tpu.iota {dimensions = array<i32: 0>} : vector<16xi32>
        %rev3A_322 = arith.subi %rev3A_320, %rev3A_321 : vector<16xi32>
        %rev3A_323 = tpu.dynamic_gather %masked_sort3A_317[%rev3A_322] in [0] : vector<16xf32>, vector<16xi32> -> vector<16xf32>
        %rev3A_324 = arith.constant 15 : i32
        %rev3A_325 = vector.broadcast %rev3A_324 : i32 to vector<16xi32>
        %rev3A_326 = tpu.iota {dimensions = array<i32: 0>} : vector<16xi32>
        %rev3A_327 = arith.subi %rev3A_325, %rev3A_326 : vector<16xi32>
        %rev3A_328 = tpu.dynamic_gather %masked_sort3A_318[%rev3A_327] in [0] : vector<16xi32>, vector<16xi32> -> vector<16xi32>
        %ge3A_329 = arith.cmpf oge, %masked_sort3A_307, %rev3A_323 : vector<16xf32>
        %select_n3A_330 = arith.select %ge3A_329, %masked_sort3A_307, %rev3A_323 : vector<16xi1>, vector<16xf32>
        %select_n3A_331 = arith.select %ge3A_329, %masked_sort3A_308, %rev3A_328 : vector<16xi1>, vector<16xi32>
        %masked_sort3A_332 = arith.constant dense<true> : vector<16xi1>
        %masked_sort3A_333, %masked_sort3A_334, %masked_sort3A_335 = tpu.sort %select_n3A_330, %select_n3A_331 masked %masked_sort3A_332 {descending = true} : (vector<16xf32>, vector<16xi32>, vector<16xi1>) -> (vector<16xi1>, vector<16xf32>, vector<16xi32>)
        %add3A_336 = arith.constant 0 : i32
        %add3A_337 = arith.addi %add3A_336, %mul3A_162 : i32
        %add3A_338 = arith.constant 80 : i32
        %add3A_339 = arith.addi %add3A_337, %add3A_338 : i32
        %broadcast_in_dim3A_340 = vector.broadcast %add3A_339 : i32 to vector<16xi32>
        %add3A_341 = arith.addi %broadcast_in_dim3A_340, %iota3A : vector<16xi32>
        %masked_sort3A_342 = arith.constant dense<true> : vector<16xi1>
        %masked_sort3A_343, %masked_sort3A_344, %masked_sort3A_345 = tpu.sort %get3A_185, %add3A_341 masked %masked_sort3A_342 {descending = true} : (vector<16xf32>, vector<16xi32>, vector<16xi1>) -> (vector<16xi1>, vector<16xf32>, vector<16xi32>)
        %rev3A_346 = arith.constant 15 : i32
        %rev3A_347 = vector.broadcast %rev3A_346 : i32 to vector<16xi32>
        %rev3A_348 = tpu.iota {dimensions = array<i32: 0>} : vector<16xi32>
        %rev3A_349 = arith.subi %rev3A_347, %rev3A_348 : vector<16xi32>
        %rev3A_350 = tpu.dynamic_gather %masked_sort3A_344[%rev3A_349] in [0] : vector<16xf32>, vector<16xi32> -> vector<16xf32>
        %rev3A_351 = arith.constant 15 : i32
        %rev3A_352 = vector.broadcast %rev3A_351 : i32 to vector<16xi32>
        %rev3A_353 = tpu.iota {dimensions = array<i32: 0>} : vector<16xi32>
        %rev3A_354 = arith.subi %rev3A_352, %rev3A_353 : vector<16xi32>
        %rev3A_355 = tpu.dynamic_gather %masked_sort3A_345[%rev3A_354] in [0] : vector<16xi32>, vector<16xi32> -> vector<16xi32>
        %ge3A_356 = arith.cmpf oge, %masked_sort3A_334, %rev3A_350 : vector<16xf32>
        %select_n3A_357 = arith.select %ge3A_356, %masked_sort3A_334, %rev3A_350 : vector<16xi1>, vector<16xf32>
        %select_n3A_358 = arith.select %ge3A_356, %masked_sort3A_335, %rev3A_355 : vector<16xi1>, vector<16xi32>
        %masked_sort3A_359 = arith.constant dense<true> : vector<16xi1>
        %masked_sort3A_360, %masked_sort3A_361, %masked_sort3A_362 = tpu.sort %select_n3A_357, %select_n3A_358 masked %masked_sort3A_359 {descending = true} : (vector<16xf32>, vector<16xi32>, vector<16xi1>) -> (vector<16xi1>, vector<16xf32>, vector<16xi32>)
        %add3A_363 = arith.constant 0 : i32
        %add3A_364 = arith.addi %add3A_363, %mul3A_162 : i32
        %add3A_365 = arith.constant 96 : i32
        %add3A_366 = arith.addi %add3A_364, %add3A_365 : i32
        %broadcast_in_dim3A_367 = vector.broadcast %add3A_366 : i32 to vector<16xi32>
        %add3A_368 = arith.addi %broadcast_in_dim3A_367, %iota3A : vector<16xi32>
        %masked_sort3A_369 = arith.constant dense<true> : vector<16xi1>
        %masked_sort3A_370, %masked_sort3A_371, %masked_sort3A_372 = tpu.sort %get3A_189, %add3A_368 masked %masked_sort3A_369 {descending = true} : (vector<16xf32>, vector<16xi32>, vector<16xi1>) -> (vector<16xi1>, vector<16xf32>, vector<16xi32>)
        %rev3A_373 = arith.constant 15 : i32
        %rev3A_374 = vector.broadcast %rev3A_373 : i32 to vector<16xi32>
        %rev3A_375 = tpu.iota {dimensions = array<i32: 0>} : vector<16xi32>
        %rev3A_376 = arith.subi %rev3A_374, %rev3A_375 : vector<16xi32>
        %rev3A_377 = tpu.dynamic_gather %masked_sort3A_371[%rev3A_376] in [0] : vector<16xf32>, vector<16xi32> -> vector<16xf32>
        %rev3A_378 = arith.constant 15 : i32
        %rev3A_379 = vector.broadcast %rev3A_378 : i32 to vector<16xi32>
        %rev3A_380 = tpu.iota {dimensions = array<i32: 0>} : vector<16xi32>
        %rev3A_381 = arith.subi %rev3A_379, %rev3A_380 : vector<16xi32>
        %rev3A_382 = tpu.dynamic_gather %masked_sort3A_372[%rev3A_381] in [0] : vector<16xi32>, vector<16xi32> -> vector<16xi32>
        %ge3A_383 = arith.cmpf oge, %masked_sort3A_361, %rev3A_377 : vector<16xf32>
        %select_n3A_384 = arith.select %ge3A_383, %masked_sort3A_361, %rev3A_377 : vector<16xi1>, vector<16xf32>
        %select_n3A_385 = arith.select %ge3A_383, %masked_sort3A_362, %rev3A_382 : vector<16xi1>, vector<16xi32>
        %masked_sort3A_386 = arith.constant dense<true> : vector<16xi1>
        %masked_sort3A_387, %masked_sort3A_388, %masked_sort3A_389 = tpu.sort %select_n3A_384, %select_n3A_385 masked %masked_sort3A_386 {descending = true} : (vector<16xf32>, vector<16xi32>, vector<16xi1>) -> (vector<16xi1>, vector<16xf32>, vector<16xi32>)
        %add3A_390 = arith.constant 0 : i32
        %add3A_391 = arith.addi %add3A_390, %mul3A_162 : i32
        %add3A_392 = arith.constant 112 : i32
        %add3A_393 = arith.addi %add3A_391, %add3A_392 : i32
        %broadcast_in_dim3A_394 = vector.broadcast %add3A_393 : i32 to vector<16xi32>
        %add3A_395 = arith.addi %broadcast_in_dim3A_394, %iota3A : vector<16xi32>
        %masked_sort3A_396 = arith.constant dense<true> : vector<16xi1>
        %masked_sort3A_397, %masked_sort3A_398, %masked_sort3A_399 = tpu.sort %get3A_193, %add3A_395 masked %masked_sort3A_396 {descending = true} : (vector<16xf32>, vector<16xi32>, vector<16xi1>) -> (vector<16xi1>, vector<16xf32>, vector<16xi32>)
        %rev3A_400 = arith.constant 15 : i32
        %rev3A_401 = vector.broadcast %rev3A_400 : i32 to vector<16xi32>
        %rev3A_402 = tpu.iota {dimensions = array<i32: 0>} : vector<16xi32>
        %rev3A_403 = arith.subi %rev3A_401, %rev3A_402 : vector<16xi32>
        %rev3A_404 = tpu.dynamic_gather %masked_sort3A_398[%rev3A_403] in [0] : vector<16xf32>, vector<16xi32> -> vector<16xf32>
        %rev3A_405 = arith.constant 15 : i32
        %rev3A_406 = vector.broadcast %rev3A_405 : i32 to vector<16xi32>
        %rev3A_407 = tpu.iota {dimensions = array<i32: 0>} : vector<16xi32>
        %rev3A_408 = arith.subi %rev3A_406, %rev3A_407 : vector<16xi32>
        %rev3A_409 = tpu.dynamic_gather %masked_sort3A_399[%rev3A_408] in [0] : vector<16xi32>, vector<16xi32> -> vector<16xi32>
        %ge3A_410 = arith.cmpf oge, %masked_sort3A_388, %rev3A_404 : vector<16xf32>
        %select_n3A_411 = arith.select %ge3A_410, %masked_sort3A_388, %rev3A_404 : vector<16xi1>, vector<16xf32>
        %select_n3A_412 = arith.select %ge3A_410, %masked_sort3A_389, %rev3A_409 : vector<16xi1>, vector<16xi32>
        %masked_sort3A_413 = arith.constant dense<true> : vector<16xi1>
        %masked_sort3A_414, %masked_sort3A_415, %masked_sort3A_416 = tpu.sort %select_n3A_411, %select_n3A_412 masked %masked_sort3A_413 {descending = true} : (vector<16xf32>, vector<16xi32>, vector<16xi1>) -> (vector<16xi1>, vector<16xf32>, vector<16xi32>)
        %eq3A = arith.constant 7 : i32
        %eq3A_417 = vector.broadcast %eq3A : i32 to vector<16xi32>
        %eq3A_418 = arith.cmpi eq, %iota3A, %eq3A_417 : vector<16xi32>
        %broadcast_in_dim3A_419 = vector.broadcast %scan3A : f32 to vector<16xf32>
        %select_n3A_420 = arith.select %eq3A_418, %masked_sort3A_415, %broadcast_in_dim3A_419 : vector<16xi1>, vector<16xf32>
        %reduce_max3A_421 = arith.constant true
        %reduce_max3A_422 = vector.broadcast %reduce_max3A_421 : i1 to vector<16xi1>
        %reduce_max3A_423 = tpu.scan <max>, %select_n3A_420 masked %reduce_max3A_422 : vector<16xf32>, vector<16xi1> -> vector<16xf32>
        %reduce_max3A_424 = vector.extract %reduce_max3A_423[15] : f32 from vector<16xf32>
        scf.yield %masked_sort3A_415, %masked_sort3A_416, %reduce_max3A_424 : vector<16xf32>, vector<16xi32>, f32
      } else {
        scf.yield %scan3A_158, %scan3A_159, %scan3A_160 : vector<16xf32>, vector<16xi32>, f32
      }
      scf.yield %cond3A_204#0, %cond3A_204#1, %cond3A_204#2 : vector<16xf32>, vector<16xi32>, f32
    }
    %scan3A_26 = arith.constant 100 : i32
    %dma_start3A_27 = arith.constant 25600 : i32
    %dma_start3A_28 = tpu.memref_slice %arg2[%add3A, %dma_start3A_27] : memref<32x102400xf32, #tpu.memory_space<hbm>> -> memref<1x12800xf32, #tpu.memory_space<hbm>>
    %dma_start3A_29 = tpu.memref_squeeze %dma_start3A_28 : memref<1x12800xf32, #tpu.memory_space<hbm>> -> memref<12800xf32, #tpu.memory_space<hbm>>
    %dma_start3A_30 = arith.constant 25600 : i32
    %dma_start3A_31 = tpu.memref_slice %arg2[%add3A, %dma_start3A_30] : memref<32x102400xf32, #tpu.memory_space<hbm>> -> memref<1x12800xf32, #tpu.memory_space<hbm>>
    %dma_start3A_32 = tpu.memref_squeeze %dma_start3A_31 : memref<1x12800xf32, #tpu.memory_space<hbm>> -> memref<12800xf32, #tpu.memory_space<hbm>>
    tpu.enqueue_dma source(%dma_start3A_32 : memref<12800xf32, #tpu.memory_space<hbm>>) target(%arg5 : memref<12800xf32, #tpu.memory_space<vmem>>) target_semaphore(%arg9 : memref<!tpu.dma_semaphore, #tpu.memory_space<semaphore_mem>>)
    %dma_wait3A_33 = arith.constant 12800 : i32
    %dma_wait3A_34 = tpu.memref_slice %arg2[%add3A, %dma_wait3A_33] : memref<32x102400xf32, #tpu.memory_space<hbm>> -> memref<1x12800xf32, #tpu.memory_space<hbm>>
    %dma_wait3A_35 = tpu.memref_squeeze %dma_wait3A_34 : memref<1x12800xf32, #tpu.memory_space<hbm>> -> memref<12800xf32, #tpu.memory_space<hbm>>
    %dma_wait3A_36 = arith.constant 12800 : i32
    %dma_wait3A_37 = tpu.memref_slice %arg2[%add3A, %dma_wait3A_36] : memref<32x102400xf32, #tpu.memory_space<hbm>> -> memref<1x12800xf32, #tpu.memory_space<hbm>>
    %dma_wait3A_38 = tpu.memref_squeeze %dma_wait3A_37 : memref<1x12800xf32, #tpu.memory_space<hbm>> -> memref<12800xf32, #tpu.memory_space<hbm>>
    tpu.wait_dma2 semaphore(%arg10 : memref<!tpu.dma_semaphore, #tpu.memory_space<semaphore_mem>>) src(%dma_wait3A_38 : memref<12800xf32, #tpu.memory_space<hbm>>) dst(%arg6 : memref<12800xf32, #tpu.memory_space<vmem>>)
    %scan3A_39 = arith.constant 0xFF800000 : f32
    %scan3A_40 = arith.constant 0 : i32
    %scan3A_41 = arith.constant 100 : i32
    %scan3A_42 = arith.addi %scan3A_40, %scan3A_41 : i32
    %scan3A_43 = arith.constant 1 : i32
    %scan3A_44:3 = scf.for %scan3A_157 = %scan3A_40 to %scan3A_42 step %scan3A_43 iter_args(%scan3A_158 = %scan3A_25#0, %scan3A_159 = %scan3A_25#1, %scan3A_160 = %scan3A_25#2) -> (vector<16xf32>, vector<16xi32>, f32)  : i32 {
      %mul3A_161 = arith.constant 128 : i32
      %mul3A_162 = arith.muli %scan3A_157, %mul3A_161 : i32
      %add3A_163 = arith.constant 0 : i32
      %add3A_164 = arith.addi %mul3A_162, %add3A_163 : i32
      %get3A = arith.index_cast %add3A_164 : i32 to index
      %get3A_165 = tpu.vector_load %arg6[%get3A] {strides = array<i32>} : memref<12800xf32, #tpu.memory_space<vmem>>, vector<16xf32>,
      %add3A_166 = arith.constant 16 : i32
      %add3A_167 = arith.addi %mul3A_162, %add3A_166 : i32
      %get3A_168 = arith.index_cast %add3A_167 : i32 to index
      %get3A_169 = tpu.vector_load %arg6[%get3A_168] {strides = array<i32>} : memref<12800xf32, #tpu.memory_space<vmem>>, vector<16xf32>,
      %add3A_170 = arith.constant 32 : i32
      %add3A_171 = arith.addi %mul3A_162, %add3A_170 : i32
      %get3A_172 = arith.index_cast %add3A_171 : i32 to index
      %get3A_173 = tpu.vector_load %arg6[%get3A_172] {strides = array<i32>} : memref<12800xf32, #tpu.memory_space<vmem>>, vector<16xf32>,
      %add3A_174 = arith.constant 48 : i32
      %add3A_175 = arith.addi %mul3A_162, %add3A_174 : i32
      %get3A_176 = arith.index_cast %add3A_175 : i32 to index
      %get3A_177 = tpu.vector_load %arg6[%get3A_176] {strides = array<i32>} : memref<12800xf32, #tpu.memory_space<vmem>>, vector<16xf32>,
      %add3A_178 = arith.constant 64 : i32
      %add3A_179 = arith.addi %mul3A_162, %add3A_178 : i32
      %get3A_180 = arith.index_cast %add3A_179 : i32 to index
      %get3A_181 = tpu.vector_load %arg6[%get3A_180] {strides = array<i32>} : memref<12800xf32, #tpu.memory_space<vmem>>, vector<16xf32>,
      %add3A_182 = arith.constant 80 : i32
      %add3A_183 = arith.addi %mul3A_162, %add3A_182 : i32
      %get3A_184 = arith.index_cast %add3A_183 : i32 to index
      %get3A_185 = tpu.vector_load %arg6[%get3A_184] {strides = array<i32>} : memref<12800xf32, #tpu.memory_space<vmem>>, vector<16xf32>,
      %add3A_186 = arith.constant 96 : i32
      %add3A_187 = arith.addi %mul3A_162, %add3A_186 : i32
      %get3A_188 = arith.index_cast %add3A_187 : i32 to index
      %get3A_189 = tpu.vector_load %arg6[%get3A_188] {strides = array<i32>} : memref<12800xf32, #tpu.memory_space<vmem>>, vector<16xf32>,
      %add3A_190 = arith.constant 112 : i32
      %add3A_191 = arith.addi %mul3A_162, %add3A_190 : i32
      %get3A_192 = arith.index_cast %add3A_191 : i32 to index
      %get3A_193 = tpu.vector_load %arg6[%get3A_192] {strides = array<i32>} : memref<12800xf32, #tpu.memory_space<vmem>>, vector<16xf32>,
      %max3A = arith.maximumf %get3A_165, %get3A_169 : vector<16xf32>
      %max3A_194 = arith.maximumf %get3A_173, %get3A_177 : vector<16xf32>
      %max3A_195 = arith.maximumf %get3A_181, %get3A_185 : vector<16xf32>
      %max3A_196 = arith.maximumf %get3A_189, %get3A_193 : vector<16xf32>
      %max3A_197 = arith.maximumf %max3A, %max3A_194 : vector<16xf32>
      %max3A_198 = arith.maximumf %max3A_195, %max3A_196 : vector<16xf32>
      %max3A_199 = arith.maximumf %max3A_197, %max3A_198 : vector<16xf32>
      %reduce_max3A = arith.constant true
      %reduce_max3A_200 = vector.broadcast %reduce_max3A : i1 to vector<16xi1>
      %reduce_max3A_201 = tpu.scan <max>, %max3A_199 masked %reduce_max3A_200 : vector<16xf32>, vector<16xi1> -> vector<16xf32>
      %reduce_max3A_202 = vector.extract %reduce_max3A_201[15] : f32 from vector<16xf32>
      %gt3A = arith.cmpf ogt, %reduce_max3A_202, %scan3A_160 : f32
      %convert_element_type3A = arith.extui %gt3A : i1 to i32
      %cond3A = arith.constant 0 : i32
      %cond3A_203 = arith.cmpi ne, %convert_element_type3A, %cond3A : i32
      %cond3A_204:3 = scf.if %cond3A_203 -> (vector<16xf32>, vector<16xi32>, f32) {
        %add3A_205 = arith.constant 12800 : i32
        %add3A_206 = arith.addi %add3A_205, %mul3A_162 : i32
        %add3A_207 = arith.constant 0 : i32
        %add3A_208 = arith.addi %add3A_206, %add3A_207 : i32
        %broadcast_in_dim3A_209 = vector.broadcast %add3A_208 : i32 to vector<16xi32>
        %add3A_210 = arith.addi %broadcast_in_dim3A_209, %iota3A : vector<16xi32>
        %masked_sort3A = arith.constant dense<true> : vector<16xi1>
        %masked_sort3A_211, %masked_sort3A_212, %masked_sort3A_213 = tpu.sort %get3A_165, %add3A_210 masked %masked_sort3A {descending = true} : (vector<16xf32>, vector<16xi32>, vector<16xi1>) -> (vector<16xi1>, vector<16xf32>, vector<16xi32>)
        %rev3A = arith.constant 15 : i32
        %rev3A_214 = vector.broadcast %rev3A : i32 to vector<16xi32>
        %rev3A_215 = tpu.iota {dimensions = array<i32: 0>} : vector<16xi32>
        %rev3A_216 = arith.subi %rev3A_214, %rev3A_215 : vector<16xi32>
        %rev3A_217 = tpu.dynamic_gather %masked_sort3A_212[%rev3A_216] in [0] : vector<16xf32>, vector<16xi32> -> vector<16xf32>
        %rev3A_218 = arith.constant 15 : i32
        %rev3A_219 = vector.broadcast %rev3A_218 : i32 to vector<16xi32>
        %rev3A_220 = tpu.iota {dimensions = array<i32: 0>} : vector<16xi32>
        %rev3A_221 = arith.subi %rev3A_219, %rev3A_220 : vector<16xi32>
        %rev3A_222 = tpu.dynamic_gather %masked_sort3A_213[%rev3A_221] in [0] : vector<16xi32>, vector<16xi32> -> vector<16xi32>
        %ge3A = arith.cmpf oge, %scan3A_158, %rev3A_217 : vector<16xf32>
        %select_n3A = arith.select %ge3A, %scan3A_158, %rev3A_217 : vector<16xi1>, vector<16xf32>
        %select_n3A_223 = arith.select %ge3A, %scan3A_159, %rev3A_222 : vector<16xi1>, vector<16xi32>
        %masked_sort3A_224 = arith.constant dense<true> : vector<16xi1>
        %masked_sort3A_225, %masked_sort3A_226, %masked_sort3A_227 = tpu.sort %select_n3A, %select_n3A_223 masked %masked_sort3A_224 {descending = true} : (vector<16xf32>, vector<16xi32>, vector<16xi1>) -> (vector<16xi1>, vector<16xf32>, vector<16xi32>)
        %add3A_228 = arith.constant 12800 : i32
        %add3A_229 = arith.addi %add3A_228, %mul3A_162 : i32
        %add3A_230 = arith.constant 16 : i32
        %add3A_231 = arith.addi %add3A_229, %add3A_230 : i32
        %broadcast_in_dim3A_232 = vector.broadcast %add3A_231 : i32 to vector<16xi32>
        %add3A_233 = arith.addi %broadcast_in_dim3A_232, %iota3A : vector<16xi32>
        %masked_sort3A_234 = arith.constant dense<true> : vector<16xi1>
        %masked_sort3A_235, %masked_sort3A_236, %masked_sort3A_237 = tpu.sort %get3A_169, %add3A_233 masked %masked_sort3A_234 {descending = true} : (vector<16xf32>, vector<16xi32>, vector<16xi1>) -> (vector<16xi1>, vector<16xf32>, vector<16xi32>)
        %rev3A_238 = arith.constant 15 : i32
        %rev3A_239 = vector.broadcast %rev3A_238 : i32 to vector<16xi32>
        %rev3A_240 = tpu.iota {dimensions = array<i32: 0>} : vector<16xi32>
        %rev3A_241 = arith.subi %rev3A_239, %rev3A_240 : vector<16xi32>
        %rev3A_242 = tpu.dynamic_gather %masked_sort3A_236[%rev3A_241] in [0] : vector<16xf32>, vector<16xi32> -> vector<16xf32>
        %rev3A_243 = arith.constant 15 : i32
        %rev3A_244 = vector.broadcast %rev3A_243 : i32 to vector<16xi32>
        %rev3A_245 = tpu.iota {dimensions = array<i32: 0>} : vector<16xi32>
        %rev3A_246 = arith.subi %rev3A_244, %rev3A_245 : vector<16xi32>
        %rev3A_247 = tpu.dynamic_gather %masked_sort3A_237[%rev3A_246] in [0] : vector<16xi32>, vector<16xi32> -> vector<16xi32>
        %ge3A_248 = arith.cmpf oge, %masked_sort3A_226, %rev3A_242 : vector<16xf32>
        %select_n3A_249 = arith.select %ge3A_248, %masked_sort3A_226, %rev3A_242 : vector<16xi1>, vector<16xf32>
        %select_n3A_250 = arith.select %ge3A_248, %masked_sort3A_227, %rev3A_247 : vector<16xi1>, vector<16xi32>
        %masked_sort3A_251 = arith.constant dense<true> : vector<16xi1>
        %masked_sort3A_252, %masked_sort3A_253, %masked_sort3A_254 = tpu.sort %select_n3A_249, %select_n3A_250 masked %masked_sort3A_251 {descending = true} : (vector<16xf32>, vector<16xi32>, vector<16xi1>) -> (vector<16xi1>, vector<16xf32>, vector<16xi32>)
        %add3A_255 = arith.constant 12800 : i32
        %add3A_256 = arith.addi %add3A_255, %mul3A_162 : i32
        %add3A_257 = arith.constant 32 : i32
        %add3A_258 = arith.addi %add3A_256, %add3A_257 : i32
        %broadcast_in_dim3A_259 = vector.broadcast %add3A_258 : i32 to vector<16xi32>
        %add3A_260 = arith.addi %broadcast_in_dim3A_259, %iota3A : vector<16xi32>
        %masked_sort3A_261 = arith.constant dense<true> : vector<16xi1>
        %masked_sort3A_262, %masked_sort3A_263, %masked_sort3A_264 = tpu.sort %get3A_173, %add3A_260 masked %masked_sort3A_261 {descending = true} : (vector<16xf32>, vector<16xi32>, vector<16xi1>) -> (vector<16xi1>, vector<16xf32>, vector<16xi32>)
        %rev3A_265 = arith.constant 15 : i32
        %rev3A_266 = vector.broadcast %rev3A_265 : i32 to vector<16xi32>
        %rev3A_267 = tpu.iota {dimensions = array<i32: 0>} : vector<16xi32>
        %rev3A_268 = arith.subi %rev3A_266, %rev3A_267 : vector<16xi32>
        %rev3A_269 = tpu.dynamic_gather %masked_sort3A_263[%rev3A_268] in [0] : vector<16xf32>, vector<16xi32> -> vector<16xf32>
        %rev3A_270 = arith.constant 15 : i32
        %rev3A_271 = vector.broadcast %rev3A_270 : i32 to vector<16xi32>
        %rev3A_272 = tpu.iota {dimensions = array<i32: 0>} : vector<16xi32>
        %rev3A_273 = arith.subi %rev3A_271, %rev3A_272 : vector<16xi32>
        %rev3A_274 = tpu.dynamic_gather %masked_sort3A_264[%rev3A_273] in [0] : vector<16xi32>, vector<16xi32> -> vector<16xi32>
        %ge3A_275 = arith.cmpf oge, %masked_sort3A_253, %rev3A_269 : vector<16xf32>
        %select_n3A_276 = arith.select %ge3A_275, %masked_sort3A_253, %rev3A_269 : vector<16xi1>, vector<16xf32>
        %select_n3A_277 = arith.select %ge3A_275, %masked_sort3A_254, %rev3A_274 : vector<16xi1>, vector<16xi32>
        %masked_sort3A_278 = arith.constant dense<true> : vector<16xi1>
        %masked_sort3A_279, %masked_sort3A_280, %masked_sort3A_281 = tpu.sort %select_n3A_276, %select_n3A_277 masked %masked_sort3A_278 {descending = true} : (vector<16xf32>, vector<16xi32>, vector<16xi1>) -> (vector<16xi1>, vector<16xf32>, vector<16xi32>)
        %add3A_282 = arith.constant 12800 : i32
        %add3A_283 = arith.addi %add3A_282, %mul3A_162 : i32
        %add3A_284 = arith.constant 48 : i32
        %add3A_285 = arith.addi %add3A_283, %add3A_284 : i32
        %broadcast_in_dim3A_286 = vector.broadcast %add3A_285 : i32 to vector<16xi32>
        %add3A_287 = arith.addi %broadcast_in_dim3A_286, %iota3A : vector<16xi32>
        %masked_sort3A_288 = arith.constant dense<true> : vector<16xi1>
        %masked_sort3A_289, %masked_sort3A_290, %masked_sort3A_291 = tpu.sort %get3A_177, %add3A_287 masked %masked_sort3A_288 {descending = true} : (vector<16xf32>, vector<16xi32>, vector<16xi1>) -> (vector<16xi1>, vector<16xf32>, vector<16xi32>)
        %rev3A_292 = arith.constant 15 : i32
        %rev3A_293 = vector.broadcast %rev3A_292 : i32 to vector<16xi32>
        %rev3A_294 = tpu.iota {dimensions = array<i32: 0>} : vector<16xi32>
        %rev3A_295 = arith.subi %rev3A_293, %rev3A_294 : vector<16xi32>
        %rev3A_296 = tpu.dynamic_gather %masked_sort3A_290[%rev3A_295] in [0] : vector<16xf32>, vector<16xi32> -> vector<16xf32>
        %rev3A_297 = arith.constant 15 : i32
        %rev3A_298 = vector.broadcast %rev3A_297 : i32 to vector<16xi32>
        %rev3A_299 = tpu.iota {dimensions = array<i32: 0>} : vector<16xi32>
        %rev3A_300 = arith.subi %rev3A_298, %rev3A_299 : vector<16xi32>
        %rev3A_301 = tpu.dynamic_gather %masked_sort3A_291[%rev3A_300] in [0] : vector<16xi32>, vector<16xi32> -> vector<16xi32>
        %ge3A_302 = arith.cmpf oge, %masked_sort3A_280, %rev3A_296 : vector<16xf32>
        %select_n3A_303 = arith.select %ge3A_302, %masked_sort3A_280, %rev3A_296 : vector<16xi1>, vector<16xf32>
        %select_n3A_304 = arith.select %ge3A_302, %masked_sort3A_281, %rev3A_301 : vector<16xi1>, vector<16xi32>
        %masked_sort3A_305 = arith.constant dense<true> : vector<16xi1>
        %masked_sort3A_306, %masked_sort3A_307, %masked_sort3A_308 = tpu.sort %select_n3A_303, %select_n3A_304 masked %masked_sort3A_305 {descending = true} : (vector<16xf32>, vector<16xi32>, vector<16xi1>) -> (vector<16xi1>, vector<16xf32>, vector<16xi32>)
        %add3A_309 = arith.constant 12800 : i32
        %add3A_310 = arith.addi %add3A_309, %mul3A_162 : i32
        %add3A_311 = arith.constant 64 : i32
        %add3A_312 = arith.addi %add3A_310, %add3A_311 : i32
        %broadcast_in_dim3A_313 = vector.broadcast %add3A_312 : i32 to vector<16xi32>
        %add3A_314 = arith.addi %broadcast_in_dim3A_313, %iota3A : vector<16xi32>
        %masked_sort3A_315 = arith.constant dense<true> : vector<16xi1>
        %masked_sort3A_316, %masked_sort3A_317, %masked_sort3A_318 = tpu.sort %get3A_181, %add3A_314 masked %masked_sort3A_315 {descending = true} : (vector<16xf32>, vector<16xi32>, vector<16xi1>) -> (vector<16xi1>, vector<16xf32>, vector<16xi32>)
        %rev3A_319 = arith.constant 15 : i32
        %rev3A_320 = vector.broadcast %rev3A_319 : i32 to vector<16xi32>
        %rev3A_321 = tpu.iota {dimensions = array<i32: 0>} : vector<16xi32>
        %rev3A_322 = arith.subi %rev3A_320, %rev3A_321 : vector<16xi32>
        %rev3A_323 = tpu.dynamic_gather %masked_sort3A_317[%rev3A_322] in [0] : vector<16xf32>, vector<16xi32> -> vector<16xf32>
        %rev3A_324 = arith.constant 15 : i32
        %rev3A_325 = vector.broadcast %rev3A_324 : i32 to vector<16xi32>
        %rev3A_326 = tpu.iota {dimensions = array<i32: 0>} : vector<16xi32>
        %rev3A_327 = arith.subi %rev3A_325, %rev3A_326 : vector<16xi32>
        %rev3A_328 = tpu.dynamic_gather %masked_sort3A_318[%rev3A_327] in [0] : vector<16xi32>, vector<16xi32> -> vector<16xi32>
        %ge3A_329 = arith.cmpf oge, %masked_sort3A_307, %rev3A_323 : vector<16xf32>
        %select_n3A_330 = arith.select %ge3A_329, %masked_sort3A_307, %rev3A_323 : vector<16xi1>, vector<16xf32>
        %select_n3A_331 = arith.select %ge3A_329, %masked_sort3A_308, %rev3A_328 : vector<16xi1>, vector<16xi32>
        %masked_sort3A_332 = arith.constant dense<true> : vector<16xi1>
        %masked_sort3A_333, %masked_sort3A_334, %masked_sort3A_335 = tpu.sort %select_n3A_330, %select_n3A_331 masked %masked_sort3A_332 {descending = true} : (vector<16xf32>, vector<16xi32>, vector<16xi1>) -> (vector<16xi1>, vector<16xf32>, vector<16xi32>)
        %add3A_336 = arith.constant 12800 : i32
        %add3A_337 = arith.addi %add3A_336, %mul3A_162 : i32
        %add3A_338 = arith.constant 80 : i32
        %add3A_339 = arith.addi %add3A_337, %add3A_338 : i32
        %broadcast_in_dim3A_340 = vector.broadcast %add3A_339 : i32 to vector<16xi32>
        %add3A_341 = arith.addi %broadcast_in_dim3A_340, %iota3A : vector<16xi32>
        %masked_sort3A_342 = arith.constant dense<true> : vector<16xi1>
        %masked_sort3A_343, %masked_sort3A_344, %masked_sort3A_345 = tpu.sort %get3A_185, %add3A_341 masked %masked_sort3A_342 {descending = true} : (vector<16xf32>, vector<16xi32>, vector<16xi1>) -> (vector<16xi1>, vector<16xf32>, vector<16xi32>)
        %rev3A_346 = arith.constant 15 : i32
        %rev3A_347 = vector.broadcast %rev3A_346 : i32 to vector<16xi32>
        %rev3A_348 = tpu.iota {dimensions = array<i32: 0>} : vector<16xi32>
        %rev3A_349 = arith.subi %rev3A_347, %rev3A_348 : vector<16xi32>
        %rev3A_350 = tpu.dynamic_gather %masked_sort3A_344[%rev3A_349] in [0] : vector<16xf32>, vector<16xi32> -> vector<16xf32>
        %rev3A_351 = arith.constant 15 : i32
        %rev3A_352 = vector.broadcast %rev3A_351 : i32 to vector<16xi32>
        %rev3A_353 = tpu.iota {dimensions = array<i32: 0>} : vector<16xi32>
        %rev3A_354 = arith.subi %rev3A_352, %rev3A_353 : vector<16xi32>
        %rev3A_355 = tpu.dynamic_gather %masked_sort3A_345[%rev3A_354] in [0] : vector<16xi32>, vector<16xi32> -> vector<16xi32>
        %ge3A_356 = arith.cmpf oge, %masked_sort3A_334, %rev3A_350 : vector<16xf32>
        %select_n3A_357 = arith.select %ge3A_356, %masked_sort3A_334, %rev3A_350 : vector<16xi1>, vector<16xf32>
        %select_n3A_358 = arith.select %ge3A_356, %masked_sort3A_335, %rev3A_355 : vector<16xi1>, vector<16xi32>
        %masked_sort3A_359 = arith.constant dense<true> : vector<16xi1>
        %masked_sort3A_360, %masked_sort3A_361, %masked_sort3A_362 = tpu.sort %select_n3A_357, %select_n3A_358 masked %masked_sort3A_359 {descending = true} : (vector<16xf32>, vector<16xi32>, vector<16xi1>) -> (vector<16xi1>, vector<16xf32>, vector<16xi32>)
        %add3A_363 = arith.constant 12800 : i32
        %add3A_364 = arith.addi %add3A_363, %mul3A_162 : i32
        %add3A_365 = arith.constant 96 : i32
        %add3A_366 = arith.addi %add3A_364, %add3A_365 : i32
        %broadcast_in_dim3A_367 = vector.broadcast %add3A_366 : i32 to vector<16xi32>
        %add3A_368 = arith.addi %broadcast_in_dim3A_367, %iota3A : vector<16xi32>
        %masked_sort3A_369 = arith.constant dense<true> : vector<16xi1>
        %masked_sort3A_370, %masked_sort3A_371, %masked_sort3A_372 = tpu.sort %get3A_189, %add3A_368 masked %masked_sort3A_369 {descending = true} : (vector<16xf32>, vector<16xi32>, vector<16xi1>) -> (vector<16xi1>, vector<16xf32>, vector<16xi32>)
        %rev3A_373 = arith.constant 15 : i32
        %rev3A_374 = vector.broadcast %rev3A_373 : i32 to vector<16xi32>
        %rev3A_375 = tpu.iota {dimensions = array<i32: 0>} : vector<16xi32>
        %rev3A_376 = arith.subi %rev3A_374, %rev3A_375 : vector<16xi32>
        %rev3A_377 = tpu.dynamic_gather %masked_sort3A_371[%rev3A_376] in [0] : vector<16xf32>, vector<16xi32> -> vector<16xf32>
        %rev3A_378 = arith.constant 15 : i32
        %rev3A_379 = vector.broadcast %rev3A_378 : i32 to vector<16xi32>
        %rev3A_380 = tpu.iota {dimensions = array<i32: 0>} : vector<16xi32>
        %rev3A_381 = arith.subi %rev3A_379, %rev3A_380 : vector<16xi32>
        %rev3A_382 = tpu.dynamic_gather %masked_sort3A_372[%rev3A_381] in [0] : vector<16xi32>, vector<16xi32> -> vector<16xi32>
        %ge3A_383 = arith.cmpf oge, %masked_sort3A_361, %rev3A_377 : vector<16xf32>
        %select_n3A_384 = arith.select %ge3A_383, %masked_sort3A_361, %rev3A_377 : vector<16xi1>, vector<16xf32>
        %select_n3A_385 = arith.select %ge3A_383, %masked_sort3A_362, %rev3A_382 : vector<16xi1>, vector<16xi32>
        %masked_sort3A_386 = arith.constant dense<true> : vector<16xi1>
        %masked_sort3A_387, %masked_sort3A_388, %masked_sort3A_389 = tpu.sort %select_n3A_384, %select_n3A_385 masked %masked_sort3A_386 {descending = true} : (vector<16xf32>, vector<16xi32>, vector<16xi1>) -> (vector<16xi1>, vector<16xf32>, vector<16xi32>)
        %add3A_390 = arith.constant 12800 : i32
        %add3A_391 = arith.addi %add3A_390, %mul3A_162 : i32
        %add3A_392 = arith.constant 112 : i32
        %add3A_393 = arith.addi %add3A_391, %add3A_392 : i32
        %broadcast_in_dim3A_394 = vector.broadcast %add3A_393 : i32 to vector<16xi32>
        %add3A_395 = arith.addi %broadcast_in_dim3A_394, %iota3A : vector<16xi32>
        %masked_sort3A_396 = arith.constant dense<true> : vector<16xi1>
        %masked_sort3A_397, %masked_sort3A_398, %masked_sort3A_399 = tpu.sort %get3A_193, %add3A_395 masked %masked_sort3A_396 {descending = true} : (vector<16xf32>, vector<16xi32>, vector<16xi1>) -> (vector<16xi1>, vector<16xf32>, vector<16xi32>)
        %rev3A_400 = arith.constant 15 : i32
        %rev3A_401 = vector.broadcast %rev3A_400 : i32 to vector<16xi32>
        %rev3A_402 = tpu.iota {dimensions = array<i32: 0>} : vector<16xi32>
        %rev3A_403 = arith.subi %rev3A_401, %rev3A_402 : vector<16xi32>
        %rev3A_404 = tpu.dynamic_gather %masked_sort3A_398[%rev3A_403] in [0] : vector<16xf32>, vector<16xi32> -> vector<16xf32>
        %rev3A_405 = arith.constant 15 : i32
        %rev3A_406 = vector.broadcast %rev3A_405 : i32 to vector<16xi32>
        %rev3A_407 = tpu.iota {dimensions = array<i32: 0>} : vector<16xi32>
        %rev3A_408 = arith.subi %rev3A_406, %rev3A_407 : vector<16xi32>
        %rev3A_409 = tpu.dynamic_gather %masked_sort3A_399[%rev3A_408] in [0] : vector<16xi32>, vector<16xi32> -> vector<16xi32>
        %ge3A_410 = arith.cmpf oge, %masked_sort3A_388, %rev3A_404 : vector<16xf32>
        %select_n3A_411 = arith.select %ge3A_410, %masked_sort3A_388, %rev3A_404 : vector<16xi1>, vector<16xf32>
        %select_n3A_412 = arith.select %ge3A_410, %masked_sort3A_389, %rev3A_409 : vector<16xi1>, vector<16xi32>
        %masked_sort3A_413 = arith.constant dense<true> : vector<16xi1>
        %masked_sort3A_414, %masked_sort3A_415, %masked_sort3A_416 = tpu.sort %select_n3A_411, %select_n3A_412 masked %masked_sort3A_413 {descending = true} : (vector<16xf32>, vector<16xi32>, vector<16xi1>) -> (vector<16xi1>, vector<16xf32>, vector<16xi32>)
        %eq3A = arith.constant 7 : i32
        %eq3A_417 = vector.broadcast %eq3A : i32 to vector<16xi32>
        %eq3A_418 = arith.cmpi eq, %iota3A, %eq3A_417 : vector<16xi32>
        %broadcast_in_dim3A_419 = vector.broadcast %scan3A_39 : f32 to vector<16xf32>
        %select_n3A_420 = arith.select %eq3A_418, %masked_sort3A_415, %broadcast_in_dim3A_419 : vector<16xi1>, vector<16xf32>
        %reduce_max3A_421 = arith.constant true
        %reduce_max3A_422 = vector.broadcast %reduce_max3A_421 : i1 to vector<16xi1>
        %reduce_max3A_423 = tpu.scan <max>, %select_n3A_420 masked %reduce_max3A_422 : vector<16xf32>, vector<16xi1> -> vector<16xf32>
        %reduce_max3A_424 = vector.extract %reduce_max3A_423[15] : f32 from vector<16xf32>
        scf.yield %masked_sort3A_415, %masked_sort3A_416, %reduce_max3A_424 : vector<16xf32>, vector<16xi32>, f32
      } else {
        scf.yield %scan3A_158, %scan3A_159, %scan3A_160 : vector<16xf32>, vector<16xi32>, f32
      }
      scf.yield %cond3A_204#0, %cond3A_204#1, %cond3A_204#2 : vector<16xf32>, vector<16xi32>, f32
    }
    %scan3A_45 = arith.constant 100 : i32
    %dma_start3A_46 = arith.constant 38400 : i32
    %dma_start3A_47 = tpu.memref_slice %arg2[%add3A, %dma_start3A_46] : memref<32x102400xf32, #tpu.memory_space<hbm>> -> memref<1x12800xf32, #tpu.memory_space<hbm>>
    %dma_start3A_48 = tpu.memref_squeeze %dma_start3A_47 : memref<1x12800xf32, #tpu.memory_space<hbm>> -> memref<12800xf32, #tpu.memory_space<hbm>>
    %dma_start3A_49 = arith.constant 38400 : i32
    %dma_start3A_50 = tpu.memref_slice %arg2[%add3A, %dma_start3A_49] : memref<32x102400xf32, #tpu.memory_space<hbm>> -> memref<1x12800xf32, #tpu.memory_space<hbm>>
    %dma_start3A_51 = tpu.memref_squeeze %dma_start3A_50 : memref<1x12800xf32, #tpu.memory_space<hbm>> -> memref<12800xf32, #tpu.memory_space<hbm>>
    tpu.enqueue_dma source(%dma_start3A_51 : memref<12800xf32, #tpu.memory_space<hbm>>) target(%arg6 : memref<12800xf32, #tpu.memory_space<vmem>>) target_semaphore(%arg10 : memref<!tpu.dma_semaphore, #tpu.memory_space<semaphore_mem>>)
    %dma_wait3A_52 = arith.constant 25600 : i32
    %dma_wait3A_53 = tpu.memref_slice %arg2[%add3A, %dma_wait3A_52] : memref<32x102400xf32, #tpu.memory_space<hbm>> -> memref<1x12800xf32, #tpu.memory_space<hbm>>
    %dma_wait3A_54 = tpu.memref_squeeze %dma_wait3A_53 : memref<1x12800xf32, #tpu.memory_space<hbm>> -> memref<12800xf32, #tpu.memory_space<hbm>>
    %dma_wait3A_55 = arith.constant 25600 : i32
    %dma_wait3A_56 = tpu.memref_slice %arg2[%add3A, %dma_wait3A_55] : memref<32x102400xf32, #tpu.memory_space<hbm>> -> memref<1x12800xf32, #tpu.memory_space<hbm>>
    %dma_wait3A_57 = tpu.memref_squeeze %dma_wait3A_56 : memref<1x12800xf32, #tpu.memory_space<hbm>> -> memref<12800xf32, #tpu.memory_space<hbm>>
    tpu.wait_dma2 semaphore(%arg9 : memref<!tpu.dma_semaphore, #tpu.memory_space<semaphore_mem>>) src(%dma_wait3A_57 : memref<12800xf32, #tpu.memory_space<hbm>>) dst(%arg5 : memref<12800xf32, #tpu.memory_space<vmem>>)
    %scan3A_58 = arith.constant 0xFF800000 : f32
    %scan3A_59 = arith.constant 0 : i32
    %scan3A_60 = arith.constant 100 : i32
    %scan3A_61 = arith.addi %scan3A_59, %scan3A_60 : i32
    %scan3A_62 = arith.constant 1 : i32
    %scan3A_63:3 = scf.for %scan3A_157 = %scan3A_59 to %scan3A_61 step %scan3A_62 iter_args(%scan3A_158 = %scan3A_44#0, %scan3A_159 = %scan3A_44#1, %scan3A_160 = %scan3A_44#2) -> (vector<16xf32>, vector<16xi32>, f32)  : i32 {
      %mul3A_161 = arith.constant 128 : i32
      %mul3A_162 = arith.muli %scan3A_157, %mul3A_161 : i32
      %add3A_163 = arith.constant 0 : i32
      %add3A_164 = arith.addi %mul3A_162, %add3A_163 : i32
      %get3A = arith.index_cast %add3A_164 : i32 to index
      %get3A_165 = tpu.vector_load %arg5[%get3A] {strides = array<i32>} : memref<12800xf32, #tpu.memory_space<vmem>>, vector<16xf32>,
      %add3A_166 = arith.constant 16 : i32
      %add3A_167 = arith.addi %mul3A_162, %add3A_166 : i32
      %get3A_168 = arith.index_cast %add3A_167 : i32 to index
      %get3A_169 = tpu.vector_load %arg5[%get3A_168] {strides = array<i32>} : memref<12800xf32, #tpu.memory_space<vmem>>, vector<16xf32>,
      %add3A_170 = arith.constant 32 : i32
      %add3A_171 = arith.addi %mul3A_162, %add3A_170 : i32
      %get3A_172 = arith.index_cast %add3A_171 : i32 to index
      %get3A_173 = tpu.vector_load %arg5[%get3A_172] {strides = array<i32>} : memref<12800xf32, #tpu.memory_space<vmem>>, vector<16xf32>,
      %add3A_174 = arith.constant 48 : i32
      %add3A_175 = arith.addi %mul3A_162, %add3A_174 : i32
      %get3A_176 = arith.index_cast %add3A_175 : i32 to index
      %get3A_177 = tpu.vector_load %arg5[%get3A_176] {strides = array<i32>} : memref<12800xf32, #tpu.memory_space<vmem>>, vector<16xf32>,
      %add3A_178 = arith.constant 64 : i32
      %add3A_179 = arith.addi %mul3A_162, %add3A_178 : i32
      %get3A_180 = arith.index_cast %add3A_179 : i32 to index
      %get3A_181 = tpu.vector_load %arg5[%get3A_180] {strides = array<i32>} : memref<12800xf32, #tpu.memory_space<vmem>>, vector<16xf32>,
      %add3A_182 = arith.constant 80 : i32
      %add3A_183 = arith.addi %mul3A_162, %add3A_182 : i32
      %get3A_184 = arith.index_cast %add3A_183 : i32 to index
      %get3A_185 = tpu.vector_load %arg5[%get3A_184] {strides = array<i32>} : memref<12800xf32, #tpu.memory_space<vmem>>, vector<16xf32>,
      %add3A_186 = arith.constant 96 : i32
      %add3A_187 = arith.addi %mul3A_162, %add3A_186 : i32
      %get3A_188 = arith.index_cast %add3A_187 : i32 to index
      %get3A_189 = tpu.vector_load %arg5[%get3A_188] {strides = array<i32>} : memref<12800xf32, #tpu.memory_space<vmem>>, vector<16xf32>,
      %add3A_190 = arith.constant 112 : i32
      %add3A_191 = arith.addi %mul3A_162, %add3A_190 : i32
      %get3A_192 = arith.index_cast %add3A_191 : i32 to index
      %get3A_193 = tpu.vector_load %arg5[%get3A_192] {strides = array<i32>} : memref<12800xf32, #tpu.memory_space<vmem>>, vector<16xf32>,
      %max3A = arith.maximumf %get3A_165, %get3A_169 : vector<16xf32>
      %max3A_194 = arith.maximumf %get3A_173, %get3A_177 : vector<16xf32>
      %max3A_195 = arith.maximumf %get3A_181, %get3A_185 : vector<16xf32>
      %max3A_196 = arith.maximumf %get3A_189, %get3A_193 : vector<16xf32>
      %max3A_197 = arith.maximumf %max3A, %max3A_194 : vector<16xf32>
      %max3A_198 = arith.maximumf %max3A_195, %max3A_196 : vector<16xf32>
      %max3A_199 = arith.maximumf %max3A_197, %max3A_198 : vector<16xf32>
      %reduce_max3A = arith.constant true
      %reduce_max3A_200 = vector.broadcast %reduce_max3A : i1 to vector<16xi1>
      %reduce_max3A_201 = tpu.scan <max>, %max3A_199 masked %reduce_max3A_200 : vector<16xf32>, vector<16xi1> -> vector<16xf32>
      %reduce_max3A_202 = vector.extract %reduce_max3A_201[15] : f32 from vector<16xf32>
      %gt3A = arith.cmpf ogt, %reduce_max3A_202, %scan3A_160 : f32
      %convert_element_type3A = arith.extui %gt3A : i1 to i32
      %cond3A = arith.constant 0 : i32
      %cond3A_203 = arith.cmpi ne, %convert_element_type3A, %cond3A : i32
      %cond3A_204:3 = scf.if %cond3A_203 -> (vector<16xf32>, vector<16xi32>, f32) {
        %add3A_205 = arith.constant 25600 : i32
        %add3A_206 = arith.addi %add3A_205, %mul3A_162 : i32
        %add3A_207 = arith.constant 0 : i32
        %add3A_208 = arith.addi %add3A_206, %add3A_207 : i32
        %broadcast_in_dim3A_209 = vector.broadcast %add3A_208 : i32 to vector<16xi32>
        %add3A_210 = arith.addi %broadcast_in_dim3A_209, %iota3A : vector<16xi32>
        %masked_sort3A = arith.constant dense<true> : vector<16xi1>
        %masked_sort3A_211, %masked_sort3A_212, %masked_sort3A_213 = tpu.sort %get3A_165, %add3A_210 masked %masked_sort3A {descending = true} : (vector<16xf32>, vector<16xi32>, vector<16xi1>) -> (vector<16xi1>, vector<16xf32>, vector<16xi32>)
        %rev3A = arith.constant 15 : i32
        %rev3A_214 = vector.broadcast %rev3A : i32 to vector<16xi32>
        %rev3A_215 = tpu.iota {dimensions = array<i32: 0>} : vector<16xi32>
        %rev3A_216 = arith.subi %rev3A_214, %rev3A_215 : vector<16xi32>
        %rev3A_217 = tpu.dynamic_gather %masked_sort3A_212[%rev3A_216] in [0] : vector<16xf32>, vector<16xi32> -> vector<16xf32>
        %rev3A_218 = arith.constant 15 : i32
        %rev3A_219 = vector.broadcast %rev3A_218 : i32 to vector<16xi32>
        %rev3A_220 = tpu.iota {dimensions = array<i32: 0>} : vector<16xi32>
        %rev3A_221 = arith.subi %rev3A_219, %rev3A_220 : vector<16xi32>
        %rev3A_222 = tpu.dynamic_gather %masked_sort3A_213[%rev3A_221] in [0] : vector<16xi32>, vector<16xi32> -> vector<16xi32>
        %ge3A = arith.cmpf oge, %scan3A_158, %rev3A_217 : vector<16xf32>
        %select_n3A = arith.select %ge3A, %scan3A_158, %rev3A_217 : vector<16xi1>, vector<16xf32>
        %select_n3A_223 = arith.select %ge3A, %scan3A_159, %rev3A_222 : vector<16xi1>, vector<16xi32>
        %masked_sort3A_224 = arith.constant dense<true> : vector<16xi1>
        %masked_sort3A_225, %masked_sort3A_226, %masked_sort3A_227 = tpu.sort %select_n3A, %select_n3A_223 masked %masked_sort3A_224 {descending = true} : (vector<16xf32>, vector<16xi32>, vector<16xi1>) -> (vector<16xi1>, vector<16xf32>, vector<16xi32>)
        %add3A_228 = arith.constant 25600 : i32
        %add3A_229 = arith.addi %add3A_228, %mul3A_162 : i32
        %add3A_230 = arith.constant 16 : i32
        %add3A_231 = arith.addi %add3A_229, %add3A_230 : i32
        %broadcast_in_dim3A_232 = vector.broadcast %add3A_231 : i32 to vector<16xi32>
        %add3A_233 = arith.addi %broadcast_in_dim3A_232, %iota3A : vector<16xi32>
        %masked_sort3A_234 = arith.constant dense<true> : vector<16xi1>
        %masked_sort3A_235, %masked_sort3A_236, %masked_sort3A_237 = tpu.sort %get3A_169, %add3A_233 masked %masked_sort3A_234 {descending = true} : (vector<16xf32>, vector<16xi32>, vector<16xi1>) -> (vector<16xi1>, vector<16xf32>, vector<16xi32>)
        %rev3A_238 = arith.constant 15 : i32
        %rev3A_239 = vector.broadcast %rev3A_238 : i32 to vector<16xi32>
        %rev3A_240 = tpu.iota {dimensions = array<i32: 0>} : vector<16xi32>
        %rev3A_241 = arith.subi %rev3A_239, %rev3A_240 : vector<16xi32>
        %rev3A_242 = tpu.dynamic_gather %masked_sort3A_236[%rev3A_241] in [0] : vector<16xf32>, vector<16xi32> -> vector<16xf32>
        %rev3A_243 = arith.constant 15 : i32
        %rev3A_244 = vector.broadcast %rev3A_243 : i32 to vector<16xi32>
        %rev3A_245 = tpu.iota {dimensions = array<i32: 0>} : vector<16xi32>
        %rev3A_246 = arith.subi %rev3A_244, %rev3A_245 : vector<16xi32>
        %rev3A_247 = tpu.dynamic_gather %masked_sort3A_237[%rev3A_246] in [0] : vector<16xi32>, vector<16xi32> -> vector<16xi32>
        %ge3A_248 = arith.cmpf oge, %masked_sort3A_226, %rev3A_242 : vector<16xf32>
        %select_n3A_249 = arith.select %ge3A_248, %masked_sort3A_226, %rev3A_242 : vector<16xi1>, vector<16xf32>
        %select_n3A_250 = arith.select %ge3A_248, %masked_sort3A_227, %rev3A_247 : vector<16xi1>, vector<16xi32>
        %masked_sort3A_251 = arith.constant dense<true> : vector<16xi1>
        %masked_sort3A_252, %masked_sort3A_253, %masked_sort3A_254 = tpu.sort %select_n3A_249, %select_n3A_250 masked %masked_sort3A_251 {descending = true} : (vector<16xf32>, vector<16xi32>, vector<16xi1>) -> (vector<16xi1>, vector<16xf32>, vector<16xi32>)
        %add3A_255 = arith.constant 25600 : i32
        %add3A_256 = arith.addi %add3A_255, %mul3A_162 : i32
        %add3A_257 = arith.constant 32 : i32
        %add3A_258 = arith.addi %add3A_256, %add3A_257 : i32
        %broadcast_in_dim3A_259 = vector.broadcast %add3A_258 : i32 to vector<16xi32>
        %add3A_260 = arith.addi %broadcast_in_dim3A_259, %iota3A : vector<16xi32>
        %masked_sort3A_261 = arith.constant dense<true> : vector<16xi1>
        %masked_sort3A_262, %masked_sort3A_263, %masked_sort3A_264 = tpu.sort %get3A_173, %add3A_260 masked %masked_sort3A_261 {descending = true} : (vector<16xf32>, vector<16xi32>, vector<16xi1>) -> (vector<16xi1>, vector<16xf32>, vector<16xi32>)
        %rev3A_265 = arith.constant 15 : i32
        %rev3A_266 = vector.broadcast %rev3A_265 : i32 to vector<16xi32>
        %rev3A_267 = tpu.iota {dimensions = array<i32: 0>} : vector<16xi32>
        %rev3A_268 = arith.subi %rev3A_266, %rev3A_267 : vector<16xi32>
        %rev3A_269 = tpu.dynamic_gather %masked_sort3A_263[%rev3A_268] in [0] : vector<16xf32>, vector<16xi32> -> vector<16xf32>
        %rev3A_270 = arith.constant 15 : i32
        %rev3A_271 = vector.broadcast %rev3A_270 : i32 to vector<16xi32>
        %rev3A_272 = tpu.iota {dimensions = array<i32: 0>} : vector<16xi32>
        %rev3A_273 = arith.subi %rev3A_271, %rev3A_272 : vector<16xi32>
        %rev3A_274 = tpu.dynamic_gather %masked_sort3A_264[%rev3A_273] in [0] : vector<16xi32>, vector<16xi32> -> vector<16xi32>
        %ge3A_275 = arith.cmpf oge, %masked_sort3A_253, %rev3A_269 : vector<16xf32>
        %select_n3A_276 = arith.select %ge3A_275, %masked_sort3A_253, %rev3A_269 : vector<16xi1>, vector<16xf32>
        %select_n3A_277 = arith.select %ge3A_275, %masked_sort3A_254, %rev3A_274 : vector<16xi1>, vector<16xi32>
        %masked_sort3A_278 = arith.constant dense<true> : vector<16xi1>
        %masked_sort3A_279, %masked_sort3A_280, %masked_sort3A_281 = tpu.sort %select_n3A_276, %select_n3A_277 masked %masked_sort3A_278 {descending = true} : (vector<16xf32>, vector<16xi32>, vector<16xi1>) -> (vector<16xi1>, vector<16xf32>, vector<16xi32>)
        %add3A_282 = arith.constant 25600 : i32
        %add3A_283 = arith.addi %add3A_282, %mul3A_162 : i32
        %add3A_284 = arith.constant 48 : i32
        %add3A_285 = arith.addi %add3A_283, %add3A_284 : i32
        %broadcast_in_dim3A_286 = vector.broadcast %add3A_285 : i32 to vector<16xi32>
        %add3A_287 = arith.addi %broadcast_in_dim3A_286, %iota3A : vector<16xi32>
        %masked_sort3A_288 = arith.constant dense<true> : vector<16xi1>
        %masked_sort3A_289, %masked_sort3A_290, %masked_sort3A_291 = tpu.sort %get3A_177, %add3A_287 masked %masked_sort3A_288 {descending = true} : (vector<16xf32>, vector<16xi32>, vector<16xi1>) -> (vector<16xi1>, vector<16xf32>, vector<16xi32>)
        %rev3A_292 = arith.constant 15 : i32
        %rev3A_293 = vector.broadcast %rev3A_292 : i32 to vector<16xi32>
        %rev3A_294 = tpu.iota {dimensions = array<i32: 0>} : vector<16xi32>
        %rev3A_295 = arith.subi %rev3A_293, %rev3A_294 : vector<16xi32>
        %rev3A_296 = tpu.dynamic_gather %masked_sort3A_290[%rev3A_295] in [0] : vector<16xf32>, vector<16xi32> -> vector<16xf32>
        %rev3A_297 = arith.constant 15 : i32
        %rev3A_298 = vector.broadcast %rev3A_297 : i32 to vector<16xi32>
        %rev3A_299 = tpu.iota {dimensions = array<i32: 0>} : vector<16xi32>
        %rev3A_300 = arith.subi %rev3A_298, %rev3A_299 : vector<16xi32>
        %rev3A_301 = tpu.dynamic_gather %masked_sort3A_291[%rev3A_300] in [0] : vector<16xi32>, vector<16xi32> -> vector<16xi32>
        %ge3A_302 = arith.cmpf oge, %masked_sort3A_280, %rev3A_296 : vector<16xf32>
        %select_n3A_303 = arith.select %ge3A_302, %masked_sort3A_280, %rev3A_296 : vector<16xi1>, vector<16xf32>
        %select_n3A_304 = arith.select %ge3A_302, %masked_sort3A_281, %rev3A_301 : vector<16xi1>, vector<16xi32>
        %masked_sort3A_305 = arith.constant dense<true> : vector<16xi1>
        %masked_sort3A_306, %masked_sort3A_307, %masked_sort3A_308 = tpu.sort %select_n3A_303, %select_n3A_304 masked %masked_sort3A_305 {descending = true} : (vector<16xf32>, vector<16xi32>, vector<16xi1>) -> (vector<16xi1>, vector<16xf32>, vector<16xi32>)
        %add3A_309 = arith.constant 25600 : i32
        %add3A_310 = arith.addi %add3A_309, %mul3A_162 : i32
        %add3A_311 = arith.constant 64 : i32
        %add3A_312 = arith.addi %add3A_310, %add3A_311 : i32
        %broadcast_in_dim3A_313 = vector.broadcast %add3A_312 : i32 to vector<16xi32>
        %add3A_314 = arith.addi %broadcast_in_dim3A_313, %iota3A : vector<16xi32>
        %masked_sort3A_315 = arith.constant dense<true> : vector<16xi1>
        %masked_sort3A_316, %masked_sort3A_317, %masked_sort3A_318 = tpu.sort %get3A_181, %add3A_314 masked %masked_sort3A_315 {descending = true} : (vector<16xf32>, vector<16xi32>, vector<16xi1>) -> (vector<16xi1>, vector<16xf32>, vector<16xi32>)
        %rev3A_319 = arith.constant 15 : i32
        %rev3A_320 = vector.broadcast %rev3A_319 : i32 to vector<16xi32>
        %rev3A_321 = tpu.iota {dimensions = array<i32: 0>} : vector<16xi32>
        %rev3A_322 = arith.subi %rev3A_320, %rev3A_321 : vector<16xi32>
        %rev3A_323 = tpu.dynamic_gather %masked_sort3A_317[%rev3A_322] in [0] : vector<16xf32>, vector<16xi32> -> vector<16xf32>
        %rev3A_324 = arith.constant 15 : i32
        %rev3A_325 = vector.broadcast %rev3A_324 : i32 to vector<16xi32>
        %rev3A_326 = tpu.iota {dimensions = array<i32: 0>} : vector<16xi32>
        %rev3A_327 = arith.subi %rev3A_325, %rev3A_326 : vector<16xi32>
        %rev3A_328 = tpu.dynamic_gather %masked_sort3A_318[%rev3A_327] in [0] : vector<16xi32>, vector<16xi32> -> vector<16xi32>
        %ge3A_329 = arith.cmpf oge, %masked_sort3A_307, %rev3A_323 : vector<16xf32>
        %select_n3A_330 = arith.select %ge3A_329, %masked_sort3A_307, %rev3A_323 : vector<16xi1>, vector<16xf32>
        %select_n3A_331 = arith.select %ge3A_329, %masked_sort3A_308, %rev3A_328 : vector<16xi1>, vector<16xi32>
        %masked_sort3A_332 = arith.constant dense<true> : vector<16xi1>
        %masked_sort3A_333, %masked_sort3A_334, %masked_sort3A_335 = tpu.sort %select_n3A_330, %select_n3A_331 masked %masked_sort3A_332 {descending = true} : (vector<16xf32>, vector<16xi32>, vector<16xi1>) -> (vector<16xi1>, vector<16xf32>, vector<16xi32>)
        %add3A_336 = arith.constant 25600 : i32
        %add3A_337 = arith.addi %add3A_336, %mul3A_162 : i32
        %add3A_338 = arith.constant 80 : i32
        %add3A_339 = arith.addi %add3A_337, %add3A_338 : i32
        %broadcast_in_dim3A_340 = vector.broadcast %add3A_339 : i32 to vector<16xi32>
        %add3A_341 = arith.addi %broadcast_in_dim3A_340, %iota3A : vector<16xi32>
        %masked_sort3A_342 = arith.constant dense<true> : vector<16xi1>
        %masked_sort3A_343, %masked_sort3A_344, %masked_sort3A_345 = tpu.sort %get3A_185, %add3A_341 masked %masked_sort3A_342 {descending = true} : (vector<16xf32>, vector<16xi32>, vector<16xi1>) -> (vector<16xi1>, vector<16xf32>, vector<16xi32>)
        %rev3A_346 = arith.constant 15 : i32
        %rev3A_347 = vector.broadcast %rev3A_346 : i32 to vector<16xi32>
        %rev3A_348 = tpu.iota {dimensions = array<i32: 0>} : vector<16xi32>
        %rev3A_349 = arith.subi %rev3A_347, %rev3A_348 : vector<16xi32>
        %rev3A_350 = tpu.dynamic_gather %masked_sort3A_344[%rev3A_349] in [0] : vector<16xf32>, vector<16xi32> -> vector<16xf32>
        %rev3A_351 = arith.constant 15 : i32
        %rev3A_352 = vector.broadcast %rev3A_351 : i32 to vector<16xi32>
        %rev3A_353 = tpu.iota {dimensions = array<i32: 0>} : vector<16xi32>
        %rev3A_354 = arith.subi %rev3A_352, %rev3A_353 : vector<16xi32>
        %rev3A_355 = tpu.dynamic_gather %masked_sort3A_345[%rev3A_354] in [0] : vector<16xi32>, vector<16xi32> -> vector<16xi32>
        %ge3A_356 = arith.cmpf oge, %masked_sort3A_334, %rev3A_350 : vector<16xf32>
        %select_n3A_357 = arith.select %ge3A_356, %masked_sort3A_334, %rev3A_350 : vector<16xi1>, vector<16xf32>
        %select_n3A_358 = arith.select %ge3A_356, %masked_sort3A_335, %rev3A_355 : vector<16xi1>, vector<16xi32>
        %masked_sort3A_359 = arith.constant dense<true> : vector<16xi1>
        %masked_sort3A_360, %masked_sort3A_361, %masked_sort3A_362 = tpu.sort %select_n3A_357, %select_n3A_358 masked %masked_sort3A_359 {descending = true} : (vector<16xf32>, vector<16xi32>, vector<16xi1>) -> (vector<16xi1>, vector<16xf32>, vector<16xi32>)
        %add3A_363 = arith.constant 25600 : i32
        %add3A_364 = arith.addi %add3A_363, %mul3A_162 : i32
        %add3A_365 = arith.constant 96 : i32
        %add3A_366 = arith.addi %add3A_364, %add3A_365 : i32
        %broadcast_in_dim3A_367 = vector.broadcast %add3A_366 : i32 to vector<16xi32>
        %add3A_368 = arith.addi %broadcast_in_dim3A_367, %iota3A : vector<16xi32>
        %masked_sort3A_369 = arith.constant dense<true> : vector<16xi1>
        %masked_sort3A_370, %masked_sort3A_371, %masked_sort3A_372 = tpu.sort %get3A_189, %add3A_368 masked %masked_sort3A_369 {descending = true} : (vector<16xf32>, vector<16xi32>, vector<16xi1>) -> (vector<16xi1>, vector<16xf32>, vector<16xi32>)
        %rev3A_373 = arith.constant 15 : i32
        %rev3A_374 = vector.broadcast %rev3A_373 : i32 to vector<16xi32>
        %rev3A_375 = tpu.iota {dimensions = array<i32: 0>} : vector<16xi32>
        %rev3A_376 = arith.subi %rev3A_374, %rev3A_375 : vector<16xi32>
        %rev3A_377 = tpu.dynamic_gather %masked_sort3A_371[%rev3A_376] in [0] : vector<16xf32>, vector<16xi32> -> vector<16xf32>
        %rev3A_378 = arith.constant 15 : i32
        %rev3A_379 = vector.broadcast %rev3A_378 : i32 to vector<16xi32>
        %rev3A_380 = tpu.iota {dimensions = array<i32: 0>} : vector<16xi32>
        %rev3A_381 = arith.subi %rev3A_379, %rev3A_380 : vector<16xi32>
        %rev3A_382 = tpu.dynamic_gather %masked_sort3A_372[%rev3A_381] in [0] : vector<16xi32>, vector<16xi32> -> vector<16xi32>
        %ge3A_383 = arith.cmpf oge, %masked_sort3A_361, %rev3A_377 : vector<16xf32>
        %select_n3A_384 = arith.select %ge3A_383, %masked_sort3A_361, %rev3A_377 : vector<16xi1>, vector<16xf32>
        %select_n3A_385 = arith.select %ge3A_383, %masked_sort3A_362, %rev3A_382 : vector<16xi1>, vector<16xi32>
        %masked_sort3A_386 = arith.constant dense<true> : vector<16xi1>
        %masked_sort3A_387, %masked_sort3A_388, %masked_sort3A_389 = tpu.sort %select_n3A_384, %select_n3A_385 masked %masked_sort3A_386 {descending = true} : (vector<16xf32>, vector<16xi32>, vector<16xi1>) -> (vector<16xi1>, vector<16xf32>, vector<16xi32>)
        %add3A_390 = arith.constant 25600 : i32
        %add3A_391 = arith.addi %add3A_390, %mul3A_162 : i32
        %add3A_392 = arith.constant 112 : i32
        %add3A_393 = arith.addi %add3A_391, %add3A_392 : i32
        %broadcast_in_dim3A_394 = vector.broadcast %add3A_393 : i32 to vector<16xi32>
        %add3A_395 = arith.addi %broadcast_in_dim3A_394, %iota3A : vector<16xi32>
        %masked_sort3A_396 = arith.constant dense<true> : vector<16xi1>
        %masked_sort3A_397, %masked_sort3A_398, %masked_sort3A_399 = tpu.sort %get3A_193, %add3A_395 masked %masked_sort3A_396 {descending = true} : (vector<16xf32>, vector<16xi32>, vector<16xi1>) -> (vector<16xi1>, vector<16xf32>, vector<16xi32>)
        %rev3A_400 = arith.constant 15 : i32
        %rev3A_401 = vector.broadcast %rev3A_400 : i32 to vector<16xi32>
        %rev3A_402 = tpu.iota {dimensions = array<i32: 0>} : vector<16xi32>
        %rev3A_403 = arith.subi %rev3A_401, %rev3A_402 : vector<16xi32>
        %rev3A_404 = tpu.dynamic_gather %masked_sort3A_398[%rev3A_403] in [0] : vector<16xf32>, vector<16xi32> -> vector<16xf32>
        %rev3A_405 = arith.constant 15 : i32
        %rev3A_406 = vector.broadcast %rev3A_405 : i32 to vector<16xi32>
        %rev3A_407 = tpu.iota {dimensions = array<i32: 0>} : vector<16xi32>
        %rev3A_408 = arith.subi %rev3A_406, %rev3A_407 : vector<16xi32>
        %rev3A_409 = tpu.dynamic_gather %masked_sort3A_399[%rev3A_408] in [0] : vector<16xi32>, vector<16xi32> -> vector<16xi32>
        %ge3A_410 = arith.cmpf oge, %masked_sort3A_388, %rev3A_404 : vector<16xf32>
        %select_n3A_411 = arith.select %ge3A_410, %masked_sort3A_388, %rev3A_404 : vector<16xi1>, vector<16xf32>
        %select_n3A_412 = arith.select %ge3A_410, %masked_sort3A_389, %rev3A_409 : vector<16xi1>, vector<16xi32>
        %masked_sort3A_413 = arith.constant dense<true> : vector<16xi1>
        %masked_sort3A_414, %masked_sort3A_415, %masked_sort3A_416 = tpu.sort %select_n3A_411, %select_n3A_412 masked %masked_sort3A_413 {descending = true} : (vector<16xf32>, vector<16xi32>, vector<16xi1>) -> (vector<16xi1>, vector<16xf32>, vector<16xi32>)
        %eq3A = arith.constant 7 : i32
        %eq3A_417 = vector.broadcast %eq3A : i32 to vector<16xi32>
        %eq3A_418 = arith.cmpi eq, %iota3A, %eq3A_417 : vector<16xi32>
        %broadcast_in_dim3A_419 = vector.broadcast %scan3A_58 : f32 to vector<16xf32>
        %select_n3A_420 = arith.select %eq3A_418, %masked_sort3A_415, %broadcast_in_dim3A_419 : vector<16xi1>, vector<16xf32>
        %reduce_max3A_421 = arith.constant true
        %reduce_max3A_422 = vector.broadcast %reduce_max3A_421 : i1 to vector<16xi1>
        %reduce_max3A_423 = tpu.scan <max>, %select_n3A_420 masked %reduce_max3A_422 : vector<16xf32>, vector<16xi1> -> vector<16xf32>
        %reduce_max3A_424 = vector.extract %reduce_max3A_423[15] : f32 from vector<16xf32>
        scf.yield %masked_sort3A_415, %masked_sort3A_416, %reduce_max3A_424 : vector<16xf32>, vector<16xi32>, f32
      } else {
        scf.yield %scan3A_158, %scan3A_159, %scan3A_160 : vector<16xf32>, vector<16xi32>, f32
      }
      scf.yield %cond3A_204#0, %cond3A_204#1, %cond3A_204#2 : vector<16xf32>, vector<16xi32>, f32
    }
    %scan3A_64 = arith.constant 100 : i32
    %dma_start3A_65 = arith.constant 51200 : i32
    %dma_start3A_66 = tpu.memref_slice %arg2[%add3A, %dma_start3A_65] : memref<32x102400xf32, #tpu.memory_space<hbm>> -> memref<1x12800xf32, #tpu.memory_space<hbm>>
    %dma_start3A_67 = tpu.memref_squeeze %dma_start3A_66 : memref<1x12800xf32, #tpu.memory_space<hbm>> -> memref<12800xf32, #tpu.memory_space<hbm>>
    %dma_start3A_68 = arith.constant 51200 : i32
    %dma_start3A_69 = tpu.memref_slice %arg2[%add3A, %dma_start3A_68] : memref<32x102400xf32, #tpu.memory_space<hbm>> -> memref<1x12800xf32, #tpu.memory_space<hbm>>
    %dma_start3A_70 = tpu.memref_squeeze %dma_start3A_69 : memref<1x12800xf32, #tpu.memory_space<hbm>> -> memref<12800xf32, #tpu.memory_space<hbm>>
    tpu.enqueue_dma source(%dma_start3A_70 : memref<12800xf32, #tpu.memory_space<hbm>>) target(%arg5 : memref<12800xf32, #tpu.memory_space<vmem>>) target_semaphore(%arg9 : memref<!tpu.dma_semaphore, #tpu.memory_space<semaphore_mem>>)
    %dma_wait3A_71 = arith.constant 38400 : i32
    %dma_wait3A_72 = tpu.memref_slice %arg2[%add3A, %dma_wait3A_71] : memref<32x102400xf32, #tpu.memory_space<hbm>> -> memref<1x12800xf32, #tpu.memory_space<hbm>>
    %dma_wait3A_73 = tpu.memref_squeeze %dma_wait3A_72 : memref<1x12800xf32, #tpu.memory_space<hbm>> -> memref<12800xf32, #tpu.memory_space<hbm>>
    %dma_wait3A_74 = arith.constant 38400 : i32
    %dma_wait3A_75 = tpu.memref_slice %arg2[%add3A, %dma_wait3A_74] : memref<32x102400xf32, #tpu.memory_space<hbm>> -> memref<1x12800xf32, #tpu.memory_space<hbm>>
    %dma_wait3A_76 = tpu.memref_squeeze %dma_wait3A_75 : memref<1x12800xf32, #tpu.memory_space<hbm>> -> memref<12800xf32, #tpu.memory_space<hbm>>
    tpu.wait_dma2 semaphore(%arg10 : memref<!tpu.dma_semaphore, #tpu.memory_space<semaphore_mem>>) src(%dma_wait3A_76 : memref<12800xf32, #tpu.memory_space<hbm>>) dst(%arg6 : memref<12800xf32, #tpu.memory_space<vmem>>)
    %scan3A_77 = arith.constant 0xFF800000 : f32
    %scan3A_78 = arith.constant 0 : i32
    %scan3A_79 = arith.constant 100 : i32
    %scan3A_80 = arith.addi %scan3A_78, %scan3A_79 : i32
    %scan3A_81 = arith.constant 1 : i32
    %scan3A_82:3 = scf.for %scan3A_157 = %scan3A_78 to %scan3A_80 step %scan3A_81 iter_args(%scan3A_158 = %scan3A_63#0, %scan3A_159 = %scan3A_63#1, %scan3A_160 = %scan3A_63#2) -> (vector<16xf32>, vector<16xi32>, f32)  : i32 {
      %mul3A_161 = arith.constant 128 : i32
      %mul3A_162 = arith.muli %scan3A_157, %mul3A_161 : i32
      %add3A_163 = arith.constant 0 : i32
      %add3A_164 = arith.addi %mul3A_162, %add3A_163 : i32
      %get3A = arith.index_cast %add3A_164 : i32 to index
      %get3A_165 = tpu.vector_load %arg6[%get3A] {strides = array<i32>} : memref<12800xf32, #tpu.memory_space<vmem>>, vector<16xf32>,
      %add3A_166 = arith.constant 16 : i32
      %add3A_167 = arith.addi %mul3A_162, %add3A_166 : i32
      %get3A_168 = arith.index_cast %add3A_167 : i32 to index
      %get3A_169 = tpu.vector_load %arg6[%get3A_168] {strides = array<i32>} : memref<12800xf32, #tpu.memory_space<vmem>>, vector<16xf32>,
      %add3A_170 = arith.constant 32 : i32
      %add3A_171 = arith.addi %mul3A_162, %add3A_170 : i32
      %get3A_172 = arith.index_cast %add3A_171 : i32 to index
      %get3A_173 = tpu.vector_load %arg6[%get3A_172] {strides = array<i32>} : memref<12800xf32, #tpu.memory_space<vmem>>, vector<16xf32>,
      %add3A_174 = arith.constant 48 : i32
      %add3A_175 = arith.addi %mul3A_162, %add3A_174 : i32
      %get3A_176 = arith.index_cast %add3A_175 : i32 to index
      %get3A_177 = tpu.vector_load %arg6[%get3A_176] {strides = array<i32>} : memref<12800xf32, #tpu.memory_space<vmem>>, vector<16xf32>,
      %add3A_178 = arith.constant 64 : i32
      %add3A_179 = arith.addi %mul3A_162, %add3A_178 : i32
      %get3A_180 = arith.index_cast %add3A_179 : i32 to index
      %get3A_181 = tpu.vector_load %arg6[%get3A_180] {strides = array<i32>} : memref<12800xf32, #tpu.memory_space<vmem>>, vector<16xf32>,
      %add3A_182 = arith.constant 80 : i32
      %add3A_183 = arith.addi %mul3A_162, %add3A_182 : i32
      %get3A_184 = arith.index_cast %add3A_183 : i32 to index
      %get3A_185 = tpu.vector_load %arg6[%get3A_184] {strides = array<i32>} : memref<12800xf32, #tpu.memory_space<vmem>>, vector<16xf32>,
      %add3A_186 = arith.constant 96 : i32
      %add3A_187 = arith.addi %mul3A_162, %add3A_186 : i32
      %get3A_188 = arith.index_cast %add3A_187 : i32 to index
      %get3A_189 = tpu.vector_load %arg6[%get3A_188] {strides = array<i32>} : memref<12800xf32, #tpu.memory_space<vmem>>, vector<16xf32>,
      %add3A_190 = arith.constant 112 : i32
      %add3A_191 = arith.addi %mul3A_162, %add3A_190 : i32
      %get3A_192 = arith.index_cast %add3A_191 : i32 to index
      %get3A_193 = tpu.vector_load %arg6[%get3A_192] {strides = array<i32>} : memref<12800xf32, #tpu.memory_space<vmem>>, vector<16xf32>,
      %max3A = arith.maximumf %get3A_165, %get3A_169 : vector<16xf32>
      %max3A_194 = arith.maximumf %get3A_173, %get3A_177 : vector<16xf32>
      %max3A_195 = arith.maximumf %get3A_181, %get3A_185 : vector<16xf32>
      %max3A_196 = arith.maximumf %get3A_189, %get3A_193 : vector<16xf32>
      %max3A_197 = arith.maximumf %max3A, %max3A_194 : vector<16xf32>
      %max3A_198 = arith.maximumf %max3A_195, %max3A_196 : vector<16xf32>
      %max3A_199 = arith.maximumf %max3A_197, %max3A_198 : vector<16xf32>
      %reduce_max3A = arith.constant true
      %reduce_max3A_200 = vector.broadcast %reduce_max3A : i1 to vector<16xi1>
      %reduce_max3A_201 = tpu.scan <max>, %max3A_199 masked %reduce_max3A_200 : vector<16xf32>, vector<16xi1> -> vector<16xf32>
      %reduce_max3A_202 = vector.extract %reduce_max3A_201[15] : f32 from vector<16xf32>
      %gt3A = arith.cmpf ogt, %reduce_max3A_202, %scan3A_160 : f32
      %convert_element_type3A = arith.extui %gt3A : i1 to i32
      %cond3A = arith.constant 0 : i32
      %cond3A_203 = arith.cmpi ne, %convert_element_type3A, %cond3A : i32
      %cond3A_204:3 = scf.if %cond3A_203 -> (vector<16xf32>, vector<16xi32>, f32) {
        %add3A_205 = arith.constant 38400 : i32
        %add3A_206 = arith.addi %add3A_205, %mul3A_162 : i32
        %add3A_207 = arith.constant 0 : i32
        %add3A_208 = arith.addi %add3A_206, %add3A_207 : i32
        %broadcast_in_dim3A_209 = vector.broadcast %add3A_208 : i32 to vector<16xi32>
        %add3A_210 = arith.addi %broadcast_in_dim3A_209, %iota3A : vector<16xi32>
        %masked_sort3A = arith.constant dense<true> : vector<16xi1>
        %masked_sort3A_211, %masked_sort3A_212, %masked_sort3A_213 = tpu.sort %get3A_165, %add3A_210 masked %masked_sort3A {descending = true} : (vector<16xf32>, vector<16xi32>, vector<16xi1>) -> (vector<16xi1>, vector<16xf32>, vector<16xi32>)
        %rev3A = arith.constant 15 : i32
        %rev3A_214 = vector.broadcast %rev3A : i32 to vector<16xi32>
        %rev3A_215 = tpu.iota {dimensions = array<i32: 0>} : vector<16xi32>
        %rev3A_216 = arith.subi %rev3A_214, %rev3A_215 : vector<16xi32>
        %rev3A_217 = tpu.dynamic_gather %masked_sort3A_212[%rev3A_216] in [0] : vector<16xf32>, vector<16xi32> -> vector<16xf32>
        %rev3A_218 = arith.constant 15 : i32
        %rev3A_219 = vector.broadcast %rev3A_218 : i32 to vector<16xi32>
        %rev3A_220 = tpu.iota {dimensions = array<i32: 0>} : vector<16xi32>
        %rev3A_221 = arith.subi %rev3A_219, %rev3A_220 : vector<16xi32>
        %rev3A_222 = tpu.dynamic_gather %masked_sort3A_213[%rev3A_221] in [0] : vector<16xi32>, vector<16xi32> -> vector<16xi32>
        %ge3A = arith.cmpf oge, %scan3A_158, %rev3A_217 : vector<16xf32>
        %select_n3A = arith.select %ge3A, %scan3A_158, %rev3A_217 : vector<16xi1>, vector<16xf32>
        %select_n3A_223 = arith.select %ge3A, %scan3A_159, %rev3A_222 : vector<16xi1>, vector<16xi32>
        %masked_sort3A_224 = arith.constant dense<true> : vector<16xi1>
        %masked_sort3A_225, %masked_sort3A_226, %masked_sort3A_227 = tpu.sort %select_n3A, %select_n3A_223 masked %masked_sort3A_224 {descending = true} : (vector<16xf32>, vector<16xi32>, vector<16xi1>) -> (vector<16xi1>, vector<16xf32>, vector<16xi32>)
        %add3A_228 = arith.constant 38400 : i32
        %add3A_229 = arith.addi %add3A_228, %mul3A_162 : i32
        %add3A_230 = arith.constant 16 : i32
        %add3A_231 = arith.addi %add3A_229, %add3A_230 : i32
        %broadcast_in_dim3A_232 = vector.broadcast %add3A_231 : i32 to vector<16xi32>
        %add3A_233 = arith.addi %broadcast_in_dim3A_232, %iota3A : vector<16xi32>
        %masked_sort3A_234 = arith.constant dense<true> : vector<16xi1>
        %masked_sort3A_235, %masked_sort3A_236, %masked_sort3A_237 = tpu.sort %get3A_169, %add3A_233 masked %masked_sort3A_234 {descending = true} : (vector<16xf32>, vector<16xi32>, vector<16xi1>) -> (vector<16xi1>, vector<16xf32>, vector<16xi32>)
        %rev3A_238 = arith.constant 15 : i32
        %rev3A_239 = vector.broadcast %rev3A_238 : i32 to vector<16xi32>
        %rev3A_240 = tpu.iota {dimensions = array<i32: 0>} : vector<16xi32>
        %rev3A_241 = arith.subi %rev3A_239, %rev3A_240 : vector<16xi32>
        %rev3A_242 = tpu.dynamic_gather %masked_sort3A_236[%rev3A_241] in [0] : vector<16xf32>, vector<16xi32> -> vector<16xf32>
        %rev3A_243 = arith.constant 15 : i32
        %rev3A_244 = vector.broadcast %rev3A_243 : i32 to vector<16xi32>
        %rev3A_245 = tpu.iota {dimensions = array<i32: 0>} : vector<16xi32>
        %rev3A_246 = arith.subi %rev3A_244, %rev3A_245 : vector<16xi32>
        %rev3A_247 = tpu.dynamic_gather %masked_sort3A_237[%rev3A_246] in [0] : vector<16xi32>, vector<16xi32> -> vector<16xi32>
        %ge3A_248 = arith.cmpf oge, %masked_sort3A_226, %rev3A_242 : vector<16xf32>
        %select_n3A_249 = arith.select %ge3A_248, %masked_sort3A_226, %rev3A_242 : vector<16xi1>, vector<16xf32>
        %select_n3A_250 = arith.select %ge3A_248, %masked_sort3A_227, %rev3A_247 : vector<16xi1>, vector<16xi32>
        %masked_sort3A_251 = arith.constant dense<true> : vector<16xi1>
        %masked_sort3A_252, %masked_sort3A_253, %masked_sort3A_254 = tpu.sort %select_n3A_249, %select_n3A_250 masked %masked_sort3A_251 {descending = true} : (vector<16xf32>, vector<16xi32>, vector<16xi1>) -> (vector<16xi1>, vector<16xf32>, vector<16xi32>)
        %add3A_255 = arith.constant 38400 : i32
        %add3A_256 = arith.addi %add3A_255, %mul3A_162 : i32
        %add3A_257 = arith.constant 32 : i32
        %add3A_258 = arith.addi %add3A_256, %add3A_257 : i32
        %broadcast_in_dim3A_259 = vector.broadcast %add3A_258 : i32 to vector<16xi32>
        %add3A_260 = arith.addi %broadcast_in_dim3A_259, %iota3A : vector<16xi32>
        %masked_sort3A_261 = arith.constant dense<true> : vector<16xi1>
        %masked_sort3A_262, %masked_sort3A_263, %masked_sort3A_264 = tpu.sort %get3A_173, %add3A_260 masked %masked_sort3A_261 {descending = true} : (vector<16xf32>, vector<16xi32>, vector<16xi1>) -> (vector<16xi1>, vector<16xf32>, vector<16xi32>)
        %rev3A_265 = arith.constant 15 : i32
        %rev3A_266 = vector.broadcast %rev3A_265 : i32 to vector<16xi32>
        %rev3A_267 = tpu.iota {dimensions = array<i32: 0>} : vector<16xi32>
        %rev3A_268 = arith.subi %rev3A_266, %rev3A_267 : vector<16xi32>
        %rev3A_269 = tpu.dynamic_gather %masked_sort3A_263[%rev3A_268] in [0] : vector<16xf32>, vector<16xi32> -> vector<16xf32>
        %rev3A_270 = arith.constant 15 : i32
        %rev3A_271 = vector.broadcast %rev3A_270 : i32 to vector<16xi32>
        %rev3A_272 = tpu.iota {dimensions = array<i32: 0>} : vector<16xi32>
        %rev3A_273 = arith.subi %rev3A_271, %rev3A_272 : vector<16xi32>
        %rev3A_274 = tpu.dynamic_gather %masked_sort3A_264[%rev3A_273] in [0] : vector<16xi32>, vector<16xi32> -> vector<16xi32>
        %ge3A_275 = arith.cmpf oge, %masked_sort3A_253, %rev3A_269 : vector<16xf32>
        %select_n3A_276 = arith.select %ge3A_275, %masked_sort3A_253, %rev3A_269 : vector<16xi1>, vector<16xf32>
        %select_n3A_277 = arith.select %ge3A_275, %masked_sort3A_254, %rev3A_274 : vector<16xi1>, vector<16xi32>
        %masked_sort3A_278 = arith.constant dense<true> : vector<16xi1>
        %masked_sort3A_279, %masked_sort3A_280, %masked_sort3A_281 = tpu.sort %select_n3A_276, %select_n3A_277 masked %masked_sort3A_278 {descending = true} : (vector<16xf32>, vector<16xi32>, vector<16xi1>) -> (vector<16xi1>, vector<16xf32>, vector<16xi32>)
        %add3A_282 = arith.constant 38400 : i32
        %add3A_283 = arith.addi %add3A_282, %mul3A_162 : i32
        %add3A_284 = arith.constant 48 : i32
        %add3A_285 = arith.addi %add3A_283, %add3A_284 : i32
        %broadcast_in_dim3A_286 = vector.broadcast %add3A_285 : i32 to vector<16xi32>
        %add3A_287 = arith.addi %broadcast_in_dim3A_286, %iota3A : vector<16xi32>
        %masked_sort3A_288 = arith.constant dense<true> : vector<16xi1>
        %masked_sort3A_289, %masked_sort3A_290, %masked_sort3A_291 = tpu.sort %get3A_177, %add3A_287 masked %masked_sort3A_288 {descending = true} : (vector<16xf32>, vector<16xi32>, vector<16xi1>) -> (vector<16xi1>, vector<16xf32>, vector<16xi32>)
        %rev3A_292 = arith.constant 15 : i32
        %rev3A_293 = vector.broadcast %rev3A_292 : i32 to vector<16xi32>
        %rev3A_294 = tpu.iota {dimensions = array<i32: 0>} : vector<16xi32>
        %rev3A_295 = arith.subi %rev3A_293, %rev3A_294 : vector<16xi32>
        %rev3A_296 = tpu.dynamic_gather %masked_sort3A_290[%rev3A_295] in [0] : vector<16xf32>, vector<16xi32> -> vector<16xf32>
        %rev3A_297 = arith.constant 15 : i32
        %rev3A_298 = vector.broadcast %rev3A_297 : i32 to vector<16xi32>
        %rev3A_299 = tpu.iota {dimensions = array<i32: 0>} : vector<16xi32>
        %rev3A_300 = arith.subi %rev3A_298, %rev3A_299 : vector<16xi32>
        %rev3A_301 = tpu.dynamic_gather %masked_sort3A_291[%rev3A_300] in [0] : vector<16xi32>, vector<16xi32> -> vector<16xi32>
        %ge3A_302 = arith.cmpf oge, %masked_sort3A_280, %rev3A_296 : vector<16xf32>
        %select_n3A_303 = arith.select %ge3A_302, %masked_sort3A_280, %rev3A_296 : vector<16xi1>, vector<16xf32>
        %select_n3A_304 = arith.select %ge3A_302, %masked_sort3A_281, %rev3A_301 : vector<16xi1>, vector<16xi32>
        %masked_sort3A_305 = arith.constant dense<true> : vector<16xi1>
        %masked_sort3A_306, %masked_sort3A_307, %masked_sort3A_308 = tpu.sort %select_n3A_303, %select_n3A_304 masked %masked_sort3A_305 {descending = true} : (vector<16xf32>, vector<16xi32>, vector<16xi1>) -> (vector<16xi1>, vector<16xf32>, vector<16xi32>)
        %add3A_309 = arith.constant 38400 : i32
        %add3A_310 = arith.addi %add3A_309, %mul3A_162 : i32
        %add3A_311 = arith.constant 64 : i32
        %add3A_312 = arith.addi %add3A_310, %add3A_311 : i32
        %broadcast_in_dim3A_313 = vector.broadcast %add3A_312 : i32 to vector<16xi32>
        %add3A_314 = arith.addi %broadcast_in_dim3A_313, %iota3A : vector<16xi32>
        %masked_sort3A_315 = arith.constant dense<true> : vector<16xi1>
        %masked_sort3A_316, %masked_sort3A_317, %masked_sort3A_318 = tpu.sort %get3A_181, %add3A_314 masked %masked_sort3A_315 {descending = true} : (vector<16xf32>, vector<16xi32>, vector<16xi1>) -> (vector<16xi1>, vector<16xf32>, vector<16xi32>)
        %rev3A_319 = arith.constant 15 : i32
        %rev3A_320 = vector.broadcast %rev3A_319 : i32 to vector<16xi32>
        %rev3A_321 = tpu.iota {dimensions = array<i32: 0>} : vector<16xi32>
        %rev3A_322 = arith.subi %rev3A_320, %rev3A_321 : vector<16xi32>
        %rev3A_323 = tpu.dynamic_gather %masked_sort3A_317[%rev3A_322] in [0] : vector<16xf32>, vector<16xi32> -> vector<16xf32>
        %rev3A_324 = arith.constant 15 : i32
        %rev3A_325 = vector.broadcast %rev3A_324 : i32 to vector<16xi32>
        %rev3A_326 = tpu.iota {dimensions = array<i32: 0>} : vector<16xi32>
        %rev3A_327 = arith.subi %rev3A_325, %rev3A_326 : vector<16xi32>
        %rev3A_328 = tpu.dynamic_gather %masked_sort3A_318[%rev3A_327] in [0] : vector<16xi32>, vector<16xi32> -> vector<16xi32>
        %ge3A_329 = arith.cmpf oge, %masked_sort3A_307, %rev3A_323 : vector<16xf32>
        %select_n3A_330 = arith.select %ge3A_329, %masked_sort3A_307, %rev3A_323 : vector<16xi1>, vector<16xf32>
        %select_n3A_331 = arith.select %ge3A_329, %masked_sort3A_308, %rev3A_328 : vector<16xi1>, vector<16xi32>
        %masked_sort3A_332 = arith.constant dense<true> : vector<16xi1>
        %masked_sort3A_333, %masked_sort3A_334, %masked_sort3A_335 = tpu.sort %select_n3A_330, %select_n3A_331 masked %masked_sort3A_332 {descending = true} : (vector<16xf32>, vector<16xi32>, vector<16xi1>) -> (vector<16xi1>, vector<16xf32>, vector<16xi32>)
        %add3A_336 = arith.constant 38400 : i32
        %add3A_337 = arith.addi %add3A_336, %mul3A_162 : i32
        %add3A_338 = arith.constant 80 : i32
        %add3A_339 = arith.addi %add3A_337, %add3A_338 : i32
        %broadcast_in_dim3A_340 = vector.broadcast %add3A_339 : i32 to vector<16xi32>
        %add3A_341 = arith.addi %broadcast_in_dim3A_340, %iota3A : vector<16xi32>
        %masked_sort3A_342 = arith.constant dense<true> : vector<16xi1>
        %masked_sort3A_343, %masked_sort3A_344, %masked_sort3A_345 = tpu.sort %get3A_185, %add3A_341 masked %masked_sort3A_342 {descending = true} : (vector<16xf32>, vector<16xi32>, vector<16xi1>) -> (vector<16xi1>, vector<16xf32>, vector<16xi32>)
        %rev3A_346 = arith.constant 15 : i32
        %rev3A_347 = vector.broadcast %rev3A_346 : i32 to vector<16xi32>
        %rev3A_348 = tpu.iota {dimensions = array<i32: 0>} : vector<16xi32>
        %rev3A_349 = arith.subi %rev3A_347, %rev3A_348 : vector<16xi32>
        %rev3A_350 = tpu.dynamic_gather %masked_sort3A_344[%rev3A_349] in [0] : vector<16xf32>, vector<16xi32> -> vector<16xf32>
        %rev3A_351 = arith.constant 15 : i32
        %rev3A_352 = vector.broadcast %rev3A_351 : i32 to vector<16xi32>
        %rev3A_353 = tpu.iota {dimensions = array<i32: 0>} : vector<16xi32>
        %rev3A_354 = arith.subi %rev3A_352, %rev3A_353 : vector<16xi32>
        %rev3A_355 = tpu.dynamic_gather %masked_sort3A_345[%rev3A_354] in [0] : vector<16xi32>, vector<16xi32> -> vector<16xi32>
        %ge3A_356 = arith.cmpf oge, %masked_sort3A_334, %rev3A_350 : vector<16xf32>
        %select_n3A_357 = arith.select %ge3A_356, %masked_sort3A_334, %rev3A_350 : vector<16xi1>, vector<16xf32>
        %select_n3A_358 = arith.select %ge3A_356, %masked_sort3A_335, %rev3A_355 : vector<16xi1>, vector<16xi32>
        %masked_sort3A_359 = arith.constant dense<true> : vector<16xi1>
        %masked_sort3A_360, %masked_sort3A_361, %masked_sort3A_362 = tpu.sort %select_n3A_357, %select_n3A_358 masked %masked_sort3A_359 {descending = true} : (vector<16xf32>, vector<16xi32>, vector<16xi1>) -> (vector<16xi1>, vector<16xf32>, vector<16xi32>)
        %add3A_363 = arith.constant 38400 : i32
        %add3A_364 = arith.addi %add3A_363, %mul3A_162 : i32
        %add3A_365 = arith.constant 96 : i32
        %add3A_366 = arith.addi %add3A_364, %add3A_365 : i32
        %broadcast_in_dim3A_367 = vector.broadcast %add3A_366 : i32 to vector<16xi32>
        %add3A_368 = arith.addi %broadcast_in_dim3A_367, %iota3A : vector<16xi32>
        %masked_sort3A_369 = arith.constant dense<true> : vector<16xi1>
        %masked_sort3A_370, %masked_sort3A_371, %masked_sort3A_372 = tpu.sort %get3A_189, %add3A_368 masked %masked_sort3A_369 {descending = true} : (vector<16xf32>, vector<16xi32>, vector<16xi1>) -> (vector<16xi1>, vector<16xf32>, vector<16xi32>)
        %rev3A_373 = arith.constant 15 : i32
        %rev3A_374 = vector.broadcast %rev3A_373 : i32 to vector<16xi32>
        %rev3A_375 = tpu.iota {dimensions = array<i32: 0>} : vector<16xi32>
        %rev3A_376 = arith.subi %rev3A_374, %rev3A_375 : vector<16xi32>
        %rev3A_377 = tpu.dynamic_gather %masked_sort3A_371[%rev3A_376] in [0] : vector<16xf32>, vector<16xi32> -> vector<16xf32>
        %rev3A_378 = arith.constant 15 : i32
        %rev3A_379 = vector.broadcast %rev3A_378 : i32 to vector<16xi32>
        %rev3A_380 = tpu.iota {dimensions = array<i32: 0>} : vector<16xi32>
        %rev3A_381 = arith.subi %rev3A_379, %rev3A_380 : vector<16xi32>
        %rev3A_382 = tpu.dynamic_gather %masked_sort3A_372[%rev3A_381] in [0] : vector<16xi32>, vector<16xi32> -> vector<16xi32>
        %ge3A_383 = arith.cmpf oge, %masked_sort3A_361, %rev3A_377 : vector<16xf32>
        %select_n3A_384 = arith.select %ge3A_383, %masked_sort3A_361, %rev3A_377 : vector<16xi1>, vector<16xf32>
        %select_n3A_385 = arith.select %ge3A_383, %masked_sort3A_362, %rev3A_382 : vector<16xi1>, vector<16xi32>
        %masked_sort3A_386 = arith.constant dense<true> : vector<16xi1>
        %masked_sort3A_387, %masked_sort3A_388, %masked_sort3A_389 = tpu.sort %select_n3A_384, %select_n3A_385 masked %masked_sort3A_386 {descending = true} : (vector<16xf32>, vector<16xi32>, vector<16xi1>) -> (vector<16xi1>, vector<16xf32>, vector<16xi32>)
        %add3A_390 = arith.constant 38400 : i32
        %add3A_391 = arith.addi %add3A_390, %mul3A_162 : i32
        %add3A_392 = arith.constant 112 : i32
        %add3A_393 = arith.addi %add3A_391, %add3A_392 : i32
        %broadcast_in_dim3A_394 = vector.broadcast %add3A_393 : i32 to vector<16xi32>
        %add3A_395 = arith.addi %broadcast_in_dim3A_394, %iota3A : vector<16xi32>
        %masked_sort3A_396 = arith.constant dense<true> : vector<16xi1>
        %masked_sort3A_397, %masked_sort3A_398, %masked_sort3A_399 = tpu.sort %get3A_193, %add3A_395 masked %masked_sort3A_396 {descending = true} : (vector<16xf32>, vector<16xi32>, vector<16xi1>) -> (vector<16xi1>, vector<16xf32>, vector<16xi32>)
        %rev3A_400 = arith.constant 15 : i32
        %rev3A_401 = vector.broadcast %rev3A_400 : i32 to vector<16xi32>
        %rev3A_402 = tpu.iota {dimensions = array<i32: 0>} : vector<16xi32>
        %rev3A_403 = arith.subi %rev3A_401, %rev3A_402 : vector<16xi32>
        %rev3A_404 = tpu.dynamic_gather %masked_sort3A_398[%rev3A_403] in [0] : vector<16xf32>, vector<16xi32> -> vector<16xf32>
        %rev3A_405 = arith.constant 15 : i32
        %rev3A_406 = vector.broadcast %rev3A_405 : i32 to vector<16xi32>
        %rev3A_407 = tpu.iota {dimensions = array<i32: 0>} : vector<16xi32>
        %rev3A_408 = arith.subi %rev3A_406, %rev3A_407 : vector<16xi32>
        %rev3A_409 = tpu.dynamic_gather %masked_sort3A_399[%rev3A_408] in [0] : vector<16xi32>, vector<16xi32> -> vector<16xi32>
        %ge3A_410 = arith.cmpf oge, %masked_sort3A_388, %rev3A_404 : vector<16xf32>
        %select_n3A_411 = arith.select %ge3A_410, %masked_sort3A_388, %rev3A_404 : vector<16xi1>, vector<16xf32>
        %select_n3A_412 = arith.select %ge3A_410, %masked_sort3A_389, %rev3A_409 : vector<16xi1>, vector<16xi32>
        %masked_sort3A_413 = arith.constant dense<true> : vector<16xi1>
        %masked_sort3A_414, %masked_sort3A_415, %masked_sort3A_416 = tpu.sort %select_n3A_411, %select_n3A_412 masked %masked_sort3A_413 {descending = true} : (vector<16xf32>, vector<16xi32>, vector<16xi1>) -> (vector<16xi1>, vector<16xf32>, vector<16xi32>)
        %eq3A = arith.constant 7 : i32
        %eq3A_417 = vector.broadcast %eq3A : i32 to vector<16xi32>
        %eq3A_418 = arith.cmpi eq, %iota3A, %eq3A_417 : vector<16xi32>
        %broadcast_in_dim3A_419 = vector.broadcast %scan3A_77 : f32 to vector<16xf32>
        %select_n3A_420 = arith.select %eq3A_418, %masked_sort3A_415, %broadcast_in_dim3A_419 : vector<16xi1>, vector<16xf32>
        %reduce_max3A_421 = arith.constant true
        %reduce_max3A_422 = vector.broadcast %reduce_max3A_421 : i1 to vector<16xi1>
        %reduce_max3A_423 = tpu.scan <max>, %select_n3A_420 masked %reduce_max3A_422 : vector<16xf32>, vector<16xi1> -> vector<16xf32>
        %reduce_max3A_424 = vector.extract %reduce_max3A_423[15] : f32 from vector<16xf32>
        scf.yield %masked_sort3A_415, %masked_sort3A_416, %reduce_max3A_424 : vector<16xf32>, vector<16xi32>, f32
      } else {
        scf.yield %scan3A_158, %scan3A_159, %scan3A_160 : vector<16xf32>, vector<16xi32>, f32
      }
      scf.yield %cond3A_204#0, %cond3A_204#1, %cond3A_204#2 : vector<16xf32>, vector<16xi32>, f32
    }
    %scan3A_83 = arith.constant 100 : i32
    %dma_start3A_84 = arith.constant 64000 : i32
    %dma_start3A_85 = tpu.memref_slice %arg2[%add3A, %dma_start3A_84] : memref<32x102400xf32, #tpu.memory_space<hbm>> -> memref<1x12800xf32, #tpu.memory_space<hbm>>
    %dma_start3A_86 = tpu.memref_squeeze %dma_start3A_85 : memref<1x12800xf32, #tpu.memory_space<hbm>> -> memref<12800xf32, #tpu.memory_space<hbm>>
    %dma_start3A_87 = arith.constant 64000 : i32
    %dma_start3A_88 = tpu.memref_slice %arg2[%add3A, %dma_start3A_87] : memref<32x102400xf32, #tpu.memory_space<hbm>> -> memref<1x12800xf32, #tpu.memory_space<hbm>>
    %dma_start3A_89 = tpu.memref_squeeze %dma_start3A_88 : memref<1x12800xf32, #tpu.memory_space<hbm>> -> memref<12800xf32, #tpu.memory_space<hbm>>
    tpu.enqueue_dma source(%dma_start3A_89 : memref<12800xf32, #tpu.memory_space<hbm>>) target(%arg6 : memref<12800xf32, #tpu.memory_space<vmem>>) target_semaphore(%arg10 : memref<!tpu.dma_semaphore, #tpu.memory_space<semaphore_mem>>)
    %dma_wait3A_90 = arith.constant 51200 : i32
    %dma_wait3A_91 = tpu.memref_slice %arg2[%add3A, %dma_wait3A_90] : memref<32x102400xf32, #tpu.memory_space<hbm>> -> memref<1x12800xf32, #tpu.memory_space<hbm>>
    %dma_wait3A_92 = tpu.memref_squeeze %dma_wait3A_91 : memref<1x12800xf32, #tpu.memory_space<hbm>> -> memref<12800xf32, #tpu.memory_space<hbm>>
    %dma_wait3A_93 = arith.constant 51200 : i32
    %dma_wait3A_94 = tpu.memref_slice %arg2[%add3A, %dma_wait3A_93] : memref<32x102400xf32, #tpu.memory_space<hbm>> -> memref<1x12800xf32, #tpu.memory_space<hbm>>
    %dma_wait3A_95 = tpu.memref_squeeze %dma_wait3A_94 : memref<1x12800xf32, #tpu.memory_space<hbm>> -> memref<12800xf32, #tpu.memory_space<hbm>>
    tpu.wait_dma2 semaphore(%arg9 : memref<!tpu.dma_semaphore, #tpu.memory_space<semaphore_mem>>) src(%dma_wait3A_95 : memref<12800xf32, #tpu.memory_space<hbm>>) dst(%arg5 : memref<12800xf32, #tpu.memory_space<vmem>>)
    %scan3A_96 = arith.constant 0xFF800000 : f32
    %scan3A_97 = arith.constant 0 : i32
    %scan3A_98 = arith.constant 100 : i32
    %scan3A_99 = arith.addi %scan3A_97, %scan3A_98 : i32
    %scan3A_100 = arith.constant 1 : i32
    %scan3A_101:3 = scf.for %scan3A_157 = %scan3A_97 to %scan3A_99 step %scan3A_100 iter_args(%scan3A_158 = %scan3A_82#0, %scan3A_159 = %scan3A_82#1, %scan3A_160 = %scan3A_82#2) -> (vector<16xf32>, vector<16xi32>, f32)  : i32 {
      %mul3A_161 = arith.constant 128 : i32
      %mul3A_162 = arith.muli %scan3A_157, %mul3A_161 : i32
      %add3A_163 = arith.constant 0 : i32
      %add3A_164 = arith.addi %mul3A_162, %add3A_163 : i32
      %get3A = arith.index_cast %add3A_164 : i32 to index
      %get3A_165 = tpu.vector_load %arg5[%get3A] {strides = array<i32>} : memref<12800xf32, #tpu.memory_space<vmem>>, vector<16xf32>,
      %add3A_166 = arith.constant 16 : i32
      %add3A_167 = arith.addi %mul3A_162, %add3A_166 : i32
      %get3A_168 = arith.index_cast %add3A_167 : i32 to index
      %get3A_169 = tpu.vector_load %arg5[%get3A_168] {strides = array<i32>} : memref<12800xf32, #tpu.memory_space<vmem>>, vector<16xf32>,
      %add3A_170 = arith.constant 32 : i32
      %add3A_171 = arith.addi %mul3A_162, %add3A_170 : i32
      %get3A_172 = arith.index_cast %add3A_171 : i32 to index
      %get3A_173 = tpu.vector_load %arg5[%get3A_172] {strides = array<i32>} : memref<12800xf32, #tpu.memory_space<vmem>>, vector<16xf32>,
      %add3A_174 = arith.constant 48 : i32
      %add3A_175 = arith.addi %mul3A_162, %add3A_174 : i32
      %get3A_176 = arith.index_cast %add3A_175 : i32 to index
      %get3A_177 = tpu.vector_load %arg5[%get3A_176] {strides = array<i32>} : memref<12800xf32, #tpu.memory_space<vmem>>, vector<16xf32>,
      %add3A_178 = arith.constant 64 : i32
      %add3A_179 = arith.addi %mul3A_162, %add3A_178 : i32
      %get3A_180 = arith.index_cast %add3A_179 : i32 to index
      %get3A_181 = tpu.vector_load %arg5[%get3A_180] {strides = array<i32>} : memref<12800xf32, #tpu.memory_space<vmem>>, vector<16xf32>,
      %add3A_182 = arith.constant 80 : i32
      %add3A_183 = arith.addi %mul3A_162, %add3A_182 : i32
      %get3A_184 = arith.index_cast %add3A_183 : i32 to index
      %get3A_185 = tpu.vector_load %arg5[%get3A_184] {strides = array<i32>} : memref<12800xf32, #tpu.memory_space<vmem>>, vector<16xf32>,
      %add3A_186 = arith.constant 96 : i32
      %add3A_187 = arith.addi %mul3A_162, %add3A_186 : i32
      %get3A_188 = arith.index_cast %add3A_187 : i32 to index
      %get3A_189 = tpu.vector_load %arg5[%get3A_188] {strides = array<i32>} : memref<12800xf32, #tpu.memory_space<vmem>>, vector<16xf32>,
      %add3A_190 = arith.constant 112 : i32
      %add3A_191 = arith.addi %mul3A_162, %add3A_190 : i32
      %get3A_192 = arith.index_cast %add3A_191 : i32 to index
      %get3A_193 = tpu.vector_load %arg5[%get3A_192] {strides = array<i32>} : memref<12800xf32, #tpu.memory_space<vmem>>, vector<16xf32>,
      %max3A = arith.maximumf %get3A_165, %get3A_169 : vector<16xf32>
      %max3A_194 = arith.maximumf %get3A_173, %get3A_177 : vector<16xf32>
      %max3A_195 = arith.maximumf %get3A_181, %get3A_185 : vector<16xf32>
      %max3A_196 = arith.maximumf %get3A_189, %get3A_193 : vector<16xf32>
      %max3A_197 = arith.maximumf %max3A, %max3A_194 : vector<16xf32>
      %max3A_198 = arith.maximumf %max3A_195, %max3A_196 : vector<16xf32>
      %max3A_199 = arith.maximumf %max3A_197, %max3A_198 : vector<16xf32>
      %reduce_max3A = arith.constant true
      %reduce_max3A_200 = vector.broadcast %reduce_max3A : i1 to vector<16xi1>
      %reduce_max3A_201 = tpu.scan <max>, %max3A_199 masked %reduce_max3A_200 : vector<16xf32>, vector<16xi1> -> vector<16xf32>
      %reduce_max3A_202 = vector.extract %reduce_max3A_201[15] : f32 from vector<16xf32>
      %gt3A = arith.cmpf ogt, %reduce_max3A_202, %scan3A_160 : f32
      %convert_element_type3A = arith.extui %gt3A : i1 to i32
      %cond3A = arith.constant 0 : i32
      %cond3A_203 = arith.cmpi ne, %convert_element_type3A, %cond3A : i32
      %cond3A_204:3 = scf.if %cond3A_203 -> (vector<16xf32>, vector<16xi32>, f32) {
        %add3A_205 = arith.constant 51200 : i32
        %add3A_206 = arith.addi %add3A_205, %mul3A_162 : i32
        %add3A_207 = arith.constant 0 : i32
        %add3A_208 = arith.addi %add3A_206, %add3A_207 : i32
        %broadcast_in_dim3A_209 = vector.broadcast %add3A_208 : i32 to vector<16xi32>
        %add3A_210 = arith.addi %broadcast_in_dim3A_209, %iota3A : vector<16xi32>
        %masked_sort3A = arith.constant dense<true> : vector<16xi1>
        %masked_sort3A_211, %masked_sort3A_212, %masked_sort3A_213 = tpu.sort %get3A_165, %add3A_210 masked %masked_sort3A {descending = true} : (vector<16xf32>, vector<16xi32>, vector<16xi1>) -> (vector<16xi1>, vector<16xf32>, vector<16xi32>)
        %rev3A = arith.constant 15 : i32
        %rev3A_214 = vector.broadcast %rev3A : i32 to vector<16xi32>
        %rev3A_215 = tpu.iota {dimensions = array<i32: 0>} : vector<16xi32>
        %rev3A_216 = arith.subi %rev3A_214, %rev3A_215 : vector<16xi32>
        %rev3A_217 = tpu.dynamic_gather %masked_sort3A_212[%rev3A_216] in [0] : vector<16xf32>, vector<16xi32> -> vector<16xf32>
        %rev3A_218 = arith.constant 15 : i32
        %rev3A_219 = vector.broadcast %rev3A_218 : i32 to vector<16xi32>
        %rev3A_220 = tpu.iota {dimensions = array<i32: 0>} : vector<16xi32>
        %rev3A_221 = arith.subi %rev3A_219, %rev3A_220 : vector<16xi32>
        %rev3A_222 = tpu.dynamic_gather %masked_sort3A_213[%rev3A_221] in [0] : vector<16xi32>, vector<16xi32> -> vector<16xi32>
        %ge3A = arith.cmpf oge, %scan3A_158, %rev3A_217 : vector<16xf32>
        %select_n3A = arith.select %ge3A, %scan3A_158, %rev3A_217 : vector<16xi1>, vector<16xf32>
        %select_n3A_223 = arith.select %ge3A, %scan3A_159, %rev3A_222 : vector<16xi1>, vector<16xi32>
        %masked_sort3A_224 = arith.constant dense<true> : vector<16xi1>
        %masked_sort3A_225, %masked_sort3A_226, %masked_sort3A_227 = tpu.sort %select_n3A, %select_n3A_223 masked %masked_sort3A_224 {descending = true} : (vector<16xf32>, vector<16xi32>, vector<16xi1>) -> (vector<16xi1>, vector<16xf32>, vector<16xi32>)
        %add3A_228 = arith.constant 51200 : i32
        %add3A_229 = arith.addi %add3A_228, %mul3A_162 : i32
        %add3A_230 = arith.constant 16 : i32
        %add3A_231 = arith.addi %add3A_229, %add3A_230 : i32
        %broadcast_in_dim3A_232 = vector.broadcast %add3A_231 : i32 to vector<16xi32>
        %add3A_233 = arith.addi %broadcast_in_dim3A_232, %iota3A : vector<16xi32>
        %masked_sort3A_234 = arith.constant dense<true> : vector<16xi1>
        %masked_sort3A_235, %masked_sort3A_236, %masked_sort3A_237 = tpu.sort %get3A_169, %add3A_233 masked %masked_sort3A_234 {descending = true} : (vector<16xf32>, vector<16xi32>, vector<16xi1>) -> (vector<16xi1>, vector<16xf32>, vector<16xi32>)
        %rev3A_238 = arith.constant 15 : i32
        %rev3A_239 = vector.broadcast %rev3A_238 : i32 to vector<16xi32>
        %rev3A_240 = tpu.iota {dimensions = array<i32: 0>} : vector<16xi32>
        %rev3A_241 = arith.subi %rev3A_239, %rev3A_240 : vector<16xi32>
        %rev3A_242 = tpu.dynamic_gather %masked_sort3A_236[%rev3A_241] in [0] : vector<16xf32>, vector<16xi32> -> vector<16xf32>
        %rev3A_243 = arith.constant 15 : i32
        %rev3A_244 = vector.broadcast %rev3A_243 : i32 to vector<16xi32>
        %rev3A_245 = tpu.iota {dimensions = array<i32: 0>} : vector<16xi32>
        %rev3A_246 = arith.subi %rev3A_244, %rev3A_245 : vector<16xi32>
        %rev3A_247 = tpu.dynamic_gather %masked_sort3A_237[%rev3A_246] in [0] : vector<16xi32>, vector<16xi32> -> vector<16xi32>
        %ge3A_248 = arith.cmpf oge, %masked_sort3A_226, %rev3A_242 : vector<16xf32>
        %select_n3A_249 = arith.select %ge3A_248, %masked_sort3A_226, %rev3A_242 : vector<16xi1>, vector<16xf32>
        %select_n3A_250 = arith.select %ge3A_248, %masked_sort3A_227, %rev3A_247 : vector<16xi1>, vector<16xi32>
        %masked_sort3A_251 = arith.constant dense<true> : vector<16xi1>
        %masked_sort3A_252, %masked_sort3A_253, %masked_sort3A_254 = tpu.sort %select_n3A_249, %select_n3A_250 masked %masked_sort3A_251 {descending = true} : (vector<16xf32>, vector<16xi32>, vector<16xi1>) -> (vector<16xi1>, vector<16xf32>, vector<16xi32>)
        %add3A_255 = arith.constant 51200 : i32
        %add3A_256 = arith.addi %add3A_255, %mul3A_162 : i32
        %add3A_257 = arith.constant 32 : i32
        %add3A_258 = arith.addi %add3A_256, %add3A_257 : i32
        %broadcast_in_dim3A_259 = vector.broadcast %add3A_258 : i32 to vector<16xi32>
        %add3A_260 = arith.addi %broadcast_in_dim3A_259, %iota3A : vector<16xi32>
        %masked_sort3A_261 = arith.constant dense<true> : vector<16xi1>
        %masked_sort3A_262, %masked_sort3A_263, %masked_sort3A_264 = tpu.sort %get3A_173, %add3A_260 masked %masked_sort3A_261 {descending = true} : (vector<16xf32>, vector<16xi32>, vector<16xi1>) -> (vector<16xi1>, vector<16xf32>, vector<16xi32>)
        %rev3A_265 = arith.constant 15 : i32
        %rev3A_266 = vector.broadcast %rev3A_265 : i32 to vector<16xi32>
        %rev3A_267 = tpu.iota {dimensions = array<i32: 0>} : vector<16xi32>
        %rev3A_268 = arith.subi %rev3A_266, %rev3A_267 : vector<16xi32>
        %rev3A_269 = tpu.dynamic_gather %masked_sort3A_263[%rev3A_268] in [0] : vector<16xf32>, vector<16xi32> -> vector<16xf32>
        %rev3A_270 = arith.constant 15 : i32
        %rev3A_271 = vector.broadcast %rev3A_270 : i32 to vector<16xi32>
        %rev3A_272 = tpu.iota {dimensions = array<i32: 0>} : vector<16xi32>
        %rev3A_273 = arith.subi %rev3A_271, %rev3A_272 : vector<16xi32>
        %rev3A_274 = tpu.dynamic_gather %masked_sort3A_264[%rev3A_273] in [0] : vector<16xi32>, vector<16xi32> -> vector<16xi32>
        %ge3A_275 = arith.cmpf oge, %masked_sort3A_253, %rev3A_269 : vector<16xf32>
        %select_n3A_276 = arith.select %ge3A_275, %masked_sort3A_253, %rev3A_269 : vector<16xi1>, vector<16xf32>
        %select_n3A_277 = arith.select %ge3A_275, %masked_sort3A_254, %rev3A_274 : vector<16xi1>, vector<16xi32>
        %masked_sort3A_278 = arith.constant dense<true> : vector<16xi1>
        %masked_sort3A_279, %masked_sort3A_280, %masked_sort3A_281 = tpu.sort %select_n3A_276, %select_n3A_277 masked %masked_sort3A_278 {descending = true} : (vector<16xf32>, vector<16xi32>, vector<16xi1>) -> (vector<16xi1>, vector<16xf32>, vector<16xi32>)
        %add3A_282 = arith.constant 51200 : i32
        %add3A_283 = arith.addi %add3A_282, %mul3A_162 : i32
        %add3A_284 = arith.constant 48 : i32
        %add3A_285 = arith.addi %add3A_283, %add3A_284 : i32
        %broadcast_in_dim3A_286 = vector.broadcast %add3A_285 : i32 to vector<16xi32>
        %add3A_287 = arith.addi %broadcast_in_dim3A_286, %iota3A : vector<16xi32>
        %masked_sort3A_288 = arith.constant dense<true> : vector<16xi1>
        %masked_sort3A_289, %masked_sort3A_290, %masked_sort3A_291 = tpu.sort %get3A_177, %add3A_287 masked %masked_sort3A_288 {descending = true} : (vector<16xf32>, vector<16xi32>, vector<16xi1>) -> (vector<16xi1>, vector<16xf32>, vector<16xi32>)
        %rev3A_292 = arith.constant 15 : i32
        %rev3A_293 = vector.broadcast %rev3A_292 : i32 to vector<16xi32>
        %rev3A_294 = tpu.iota {dimensions = array<i32: 0>} : vector<16xi32>
        %rev3A_295 = arith.subi %rev3A_293, %rev3A_294 : vector<16xi32>
        %rev3A_296 = tpu.dynamic_gather %masked_sort3A_290[%rev3A_295] in [0] : vector<16xf32>, vector<16xi32> -> vector<16xf32>
        %rev3A_297 = arith.constant 15 : i32
        %rev3A_298 = vector.broadcast %rev3A_297 : i32 to vector<16xi32>
        %rev3A_299 = tpu.iota {dimensions = array<i32: 0>} : vector<16xi32>
        %rev3A_300 = arith.subi %rev3A_298, %rev3A_299 : vector<16xi32>
        %rev3A_301 = tpu.dynamic_gather %masked_sort3A_291[%rev3A_300] in [0] : vector<16xi32>, vector<16xi32> -> vector<16xi32>
        %ge3A_302 = arith.cmpf oge, %masked_sort3A_280, %rev3A_296 : vector<16xf32>
        %select_n3A_303 = arith.select %ge3A_302, %masked_sort3A_280, %rev3A_296 : vector<16xi1>, vector<16xf32>
        %select_n3A_304 = arith.select %ge3A_302, %masked_sort3A_281, %rev3A_301 : vector<16xi1>, vector<16xi32>
        %masked_sort3A_305 = arith.constant dense<true> : vector<16xi1>
        %masked_sort3A_306, %masked_sort3A_307, %masked_sort3A_308 = tpu.sort %select_n3A_303, %select_n3A_304 masked %masked_sort3A_305 {descending = true} : (vector<16xf32>, vector<16xi32>, vector<16xi1>) -> (vector<16xi1>, vector<16xf32>, vector<16xi32>)
        %add3A_309 = arith.constant 51200 : i32
        %add3A_310 = arith.addi %add3A_309, %mul3A_162 : i32
        %add3A_311 = arith.constant 64 : i32
        %add3A_312 = arith.addi %add3A_310, %add3A_311 : i32
        %broadcast_in_dim3A_313 = vector.broadcast %add3A_312 : i32 to vector<16xi32>
        %add3A_314 = arith.addi %broadcast_in_dim3A_313, %iota3A : vector<16xi32>
        %masked_sort3A_315 = arith.constant dense<true> : vector<16xi1>
        %masked_sort3A_316, %masked_sort3A_317, %masked_sort3A_318 = tpu.sort %get3A_181, %add3A_314 masked %masked_sort3A_315 {descending = true} : (vector<16xf32>, vector<16xi32>, vector<16xi1>) -> (vector<16xi1>, vector<16xf32>, vector<16xi32>)
        %rev3A_319 = arith.constant 15 : i32
        %rev3A_320 = vector.broadcast %rev3A_319 : i32 to vector<16xi32>
        %rev3A_321 = tpu.iota {dimensions = array<i32: 0>} : vector<16xi32>
        %rev3A_322 = arith.subi %rev3A_320, %rev3A_321 : vector<16xi32>
        %rev3A_323 = tpu.dynamic_gather %masked_sort3A_317[%rev3A_322] in [0] : vector<16xf32>, vector<16xi32> -> vector<16xf32>
        %rev3A_324 = arith.constant 15 : i32
        %rev3A_325 = vector.broadcast %rev3A_324 : i32 to vector<16xi32>
        %rev3A_326 = tpu.iota {dimensions = array<i32: 0>} : vector<16xi32>
        %rev3A_327 = arith.subi %rev3A_325, %rev3A_326 : vector<16xi32>
        %rev3A_328 = tpu.dynamic_gather %masked_sort3A_318[%rev3A_327] in [0] : vector<16xi32>, vector<16xi32> -> vector<16xi32>
        %ge3A_329 = arith.cmpf oge, %masked_sort3A_307, %rev3A_323 : vector<16xf32>
        %select_n3A_330 = arith.select %ge3A_329, %masked_sort3A_307, %rev3A_323 : vector<16xi1>, vector<16xf32>
        %select_n3A_331 = arith.select %ge3A_329, %masked_sort3A_308, %rev3A_328 : vector<16xi1>, vector<16xi32>
        %masked_sort3A_332 = arith.constant dense<true> : vector<16xi1>
        %masked_sort3A_333, %masked_sort3A_334, %masked_sort3A_335 = tpu.sort %select_n3A_330, %select_n3A_331 masked %masked_sort3A_332 {descending = true} : (vector<16xf32>, vector<16xi32>, vector<16xi1>) -> (vector<16xi1>, vector<16xf32>, vector<16xi32>)
        %add3A_336 = arith.constant 51200 : i32
        %add3A_337 = arith.addi %add3A_336, %mul3A_162 : i32
        %add3A_338 = arith.constant 80 : i32
        %add3A_339 = arith.addi %add3A_337, %add3A_338 : i32
        %broadcast_in_dim3A_340 = vector.broadcast %add3A_339 : i32 to vector<16xi32>
        %add3A_341 = arith.addi %broadcast_in_dim3A_340, %iota3A : vector<16xi32>
        %masked_sort3A_342 = arith.constant dense<true> : vector<16xi1>
        %masked_sort3A_343, %masked_sort3A_344, %masked_sort3A_345 = tpu.sort %get3A_185, %add3A_341 masked %masked_sort3A_342 {descending = true} : (vector<16xf32>, vector<16xi32>, vector<16xi1>) -> (vector<16xi1>, vector<16xf32>, vector<16xi32>)
        %rev3A_346 = arith.constant 15 : i32
        %rev3A_347 = vector.broadcast %rev3A_346 : i32 to vector<16xi32>
        %rev3A_348 = tpu.iota {dimensions = array<i32: 0>} : vector<16xi32>
        %rev3A_349 = arith.subi %rev3A_347, %rev3A_348 : vector<16xi32>
        %rev3A_350 = tpu.dynamic_gather %masked_sort3A_344[%rev3A_349] in [0] : vector<16xf32>, vector<16xi32> -> vector<16xf32>
        %rev3A_351 = arith.constant 15 : i32
        %rev3A_352 = vector.broadcast %rev3A_351 : i32 to vector<16xi32>
        %rev3A_353 = tpu.iota {dimensions = array<i32: 0>} : vector<16xi32>
        %rev3A_354 = arith.subi %rev3A_352, %rev3A_353 : vector<16xi32>
        %rev3A_355 = tpu.dynamic_gather %masked_sort3A_345[%rev3A_354] in [0] : vector<16xi32>, vector<16xi32> -> vector<16xi32>
        %ge3A_356 = arith.cmpf oge, %masked_sort3A_334, %rev3A_350 : vector<16xf32>
        %select_n3A_357 = arith.select %ge3A_356, %masked_sort3A_334, %rev3A_350 : vector<16xi1>, vector<16xf32>
        %select_n3A_358 = arith.select %ge3A_356, %masked_sort3A_335, %rev3A_355 : vector<16xi1>, vector<16xi32>
        %masked_sort3A_359 = arith.constant dense<true> : vector<16xi1>
        %masked_sort3A_360, %masked_sort3A_361, %masked_sort3A_362 = tpu.sort %select_n3A_357, %select_n3A_358 masked %masked_sort3A_359 {descending = true} : (vector<16xf32>, vector<16xi32>, vector<16xi1>) -> (vector<16xi1>, vector<16xf32>, vector<16xi32>)
        %add3A_363 = arith.constant 51200 : i32
        %add3A_364 = arith.addi %add3A_363, %mul3A_162 : i32
        %add3A_365 = arith.constant 96 : i32
        %add3A_366 = arith.addi %add3A_364, %add3A_365 : i32
        %broadcast_in_dim3A_367 = vector.broadcast %add3A_366 : i32 to vector<16xi32>
        %add3A_368 = arith.addi %broadcast_in_dim3A_367, %iota3A : vector<16xi32>
        %masked_sort3A_369 = arith.constant dense<true> : vector<16xi1>
        %masked_sort3A_370, %masked_sort3A_371, %masked_sort3A_372 = tpu.sort %get3A_189, %add3A_368 masked %masked_sort3A_369 {descending = true} : (vector<16xf32>, vector<16xi32>, vector<16xi1>) -> (vector<16xi1>, vector<16xf32>, vector<16xi32>)
        %rev3A_373 = arith.constant 15 : i32
        %rev3A_374 = vector.broadcast %rev3A_373 : i32 to vector<16xi32>
        %rev3A_375 = tpu.iota {dimensions = array<i32: 0>} : vector<16xi32>
        %rev3A_376 = arith.subi %rev3A_374, %rev3A_375 : vector<16xi32>
        %rev3A_377 = tpu.dynamic_gather %masked_sort3A_371[%rev3A_376] in [0] : vector<16xf32>, vector<16xi32> -> vector<16xf32>
        %rev3A_378 = arith.constant 15 : i32
        %rev3A_379 = vector.broadcast %rev3A_378 : i32 to vector<16xi32>
        %rev3A_380 = tpu.iota {dimensions = array<i32: 0>} : vector<16xi32>
        %rev3A_381 = arith.subi %rev3A_379, %rev3A_380 : vector<16xi32>
        %rev3A_382 = tpu.dynamic_gather %masked_sort3A_372[%rev3A_381] in [0] : vector<16xi32>, vector<16xi32> -> vector<16xi32>
        %ge3A_383 = arith.cmpf oge, %masked_sort3A_361, %rev3A_377 : vector<16xf32>
        %select_n3A_384 = arith.select %ge3A_383, %masked_sort3A_361, %rev3A_377 : vector<16xi1>, vector<16xf32>
        %select_n3A_385 = arith.select %ge3A_383, %masked_sort3A_362, %rev3A_382 : vector<16xi1>, vector<16xi32>
        %masked_sort3A_386 = arith.constant dense<true> : vector<16xi1>
        %masked_sort3A_387, %masked_sort3A_388, %masked_sort3A_389 = tpu.sort %select_n3A_384, %select_n3A_385 masked %masked_sort3A_386 {descending = true} : (vector<16xf32>, vector<16xi32>, vector<16xi1>) -> (vector<16xi1>, vector<16xf32>, vector<16xi32>)
        %add3A_390 = arith.constant 51200 : i32
        %add3A_391 = arith.addi %add3A_390, %mul3A_162 : i32
        %add3A_392 = arith.constant 112 : i32
        %add3A_393 = arith.addi %add3A_391, %add3A_392 : i32
        %broadcast_in_dim3A_394 = vector.broadcast %add3A_393 : i32 to vector<16xi32>
        %add3A_395 = arith.addi %broadcast_in_dim3A_394, %iota3A : vector<16xi32>
        %masked_sort3A_396 = arith.constant dense<true> : vector<16xi1>
        %masked_sort3A_397, %masked_sort3A_398, %masked_sort3A_399 = tpu.sort %get3A_193, %add3A_395 masked %masked_sort3A_396 {descending = true} : (vector<16xf32>, vector<16xi32>, vector<16xi1>) -> (vector<16xi1>, vector<16xf32>, vector<16xi32>)
        %rev3A_400 = arith.constant 15 : i32
        %rev3A_401 = vector.broadcast %rev3A_400 : i32 to vector<16xi32>
        %rev3A_402 = tpu.iota {dimensions = array<i32: 0>} : vector<16xi32>
        %rev3A_403 = arith.subi %rev3A_401, %rev3A_402 : vector<16xi32>
        %rev3A_404 = tpu.dynamic_gather %masked_sort3A_398[%rev3A_403] in [0] : vector<16xf32>, vector<16xi32> -> vector<16xf32>
        %rev3A_405 = arith.constant 15 : i32
        %rev3A_406 = vector.broadcast %rev3A_405 : i32 to vector<16xi32>
        %rev3A_407 = tpu.iota {dimensions = array<i32: 0>} : vector<16xi32>
        %rev3A_408 = arith.subi %rev3A_406, %rev3A_407 : vector<16xi32>
        %rev3A_409 = tpu.dynamic_gather %masked_sort3A_399[%rev3A_408] in [0] : vector<16xi32>, vector<16xi32> -> vector<16xi32>
        %ge3A_410 = arith.cmpf oge, %masked_sort3A_388, %rev3A_404 : vector<16xf32>
        %select_n3A_411 = arith.select %ge3A_410, %masked_sort3A_388, %rev3A_404 : vector<16xi1>, vector<16xf32>
        %select_n3A_412 = arith.select %ge3A_410, %masked_sort3A_389, %rev3A_409 : vector<16xi1>, vector<16xi32>
        %masked_sort3A_413 = arith.constant dense<true> : vector<16xi1>
        %masked_sort3A_414, %masked_sort3A_415, %masked_sort3A_416 = tpu.sort %select_n3A_411, %select_n3A_412 masked %masked_sort3A_413 {descending = true} : (vector<16xf32>, vector<16xi32>, vector<16xi1>) -> (vector<16xi1>, vector<16xf32>, vector<16xi32>)
        %eq3A = arith.constant 7 : i32
        %eq3A_417 = vector.broadcast %eq3A : i32 to vector<16xi32>
        %eq3A_418 = arith.cmpi eq, %iota3A, %eq3A_417 : vector<16xi32>
        %broadcast_in_dim3A_419 = vector.broadcast %scan3A_96 : f32 to vector<16xf32>
        %select_n3A_420 = arith.select %eq3A_418, %masked_sort3A_415, %broadcast_in_dim3A_419 : vector<16xi1>, vector<16xf32>
        %reduce_max3A_421 = arith.constant true
        %reduce_max3A_422 = vector.broadcast %reduce_max3A_421 : i1 to vector<16xi1>
        %reduce_max3A_423 = tpu.scan <max>, %select_n3A_420 masked %reduce_max3A_422 : vector<16xf32>, vector<16xi1> -> vector<16xf32>
        %reduce_max3A_424 = vector.extract %reduce_max3A_423[15] : f32 from vector<16xf32>
        scf.yield %masked_sort3A_415, %masked_sort3A_416, %reduce_max3A_424 : vector<16xf32>, vector<16xi32>, f32
      } else {
        scf.yield %scan3A_158, %scan3A_159, %scan3A_160 : vector<16xf32>, vector<16xi32>, f32
      }
      scf.yield %cond3A_204#0, %cond3A_204#1, %cond3A_204#2 : vector<16xf32>, vector<16xi32>, f32
    }
    %scan3A_102 = arith.constant 100 : i32
    %dma_start3A_103 = arith.constant 76800 : i32
    %dma_start3A_104 = tpu.memref_slice %arg2[%add3A, %dma_start3A_103] : memref<32x102400xf32, #tpu.memory_space<hbm>> -> memref<1x12800xf32, #tpu.memory_space<hbm>>
    %dma_start3A_105 = tpu.memref_squeeze %dma_start3A_104 : memref<1x12800xf32, #tpu.memory_space<hbm>> -> memref<12800xf32, #tpu.memory_space<hbm>>
    %dma_start3A_106 = arith.constant 76800 : i32
    %dma_start3A_107 = tpu.memref_slice %arg2[%add3A, %dma_start3A_106] : memref<32x102400xf32, #tpu.memory_space<hbm>> -> memref<1x12800xf32, #tpu.memory_space<hbm>>
    %dma_start3A_108 = tpu.memref_squeeze %dma_start3A_107 : memref<1x12800xf32, #tpu.memory_space<hbm>> -> memref<12800xf32, #tpu.memory_space<hbm>>
    tpu.enqueue_dma source(%dma_start3A_108 : memref<12800xf32, #tpu.memory_space<hbm>>) target(%arg5 : memref<12800xf32, #tpu.memory_space<vmem>>) target_semaphore(%arg9 : memref<!tpu.dma_semaphore, #tpu.memory_space<semaphore_mem>>)
    %dma_wait3A_109 = arith.constant 64000 : i32
    %dma_wait3A_110 = tpu.memref_slice %arg2[%add3A, %dma_wait3A_109] : memref<32x102400xf32, #tpu.memory_space<hbm>> -> memref<1x12800xf32, #tpu.memory_space<hbm>>
    %dma_wait3A_111 = tpu.memref_squeeze %dma_wait3A_110 : memref<1x12800xf32, #tpu.memory_space<hbm>> -> memref<12800xf32, #tpu.memory_space<hbm>>
    %dma_wait3A_112 = arith.constant 64000 : i32
    %dma_wait3A_113 = tpu.memref_slice %arg2[%add3A, %dma_wait3A_112] : memref<32x102400xf32, #tpu.memory_space<hbm>> -> memref<1x12800xf32, #tpu.memory_space<hbm>>
    %dma_wait3A_114 = tpu.memref_squeeze %dma_wait3A_113 : memref<1x12800xf32, #tpu.memory_space<hbm>> -> memref<12800xf32, #tpu.memory_space<hbm>>
    tpu.wait_dma2 semaphore(%arg10 : memref<!tpu.dma_semaphore, #tpu.memory_space<semaphore_mem>>) src(%dma_wait3A_114 : memref<12800xf32, #tpu.memory_space<hbm>>) dst(%arg6 : memref<12800xf32, #tpu.memory_space<vmem>>)
    %scan3A_115 = arith.constant 0xFF800000 : f32
    %scan3A_116 = arith.constant 0 : i32
    %scan3A_117 = arith.constant 100 : i32
    %scan3A_118 = arith.addi %scan3A_116, %scan3A_117 : i32
    %scan3A_119 = arith.constant 1 : i32
    %scan3A_120:3 = scf.for %scan3A_157 = %scan3A_116 to %scan3A_118 step %scan3A_119 iter_args(%scan3A_158 = %scan3A_101#0, %scan3A_159 = %scan3A_101#1, %scan3A_160 = %scan3A_101#2) -> (vector<16xf32>, vector<16xi32>, f32)  : i32 {
      %mul3A_161 = arith.constant 128 : i32
      %mul3A_162 = arith.muli %scan3A_157, %mul3A_161 : i32
      %add3A_163 = arith.constant 0 : i32
      %add3A_164 = arith.addi %mul3A_162, %add3A_163 : i32
      %get3A = arith.index_cast %add3A_164 : i32 to index
      %get3A_165 = tpu.vector_load %arg6[%get3A] {strides = array<i32>} : memref<12800xf32, #tpu.memory_space<vmem>>, vector<16xf32>,
      %add3A_166 = arith.constant 16 : i32
      %add3A_167 = arith.addi %mul3A_162, %add3A_166 : i32
      %get3A_168 = arith.index_cast %add3A_167 : i32 to index
      %get3A_169 = tpu.vector_load %arg6[%get3A_168] {strides = array<i32>} : memref<12800xf32, #tpu.memory_space<vmem>>, vector<16xf32>,
      %add3A_170 = arith.constant 32 : i32
      %add3A_171 = arith.addi %mul3A_162, %add3A_170 : i32
      %get3A_172 = arith.index_cast %add3A_171 : i32 to index
      %get3A_173 = tpu.vector_load %arg6[%get3A_172] {strides = array<i32>} : memref<12800xf32, #tpu.memory_space<vmem>>, vector<16xf32>,
      %add3A_174 = arith.constant 48 : i32
      %add3A_175 = arith.addi %mul3A_162, %add3A_174 : i32
      %get3A_176 = arith.index_cast %add3A_175 : i32 to index
      %get3A_177 = tpu.vector_load %arg6[%get3A_176] {strides = array<i32>} : memref<12800xf32, #tpu.memory_space<vmem>>, vector<16xf32>,
      %add3A_178 = arith.constant 64 : i32
      %add3A_179 = arith.addi %mul3A_162, %add3A_178 : i32
      %get3A_180 = arith.index_cast %add3A_179 : i32 to index
      %get3A_181 = tpu.vector_load %arg6[%get3A_180] {strides = array<i32>} : memref<12800xf32, #tpu.memory_space<vmem>>, vector<16xf32>,
      %add3A_182 = arith.constant 80 : i32
      %add3A_183 = arith.addi %mul3A_162, %add3A_182 : i32
      %get3A_184 = arith.index_cast %add3A_183 : i32 to index
      %get3A_185 = tpu.vector_load %arg6[%get3A_184] {strides = array<i32>} : memref<12800xf32, #tpu.memory_space<vmem>>, vector<16xf32>,
      %add3A_186 = arith.constant 96 : i32
      %add3A_187 = arith.addi %mul3A_162, %add3A_186 : i32
      %get3A_188 = arith.index_cast %add3A_187 : i32 to index
      %get3A_189 = tpu.vector_load %arg6[%get3A_188] {strides = array<i32>} : memref<12800xf32, #tpu.memory_space<vmem>>, vector<16xf32>,
      %add3A_190 = arith.constant 112 : i32
      %add3A_191 = arith.addi %mul3A_162, %add3A_190 : i32
      %get3A_192 = arith.index_cast %add3A_191 : i32 to index
      %get3A_193 = tpu.vector_load %arg6[%get3A_192] {strides = array<i32>} : memref<12800xf32, #tpu.memory_space<vmem>>, vector<16xf32>,
      %max3A = arith.maximumf %get3A_165, %get3A_169 : vector<16xf32>
      %max3A_194 = arith.maximumf %get3A_173, %get3A_177 : vector<16xf32>
      %max3A_195 = arith.maximumf %get3A_181, %get3A_185 : vector<16xf32>
      %max3A_196 = arith.maximumf %get3A_189, %get3A_193 : vector<16xf32>
      %max3A_197 = arith.maximumf %max3A, %max3A_194 : vector<16xf32>
      %max3A_198 = arith.maximumf %max3A_195, %max3A_196 : vector<16xf32>
      %max3A_199 = arith.maximumf %max3A_197, %max3A_198 : vector<16xf32>
      %reduce_max3A = arith.constant true
      %reduce_max3A_200 = vector.broadcast %reduce_max3A : i1 to vector<16xi1>
      %reduce_max3A_201 = tpu.scan <max>, %max3A_199 masked %reduce_max3A_200 : vector<16xf32>, vector<16xi1> -> vector<16xf32>
      %reduce_max3A_202 = vector.extract %reduce_max3A_201[15] : f32 from vector<16xf32>
      %gt3A = arith.cmpf ogt, %reduce_max3A_202, %scan3A_160 : f32
      %convert_element_type3A = arith.extui %gt3A : i1 to i32
      %cond3A = arith.constant 0 : i32
      %cond3A_203 = arith.cmpi ne, %convert_element_type3A, %cond3A : i32
      %cond3A_204:3 = scf.if %cond3A_203 -> (vector<16xf32>, vector<16xi32>, f32) {
        %add3A_205 = arith.constant 64000 : i32
        %add3A_206 = arith.addi %add3A_205, %mul3A_162 : i32
        %add3A_207 = arith.constant 0 : i32
        %add3A_208 = arith.addi %add3A_206, %add3A_207 : i32
        %broadcast_in_dim3A_209 = vector.broadcast %add3A_208 : i32 to vector<16xi32>
        %add3A_210 = arith.addi %broadcast_in_dim3A_209, %iota3A : vector<16xi32>
        %masked_sort3A = arith.constant dense<true> : vector<16xi1>
        %masked_sort3A_211, %masked_sort3A_212, %masked_sort3A_213 = tpu.sort %get3A_165, %add3A_210 masked %masked_sort3A {descending = true} : (vector<16xf32>, vector<16xi32>, vector<16xi1>) -> (vector<16xi1>, vector<16xf32>, vector<16xi32>)
        %rev3A = arith.constant 15 : i32
        %rev3A_214 = vector.broadcast %rev3A : i32 to vector<16xi32>
        %rev3A_215 = tpu.iota {dimensions = array<i32: 0>} : vector<16xi32>
        %rev3A_216 = arith.subi %rev3A_214, %rev3A_215 : vector<16xi32>
        %rev3A_217 = tpu.dynamic_gather %masked_sort3A_212[%rev3A_216] in [0] : vector<16xf32>, vector<16xi32> -> vector<16xf32>
        %rev3A_218 = arith.constant 15 : i32
        %rev3A_219 = vector.broadcast %rev3A_218 : i32 to vector<16xi32>
        %rev3A_220 = tpu.iota {dimensions = array<i32: 0>} : vector<16xi32>
        %rev3A_221 = arith.subi %rev3A_219, %rev3A_220 : vector<16xi32>
        %rev3A_222 = tpu.dynamic_gather %masked_sort3A_213[%rev3A_221] in [0] : vector<16xi32>, vector<16xi32> -> vector<16xi32>
        %ge3A = arith.cmpf oge, %scan3A_158, %rev3A_217 : vector<16xf32>
        %select_n3A = arith.select %ge3A, %scan3A_158, %rev3A_217 : vector<16xi1>, vector<16xf32>
        %select_n3A_223 = arith.select %ge3A, %scan3A_159, %rev3A_222 : vector<16xi1>, vector<16xi32>
        %masked_sort3A_224 = arith.constant dense<true> : vector<16xi1>
        %masked_sort3A_225, %masked_sort3A_226, %masked_sort3A_227 = tpu.sort %select_n3A, %select_n3A_223 masked %masked_sort3A_224 {descending = true} : (vector<16xf32>, vector<16xi32>, vector<16xi1>) -> (vector<16xi1>, vector<16xf32>, vector<16xi32>)
        %add3A_228 = arith.constant 64000 : i32
        %add3A_229 = arith.addi %add3A_228, %mul3A_162 : i32
        %add3A_230 = arith.constant 16 : i32
        %add3A_231 = arith.addi %add3A_229, %add3A_230 : i32
        %broadcast_in_dim3A_232 = vector.broadcast %add3A_231 : i32 to vector<16xi32>
        %add3A_233 = arith.addi %broadcast_in_dim3A_232, %iota3A : vector<16xi32>
        %masked_sort3A_234 = arith.constant dense<true> : vector<16xi1>
        %masked_sort3A_235, %masked_sort3A_236, %masked_sort3A_237 = tpu.sort %get3A_169, %add3A_233 masked %masked_sort3A_234 {descending = true} : (vector<16xf32>, vector<16xi32>, vector<16xi1>) -> (vector<16xi1>, vector<16xf32>, vector<16xi32>)
        %rev3A_238 = arith.constant 15 : i32
        %rev3A_239 = vector.broadcast %rev3A_238 : i32 to vector<16xi32>
        %rev3A_240 = tpu.iota {dimensions = array<i32: 0>} : vector<16xi32>
        %rev3A_241 = arith.subi %rev3A_239, %rev3A_240 : vector<16xi32>
        %rev3A_242 = tpu.dynamic_gather %masked_sort3A_236[%rev3A_241] in [0] : vector<16xf32>, vector<16xi32> -> vector<16xf32>
        %rev3A_243 = arith.constant 15 : i32
        %rev3A_244 = vector.broadcast %rev3A_243 : i32 to vector<16xi32>
        %rev3A_245 = tpu.iota {dimensions = array<i32: 0>} : vector<16xi32>
        %rev3A_246 = arith.subi %rev3A_244, %rev3A_245 : vector<16xi32>
        %rev3A_247 = tpu.dynamic_gather %masked_sort3A_237[%rev3A_246] in [0] : vector<16xi32>, vector<16xi32> -> vector<16xi32>
        %ge3A_248 = arith.cmpf oge, %masked_sort3A_226, %rev3A_242 : vector<16xf32>
        %select_n3A_249 = arith.select %ge3A_248, %masked_sort3A_226, %rev3A_242 : vector<16xi1>, vector<16xf32>
        %select_n3A_250 = arith.select %ge3A_248, %masked_sort3A_227, %rev3A_247 : vector<16xi1>, vector<16xi32>
        %masked_sort3A_251 = arith.constant dense<true> : vector<16xi1>
        %masked_sort3A_252, %masked_sort3A_253, %masked_sort3A_254 = tpu.sort %select_n3A_249, %select_n3A_250 masked %masked_sort3A_251 {descending = true} : (vector<16xf32>, vector<16xi32>, vector<16xi1>) -> (vector<16xi1>, vector<16xf32>, vector<16xi32>)
        %add3A_255 = arith.constant 64000 : i32
        %add3A_256 = arith.addi %add3A_255, %mul3A_162 : i32
        %add3A_257 = arith.constant 32 : i32
        %add3A_258 = arith.addi %add3A_256, %add3A_257 : i32
        %broadcast_in_dim3A_259 = vector.broadcast %add3A_258 : i32 to vector<16xi32>
        %add3A_260 = arith.addi %broadcast_in_dim3A_259, %iota3A : vector<16xi32>
        %masked_sort3A_261 = arith.constant dense<true> : vector<16xi1>
        %masked_sort3A_262, %masked_sort3A_263, %masked_sort3A_264 = tpu.sort %get3A_173, %add3A_260 masked %masked_sort3A_261 {descending = true} : (vector<16xf32>, vector<16xi32>, vector<16xi1>) -> (vector<16xi1>, vector<16xf32>, vector<16xi32>)
        %rev3A_265 = arith.constant 15 : i32
        %rev3A_266 = vector.broadcast %rev3A_265 : i32 to vector<16xi32>
        %rev3A_267 = tpu.iota {dimensions = array<i32: 0>} : vector<16xi32>
        %rev3A_268 = arith.subi %rev3A_266, %rev3A_267 : vector<16xi32>
        %rev3A_269 = tpu.dynamic_gather %masked_sort3A_263[%rev3A_268] in [0] : vector<16xf32>, vector<16xi32> -> vector<16xf32>
        %rev3A_270 = arith.constant 15 : i32
        %rev3A_271 = vector.broadcast %rev3A_270 : i32 to vector<16xi32>
        %rev3A_272 = tpu.iota {dimensions = array<i32: 0>} : vector<16xi32>
        %rev3A_273 = arith.subi %rev3A_271, %rev3A_272 : vector<16xi32>
        %rev3A_274 = tpu.dynamic_gather %masked_sort3A_264[%rev3A_273] in [0] : vector<16xi32>, vector<16xi32> -> vector<16xi32>
        %ge3A_275 = arith.cmpf oge, %masked_sort3A_253, %rev3A_269 : vector<16xf32>
        %select_n3A_276 = arith.select %ge3A_275, %masked_sort3A_253, %rev3A_269 : vector<16xi1>, vector<16xf32>
        %select_n3A_277 = arith.select %ge3A_275, %masked_sort3A_254, %rev3A_274 : vector<16xi1>, vector<16xi32>
        %masked_sort3A_278 = arith.constant dense<true> : vector<16xi1>
        %masked_sort3A_279, %masked_sort3A_280, %masked_sort3A_281 = tpu.sort %select_n3A_276, %select_n3A_277 masked %masked_sort3A_278 {descending = true} : (vector<16xf32>, vector<16xi32>, vector<16xi1>) -> (vector<16xi1>, vector<16xf32>, vector<16xi32>)
        %add3A_282 = arith.constant 64000 : i32
        %add3A_283 = arith.addi %add3A_282, %mul3A_162 : i32
        %add3A_284 = arith.constant 48 : i32
        %add3A_285 = arith.addi %add3A_283, %add3A_284 : i32
        %broadcast_in_dim3A_286 = vector.broadcast %add3A_285 : i32 to vector<16xi32>
        %add3A_287 = arith.addi %broadcast_in_dim3A_286, %iota3A : vector<16xi32>
        %masked_sort3A_288 = arith.constant dense<true> : vector<16xi1>
        %masked_sort3A_289, %masked_sort3A_290, %masked_sort3A_291 = tpu.sort %get3A_177, %add3A_287 masked %masked_sort3A_288 {descending = true} : (vector<16xf32>, vector<16xi32>, vector<16xi1>) -> (vector<16xi1>, vector<16xf32>, vector<16xi32>)
        %rev3A_292 = arith.constant 15 : i32
        %rev3A_293 = vector.broadcast %rev3A_292 : i32 to vector<16xi32>
        %rev3A_294 = tpu.iota {dimensions = array<i32: 0>} : vector<16xi32>
        %rev3A_295 = arith.subi %rev3A_293, %rev3A_294 : vector<16xi32>
        %rev3A_296 = tpu.dynamic_gather %masked_sort3A_290[%rev3A_295] in [0] : vector<16xf32>, vector<16xi32> -> vector<16xf32>
        %rev3A_297 = arith.constant 15 : i32
        %rev3A_298 = vector.broadcast %rev3A_297 : i32 to vector<16xi32>
        %rev3A_299 = tpu.iota {dimensions = array<i32: 0>} : vector<16xi32>
        %rev3A_300 = arith.subi %rev3A_298, %rev3A_299 : vector<16xi32>
        %rev3A_301 = tpu.dynamic_gather %masked_sort3A_291[%rev3A_300] in [0] : vector<16xi32>, vector<16xi32> -> vector<16xi32>
        %ge3A_302 = arith.cmpf oge, %masked_sort3A_280, %rev3A_296 : vector<16xf32>
        %select_n3A_303 = arith.select %ge3A_302, %masked_sort3A_280, %rev3A_296 : vector<16xi1>, vector<16xf32>
        %select_n3A_304 = arith.select %ge3A_302, %masked_sort3A_281, %rev3A_301 : vector<16xi1>, vector<16xi32>
        %masked_sort3A_305 = arith.constant dense<true> : vector<16xi1>
        %masked_sort3A_306, %masked_sort3A_307, %masked_sort3A_308 = tpu.sort %select_n3A_303, %select_n3A_304 masked %masked_sort3A_305 {descending = true} : (vector<16xf32>, vector<16xi32>, vector<16xi1>) -> (vector<16xi1>, vector<16xf32>, vector<16xi32>)
        %add3A_309 = arith.constant 64000 : i32
        %add3A_310 = arith.addi %add3A_309, %mul3A_162 : i32
        %add3A_311 = arith.constant 64 : i32
        %add3A_312 = arith.addi %add3A_310, %add3A_311 : i32
        %broadcast_in_dim3A_313 = vector.broadcast %add3A_312 : i32 to vector<16xi32>
        %add3A_314 = arith.addi %broadcast_in_dim3A_313, %iota3A : vector<16xi32>
        %masked_sort3A_315 = arith.constant dense<true> : vector<16xi1>
        %masked_sort3A_316, %masked_sort3A_317, %masked_sort3A_318 = tpu.sort %get3A_181, %add3A_314 masked %masked_sort3A_315 {descending = true} : (vector<16xf32>, vector<16xi32>, vector<16xi1>) -> (vector<16xi1>, vector<16xf32>, vector<16xi32>)
        %rev3A_319 = arith.constant 15 : i32
        %rev3A_320 = vector.broadcast %rev3A_319 : i32 to vector<16xi32>
        %rev3A_321 = tpu.iota {dimensions = array<i32: 0>} : vector<16xi32>
        %rev3A_322 = arith.subi %rev3A_320, %rev3A_321 : vector<16xi32>
        %rev3A_323 = tpu.dynamic_gather %masked_sort3A_317[%rev3A_322] in [0] : vector<16xf32>, vector<16xi32> -> vector<16xf32>
        %rev3A_324 = arith.constant 15 : i32
        %rev3A_325 = vector.broadcast %rev3A_324 : i32 to vector<16xi32>
        %rev3A_326 = tpu.iota {dimensions = array<i32: 0>} : vector<16xi32>
        %rev3A_327 = arith.subi %rev3A_325, %rev3A_326 : vector<16xi32>
        %rev3A_328 = tpu.dynamic_gather %masked_sort3A_318[%rev3A_327] in [0] : vector<16xi32>, vector<16xi32> -> vector<16xi32>
        %ge3A_329 = arith.cmpf oge, %masked_sort3A_307, %rev3A_323 : vector<16xf32>
        %select_n3A_330 = arith.select %ge3A_329, %masked_sort3A_307, %rev3A_323 : vector<16xi1>, vector<16xf32>
        %select_n3A_331 = arith.select %ge3A_329, %masked_sort3A_308, %rev3A_328 : vector<16xi1>, vector<16xi32>
        %masked_sort3A_332 = arith.constant dense<true> : vector<16xi1>
        %masked_sort3A_333, %masked_sort3A_334, %masked_sort3A_335 = tpu.sort %select_n3A_330, %select_n3A_331 masked %masked_sort3A_332 {descending = true} : (vector<16xf32>, vector<16xi32>, vector<16xi1>) -> (vector<16xi1>, vector<16xf32>, vector<16xi32>)
        %add3A_336 = arith.constant 64000 : i32
        %add3A_337 = arith.addi %add3A_336, %mul3A_162 : i32
        %add3A_338 = arith.constant 80 : i32
        %add3A_339 = arith.addi %add3A_337, %add3A_338 : i32
        %broadcast_in_dim3A_340 = vector.broadcast %add3A_339 : i32 to vector<16xi32>
        %add3A_341 = arith.addi %broadcast_in_dim3A_340, %iota3A : vector<16xi32>
        %masked_sort3A_342 = arith.constant dense<true> : vector<16xi1>
        %masked_sort3A_343, %masked_sort3A_344, %masked_sort3A_345 = tpu.sort %get3A_185, %add3A_341 masked %masked_sort3A_342 {descending = true} : (vector<16xf32>, vector<16xi32>, vector<16xi1>) -> (vector<16xi1>, vector<16xf32>, vector<16xi32>)
        %rev3A_346 = arith.constant 15 : i32
        %rev3A_347 = vector.broadcast %rev3A_346 : i32 to vector<16xi32>
        %rev3A_348 = tpu.iota {dimensions = array<i32: 0>} : vector<16xi32>
        %rev3A_349 = arith.subi %rev3A_347, %rev3A_348 : vector<16xi32>
        %rev3A_350 = tpu.dynamic_gather %masked_sort3A_344[%rev3A_349] in [0] : vector<16xf32>, vector<16xi32> -> vector<16xf32>
        %rev3A_351 = arith.constant 15 : i32
        %rev3A_352 = vector.broadcast %rev3A_351 : i32 to vector<16xi32>
        %rev3A_353 = tpu.iota {dimensions = array<i32: 0>} : vector<16xi32>
        %rev3A_354 = arith.subi %rev3A_352, %rev3A_353 : vector<16xi32>
        %rev3A_355 = tpu.dynamic_gather %masked_sort3A_345[%rev3A_354] in [0] : vector<16xi32>, vector<16xi32> -> vector<16xi32>
        %ge3A_356 = arith.cmpf oge, %masked_sort3A_334, %rev3A_350 : vector<16xf32>
        %select_n3A_357 = arith.select %ge3A_356, %masked_sort3A_334, %rev3A_350 : vector<16xi1>, vector<16xf32>
        %select_n3A_358 = arith.select %ge3A_356, %masked_sort3A_335, %rev3A_355 : vector<16xi1>, vector<16xi32>
        %masked_sort3A_359 = arith.constant dense<true> : vector<16xi1>
        %masked_sort3A_360, %masked_sort3A_361, %masked_sort3A_362 = tpu.sort %select_n3A_357, %select_n3A_358 masked %masked_sort3A_359 {descending = true} : (vector<16xf32>, vector<16xi32>, vector<16xi1>) -> (vector<16xi1>, vector<16xf32>, vector<16xi32>)
        %add3A_363 = arith.constant 64000 : i32
        %add3A_364 = arith.addi %add3A_363, %mul3A_162 : i32
        %add3A_365 = arith.constant 96 : i32
        %add3A_366 = arith.addi %add3A_364, %add3A_365 : i32
        %broadcast_in_dim3A_367 = vector.broadcast %add3A_366 : i32 to vector<16xi32>
        %add3A_368 = arith.addi %broadcast_in_dim3A_367, %iota3A : vector<16xi32>
        %masked_sort3A_369 = arith.constant dense<true> : vector<16xi1>
        %masked_sort3A_370, %masked_sort3A_371, %masked_sort3A_372 = tpu.sort %get3A_189, %add3A_368 masked %masked_sort3A_369 {descending = true} : (vector<16xf32>, vector<16xi32>, vector<16xi1>) -> (vector<16xi1>, vector<16xf32>, vector<16xi32>)
        %rev3A_373 = arith.constant 15 : i32
        %rev3A_374 = vector.broadcast %rev3A_373 : i32 to vector<16xi32>
        %rev3A_375 = tpu.iota {dimensions = array<i32: 0>} : vector<16xi32>
        %rev3A_376 = arith.subi %rev3A_374, %rev3A_375 : vector<16xi32>
        %rev3A_377 = tpu.dynamic_gather %masked_sort3A_371[%rev3A_376] in [0] : vector<16xf32>, vector<16xi32> -> vector<16xf32>
        %rev3A_378 = arith.constant 15 : i32
        %rev3A_379 = vector.broadcast %rev3A_378 : i32 to vector<16xi32>
        %rev3A_380 = tpu.iota {dimensions = array<i32: 0>} : vector<16xi32>
        %rev3A_381 = arith.subi %rev3A_379, %rev3A_380 : vector<16xi32>
        %rev3A_382 = tpu.dynamic_gather %masked_sort3A_372[%rev3A_381] in [0] : vector<16xi32>, vector<16xi32> -> vector<16xi32>
        %ge3A_383 = arith.cmpf oge, %masked_sort3A_361, %rev3A_377 : vector<16xf32>
        %select_n3A_384 = arith.select %ge3A_383, %masked_sort3A_361, %rev3A_377 : vector<16xi1>, vector<16xf32>
        %select_n3A_385 = arith.select %ge3A_383, %masked_sort3A_362, %rev3A_382 : vector<16xi1>, vector<16xi32>
        %masked_sort3A_386 = arith.constant dense<true> : vector<16xi1>
        %masked_sort3A_387, %masked_sort3A_388, %masked_sort3A_389 = tpu.sort %select_n3A_384, %select_n3A_385 masked %masked_sort3A_386 {descending = true} : (vector<16xf32>, vector<16xi32>, vector<16xi1>) -> (vector<16xi1>, vector<16xf32>, vector<16xi32>)
        %add3A_390 = arith.constant 64000 : i32
        %add3A_391 = arith.addi %add3A_390, %mul3A_162 : i32
        %add3A_392 = arith.constant 112 : i32
        %add3A_393 = arith.addi %add3A_391, %add3A_392 : i32
        %broadcast_in_dim3A_394 = vector.broadcast %add3A_393 : i32 to vector<16xi32>
        %add3A_395 = arith.addi %broadcast_in_dim3A_394, %iota3A : vector<16xi32>
        %masked_sort3A_396 = arith.constant dense<true> : vector<16xi1>
        %masked_sort3A_397, %masked_sort3A_398, %masked_sort3A_399 = tpu.sort %get3A_193, %add3A_395 masked %masked_sort3A_396 {descending = true} : (vector<16xf32>, vector<16xi32>, vector<16xi1>) -> (vector<16xi1>, vector<16xf32>, vector<16xi32>)
        %rev3A_400 = arith.constant 15 : i32
        %rev3A_401 = vector.broadcast %rev3A_400 : i32 to vector<16xi32>
        %rev3A_402 = tpu.iota {dimensions = array<i32: 0>} : vector<16xi32>
        %rev3A_403 = arith.subi %rev3A_401, %rev3A_402 : vector<16xi32>
        %rev3A_404 = tpu.dynamic_gather %masked_sort3A_398[%rev3A_403] in [0] : vector<16xf32>, vector<16xi32> -> vector<16xf32>
        %rev3A_405 = arith.constant 15 : i32
        %rev3A_406 = vector.broadcast %rev3A_405 : i32 to vector<16xi32>
        %rev3A_407 = tpu.iota {dimensions = array<i32: 0>} : vector<16xi32>
        %rev3A_408 = arith.subi %rev3A_406, %rev3A_407 : vector<16xi32>
        %rev3A_409 = tpu.dynamic_gather %masked_sort3A_399[%rev3A_408] in [0] : vector<16xi32>, vector<16xi32> -> vector<16xi32>
        %ge3A_410 = arith.cmpf oge, %masked_sort3A_388, %rev3A_404 : vector<16xf32>
        %select_n3A_411 = arith.select %ge3A_410, %masked_sort3A_388, %rev3A_404 : vector<16xi1>, vector<16xf32>
        %select_n3A_412 = arith.select %ge3A_410, %masked_sort3A_389, %rev3A_409 : vector<16xi1>, vector<16xi32>
        %masked_sort3A_413 = arith.constant dense<true> : vector<16xi1>
        %masked_sort3A_414, %masked_sort3A_415, %masked_sort3A_416 = tpu.sort %select_n3A_411, %select_n3A_412 masked %masked_sort3A_413 {descending = true} : (vector<16xf32>, vector<16xi32>, vector<16xi1>) -> (vector<16xi1>, vector<16xf32>, vector<16xi32>)
        %eq3A = arith.constant 7 : i32
        %eq3A_417 = vector.broadcast %eq3A : i32 to vector<16xi32>
        %eq3A_418 = arith.cmpi eq, %iota3A, %eq3A_417 : vector<16xi32>
        %broadcast_in_dim3A_419 = vector.broadcast %scan3A_115 : f32 to vector<16xf32>
        %select_n3A_420 = arith.select %eq3A_418, %masked_sort3A_415, %broadcast_in_dim3A_419 : vector<16xi1>, vector<16xf32>
        %reduce_max3A_421 = arith.constant true
        %reduce_max3A_422 = vector.broadcast %reduce_max3A_421 : i1 to vector<16xi1>
        %reduce_max3A_423 = tpu.scan <max>, %select_n3A_420 masked %reduce_max3A_422 : vector<16xf32>, vector<16xi1> -> vector<16xf32>
        %reduce_max3A_424 = vector.extract %reduce_max3A_423[15] : f32 from vector<16xf32>
        scf.yield %masked_sort3A_415, %masked_sort3A_416, %reduce_max3A_424 : vector<16xf32>, vector<16xi32>, f32
      } else {
        scf.yield %scan3A_158, %scan3A_159, %scan3A_160 : vector<16xf32>, vector<16xi32>, f32
      }
      scf.yield %cond3A_204#0, %cond3A_204#1, %cond3A_204#2 : vector<16xf32>, vector<16xi32>, f32
    }
    %scan3A_121 = arith.constant 100 : i32
    %dma_start3A_122 = arith.constant 89600 : i32
    %dma_start3A_123 = tpu.memref_slice %arg2[%add3A, %dma_start3A_122] : memref<32x102400xf32, #tpu.memory_space<hbm>> -> memref<1x12800xf32, #tpu.memory_space<hbm>>
    %dma_start3A_124 = tpu.memref_squeeze %dma_start3A_123 : memref<1x12800xf32, #tpu.memory_space<hbm>> -> memref<12800xf32, #tpu.memory_space<hbm>>
    %dma_start3A_125 = arith.constant 89600 : i32
    %dma_start3A_126 = tpu.memref_slice %arg2[%add3A, %dma_start3A_125] : memref<32x102400xf32, #tpu.memory_space<hbm>> -> memref<1x12800xf32, #tpu.memory_space<hbm>>
    %dma_start3A_127 = tpu.memref_squeeze %dma_start3A_126 : memref<1x12800xf32, #tpu.memory_space<hbm>> -> memref<12800xf32, #tpu.memory_space<hbm>>
    tpu.enqueue_dma source(%dma_start3A_127 : memref<12800xf32, #tpu.memory_space<hbm>>) target(%arg6 : memref<12800xf32, #tpu.memory_space<vmem>>) target_semaphore(%arg10 : memref<!tpu.dma_semaphore, #tpu.memory_space<semaphore_mem>>)
    %dma_wait3A_128 = arith.constant 76800 : i32
    %dma_wait3A_129 = tpu.memref_slice %arg2[%add3A, %dma_wait3A_128] : memref<32x102400xf32, #tpu.memory_space<hbm>> -> memref<1x12800xf32, #tpu.memory_space<hbm>>
    %dma_wait3A_130 = tpu.memref_squeeze %dma_wait3A_129 : memref<1x12800xf32, #tpu.memory_space<hbm>> -> memref<12800xf32, #tpu.memory_space<hbm>>
    %dma_wait3A_131 = arith.constant 76800 : i32
    %dma_wait3A_132 = tpu.memref_slice %arg2[%add3A, %dma_wait3A_131] : memref<32x102400xf32, #tpu.memory_space<hbm>> -> memref<1x12800xf32, #tpu.memory_space<hbm>>
    %dma_wait3A_133 = tpu.memref_squeeze %dma_wait3A_132 : memref<1x12800xf32, #tpu.memory_space<hbm>> -> memref<12800xf32, #tpu.memory_space<hbm>>
    tpu.wait_dma2 semaphore(%arg9 : memref<!tpu.dma_semaphore, #tpu.memory_space<semaphore_mem>>) src(%dma_wait3A_133 : memref<12800xf32, #tpu.memory_space<hbm>>) dst(%arg5 : memref<12800xf32, #tpu.memory_space<vmem>>)
    %scan3A_134 = arith.constant 0xFF800000 : f32
    %scan3A_135 = arith.constant 0 : i32
    %scan3A_136 = arith.constant 100 : i32
    %scan3A_137 = arith.addi %scan3A_135, %scan3A_136 : i32
    %scan3A_138 = arith.constant 1 : i32
    %scan3A_139:3 = scf.for %scan3A_157 = %scan3A_135 to %scan3A_137 step %scan3A_138 iter_args(%scan3A_158 = %scan3A_120#0, %scan3A_159 = %scan3A_120#1, %scan3A_160 = %scan3A_120#2) -> (vector<16xf32>, vector<16xi32>, f32)  : i32 {
      %mul3A_161 = arith.constant 128 : i32
      %mul3A_162 = arith.muli %scan3A_157, %mul3A_161 : i32
      %add3A_163 = arith.constant 0 : i32
      %add3A_164 = arith.addi %mul3A_162, %add3A_163 : i32
      %get3A = arith.index_cast %add3A_164 : i32 to index
      %get3A_165 = tpu.vector_load %arg5[%get3A] {strides = array<i32>} : memref<12800xf32, #tpu.memory_space<vmem>>, vector<16xf32>,
      %add3A_166 = arith.constant 16 : i32
      %add3A_167 = arith.addi %mul3A_162, %add3A_166 : i32
      %get3A_168 = arith.index_cast %add3A_167 : i32 to index
      %get3A_169 = tpu.vector_load %arg5[%get3A_168] {strides = array<i32>} : memref<12800xf32, #tpu.memory_space<vmem>>, vector<16xf32>,
      %add3A_170 = arith.constant 32 : i32
      %add3A_171 = arith.addi %mul3A_162, %add3A_170 : i32
      %get3A_172 = arith.index_cast %add3A_171 : i32 to index
      %get3A_173 = tpu.vector_load %arg5[%get3A_172] {strides = array<i32>} : memref<12800xf32, #tpu.memory_space<vmem>>, vector<16xf32>,
      %add3A_174 = arith.constant 48 : i32
      %add3A_175 = arith.addi %mul3A_162, %add3A_174 : i32
      %get3A_176 = arith.index_cast %add3A_175 : i32 to index
      %get3A_177 = tpu.vector_load %arg5[%get3A_176] {strides = array<i32>} : memref<12800xf32, #tpu.memory_space<vmem>>, vector<16xf32>,
      %add3A_178 = arith.constant 64 : i32
      %add3A_179 = arith.addi %mul3A_162, %add3A_178 : i32
      %get3A_180 = arith.index_cast %add3A_179 : i32 to index
      %get3A_181 = tpu.vector_load %arg5[%get3A_180] {strides = array<i32>} : memref<12800xf32, #tpu.memory_space<vmem>>, vector<16xf32>,
      %add3A_182 = arith.constant 80 : i32
      %add3A_183 = arith.addi %mul3A_162, %add3A_182 : i32
      %get3A_184 = arith.index_cast %add3A_183 : i32 to index
      %get3A_185 = tpu.vector_load %arg5[%get3A_184] {strides = array<i32>} : memref<12800xf32, #tpu.memory_space<vmem>>, vector<16xf32>,
      %add3A_186 = arith.constant 96 : i32
      %add3A_187 = arith.addi %mul3A_162, %add3A_186 : i32
      %get3A_188 = arith.index_cast %add3A_187 : i32 to index
      %get3A_189 = tpu.vector_load %arg5[%get3A_188] {strides = array<i32>} : memref<12800xf32, #tpu.memory_space<vmem>>, vector<16xf32>,
      %add3A_190 = arith.constant 112 : i32
      %add3A_191 = arith.addi %mul3A_162, %add3A_190 : i32
      %get3A_192 = arith.index_cast %add3A_191 : i32 to index
      %get3A_193 = tpu.vector_load %arg5[%get3A_192] {strides = array<i32>} : memref<12800xf32, #tpu.memory_space<vmem>>, vector<16xf32>,
      %max3A = arith.maximumf %get3A_165, %get3A_169 : vector<16xf32>
      %max3A_194 = arith.maximumf %get3A_173, %get3A_177 : vector<16xf32>
      %max3A_195 = arith.maximumf %get3A_181, %get3A_185 : vector<16xf32>
      %max3A_196 = arith.maximumf %get3A_189, %get3A_193 : vector<16xf32>
      %max3A_197 = arith.maximumf %max3A, %max3A_194 : vector<16xf32>
      %max3A_198 = arith.maximumf %max3A_195, %max3A_196 : vector<16xf32>
      %max3A_199 = arith.maximumf %max3A_197, %max3A_198 : vector<16xf32>
      %reduce_max3A = arith.constant true
      %reduce_max3A_200 = vector.broadcast %reduce_max3A : i1 to vector<16xi1>
      %reduce_max3A_201 = tpu.scan <max>, %max3A_199 masked %reduce_max3A_200 : vector<16xf32>, vector<16xi1> -> vector<16xf32>
      %reduce_max3A_202 = vector.extract %reduce_max3A_201[15] : f32 from vector<16xf32>
      %gt3A = arith.cmpf ogt, %reduce_max3A_202, %scan3A_160 : f32
      %convert_element_type3A = arith.extui %gt3A : i1 to i32
      %cond3A = arith.constant 0 : i32
      %cond3A_203 = arith.cmpi ne, %convert_element_type3A, %cond3A : i32
      %cond3A_204:3 = scf.if %cond3A_203 -> (vector<16xf32>, vector<16xi32>, f32) {
        %add3A_205 = arith.constant 76800 : i32
        %add3A_206 = arith.addi %add3A_205, %mul3A_162 : i32
        %add3A_207 = arith.constant 0 : i32
        %add3A_208 = arith.addi %add3A_206, %add3A_207 : i32
        %broadcast_in_dim3A_209 = vector.broadcast %add3A_208 : i32 to vector<16xi32>
        %add3A_210 = arith.addi %broadcast_in_dim3A_209, %iota3A : vector<16xi32>
        %masked_sort3A = arith.constant dense<true> : vector<16xi1>
        %masked_sort3A_211, %masked_sort3A_212, %masked_sort3A_213 = tpu.sort %get3A_165, %add3A_210 masked %masked_sort3A {descending = true} : (vector<16xf32>, vector<16xi32>, vector<16xi1>) -> (vector<16xi1>, vector<16xf32>, vector<16xi32>)
        %rev3A = arith.constant 15 : i32
        %rev3A_214 = vector.broadcast %rev3A : i32 to vector<16xi32>
        %rev3A_215 = tpu.iota {dimensions = array<i32: 0>} : vector<16xi32>
        %rev3A_216 = arith.subi %rev3A_214, %rev3A_215 : vector<16xi32>
        %rev3A_217 = tpu.dynamic_gather %masked_sort3A_212[%rev3A_216] in [0] : vector<16xf32>, vector<16xi32> -> vector<16xf32>
        %rev3A_218 = arith.constant 15 : i32
        %rev3A_219 = vector.broadcast %rev3A_218 : i32 to vector<16xi32>
        %rev3A_220 = tpu.iota {dimensions = array<i32: 0>} : vector<16xi32>
        %rev3A_221 = arith.subi %rev3A_219, %rev3A_220 : vector<16xi32>
        %rev3A_222 = tpu.dynamic_gather %masked_sort3A_213[%rev3A_221] in [0] : vector<16xi32>, vector<16xi32> -> vector<16xi32>
        %ge3A = arith.cmpf oge, %scan3A_158, %rev3A_217 : vector<16xf32>
        %select_n3A = arith.select %ge3A, %scan3A_158, %rev3A_217 : vector<16xi1>, vector<16xf32>
        %select_n3A_223 = arith.select %ge3A, %scan3A_159, %rev3A_222 : vector<16xi1>, vector<16xi32>
        %masked_sort3A_224 = arith.constant dense<true> : vector<16xi1>
        %masked_sort3A_225, %masked_sort3A_226, %masked_sort3A_227 = tpu.sort %select_n3A, %select_n3A_223 masked %masked_sort3A_224 {descending = true} : (vector<16xf32>, vector<16xi32>, vector<16xi1>) -> (vector<16xi1>, vector<16xf32>, vector<16xi32>)
        %add3A_228 = arith.constant 76800 : i32
        %add3A_229 = arith.addi %add3A_228, %mul3A_162 : i32
        %add3A_230 = arith.constant 16 : i32
        %add3A_231 = arith.addi %add3A_229, %add3A_230 : i32
        %broadcast_in_dim3A_232 = vector.broadcast %add3A_231 : i32 to vector<16xi32>
        %add3A_233 = arith.addi %broadcast_in_dim3A_232, %iota3A : vector<16xi32>
        %masked_sort3A_234 = arith.constant dense<true> : vector<16xi1>
        %masked_sort3A_235, %masked_sort3A_236, %masked_sort3A_237 = tpu.sort %get3A_169, %add3A_233 masked %masked_sort3A_234 {descending = true} : (vector<16xf32>, vector<16xi32>, vector<16xi1>) -> (vector<16xi1>, vector<16xf32>, vector<16xi32>)
        %rev3A_238 = arith.constant 15 : i32
        %rev3A_239 = vector.broadcast %rev3A_238 : i32 to vector<16xi32>
        %rev3A_240 = tpu.iota {dimensions = array<i32: 0>} : vector<16xi32>
        %rev3A_241 = arith.subi %rev3A_239, %rev3A_240 : vector<16xi32>
        %rev3A_242 = tpu.dynamic_gather %masked_sort3A_236[%rev3A_241] in [0] : vector<16xf32>, vector<16xi32> -> vector<16xf32>
        %rev3A_243 = arith.constant 15 : i32
        %rev3A_244 = vector.broadcast %rev3A_243 : i32 to vector<16xi32>
        %rev3A_245 = tpu.iota {dimensions = array<i32: 0>} : vector<16xi32>
        %rev3A_246 = arith.subi %rev3A_244, %rev3A_245 : vector<16xi32>
        %rev3A_247 = tpu.dynamic_gather %masked_sort3A_237[%rev3A_246] in [0] : vector<16xi32>, vector<16xi32> -> vector<16xi32>
        %ge3A_248 = arith.cmpf oge, %masked_sort3A_226, %rev3A_242 : vector<16xf32>
        %select_n3A_249 = arith.select %ge3A_248, %masked_sort3A_226, %rev3A_242 : vector<16xi1>, vector<16xf32>
        %select_n3A_250 = arith.select %ge3A_248, %masked_sort3A_227, %rev3A_247 : vector<16xi1>, vector<16xi32>
        %masked_sort3A_251 = arith.constant dense<true> : vector<16xi1>
        %masked_sort3A_252, %masked_sort3A_253, %masked_sort3A_254 = tpu.sort %select_n3A_249, %select_n3A_250 masked %masked_sort3A_251 {descending = true} : (vector<16xf32>, vector<16xi32>, vector<16xi1>) -> (vector<16xi1>, vector<16xf32>, vector<16xi32>)
        %add3A_255 = arith.constant 76800 : i32
        %add3A_256 = arith.addi %add3A_255, %mul3A_162 : i32
        %add3A_257 = arith.constant 32 : i32
        %add3A_258 = arith.addi %add3A_256, %add3A_257 : i32
        %broadcast_in_dim3A_259 = vector.broadcast %add3A_258 : i32 to vector<16xi32>
        %add3A_260 = arith.addi %broadcast_in_dim3A_259, %iota3A : vector<16xi32>
        %masked_sort3A_261 = arith.constant dense<true> : vector<16xi1>
        %masked_sort3A_262, %masked_sort3A_263, %masked_sort3A_264 = tpu.sort %get3A_173, %add3A_260 masked %masked_sort3A_261 {descending = true} : (vector<16xf32>, vector<16xi32>, vector<16xi1>) -> (vector<16xi1>, vector<16xf32>, vector<16xi32>)
        %rev3A_265 = arith.constant 15 : i32
        %rev3A_266 = vector.broadcast %rev3A_265 : i32 to vector<16xi32>
        %rev3A_267 = tpu.iota {dimensions = array<i32: 0>} : vector<16xi32>
        %rev3A_268 = arith.subi %rev3A_266, %rev3A_267 : vector<16xi32>
        %rev3A_269 = tpu.dynamic_gather %masked_sort3A_263[%rev3A_268] in [0] : vector<16xf32>, vector<16xi32> -> vector<16xf32>
        %rev3A_270 = arith.constant 15 : i32
        %rev3A_271 = vector.broadcast %rev3A_270 : i32 to vector<16xi32>
        %rev3A_272 = tpu.iota {dimensions = array<i32: 0>} : vector<16xi32>
        %rev3A_273 = arith.subi %rev3A_271, %rev3A_272 : vector<16xi32>
        %rev3A_274 = tpu.dynamic_gather %masked_sort3A_264[%rev3A_273] in [0] : vector<16xi32>, vector<16xi32> -> vector<16xi32>
        %ge3A_275 = arith.cmpf oge, %masked_sort3A_253, %rev3A_269 : vector<16xf32>
        %select_n3A_276 = arith.select %ge3A_275, %masked_sort3A_253, %rev3A_269 : vector<16xi1>, vector<16xf32>
        %select_n3A_277 = arith.select %ge3A_275, %masked_sort3A_254, %rev3A_274 : vector<16xi1>, vector<16xi32>
        %masked_sort3A_278 = arith.constant dense<true> : vector<16xi1>
        %masked_sort3A_279, %masked_sort3A_280, %masked_sort3A_281 = tpu.sort %select_n3A_276, %select_n3A_277 masked %masked_sort3A_278 {descending = true} : (vector<16xf32>, vector<16xi32>, vector<16xi1>) -> (vector<16xi1>, vector<16xf32>, vector<16xi32>)
        %add3A_282 = arith.constant 76800 : i32
        %add3A_283 = arith.addi %add3A_282, %mul3A_162 : i32
        %add3A_284 = arith.constant 48 : i32
        %add3A_285 = arith.addi %add3A_283, %add3A_284 : i32
        %broadcast_in_dim3A_286 = vector.broadcast %add3A_285 : i32 to vector<16xi32>
        %add3A_287 = arith.addi %broadcast_in_dim3A_286, %iota3A : vector<16xi32>
        %masked_sort3A_288 = arith.constant dense<true> : vector<16xi1>
        %masked_sort3A_289, %masked_sort3A_290, %masked_sort3A_291 = tpu.sort %get3A_177, %add3A_287 masked %masked_sort3A_288 {descending = true} : (vector<16xf32>, vector<16xi32>, vector<16xi1>) -> (vector<16xi1>, vector<16xf32>, vector<16xi32>)
        %rev3A_292 = arith.constant 15 : i32
        %rev3A_293 = vector.broadcast %rev3A_292 : i32 to vector<16xi32>
        %rev3A_294 = tpu.iota {dimensions = array<i32: 0>} : vector<16xi32>
        %rev3A_295 = arith.subi %rev3A_293, %rev3A_294 : vector<16xi32>
        %rev3A_296 = tpu.dynamic_gather %masked_sort3A_290[%rev3A_295] in [0] : vector<16xf32>, vector<16xi32> -> vector<16xf32>
        %rev3A_297 = arith.constant 15 : i32
        %rev3A_298 = vector.broadcast %rev3A_297 : i32 to vector<16xi32>
        %rev3A_299 = tpu.iota {dimensions = array<i32: 0>} : vector<16xi32>
        %rev3A_300 = arith.subi %rev3A_298, %rev3A_299 : vector<16xi32>
        %rev3A_301 = tpu.dynamic_gather %masked_sort3A_291[%rev3A_300] in [0] : vector<16xi32>, vector<16xi32> -> vector<16xi32>
        %ge3A_302 = arith.cmpf oge, %masked_sort3A_280, %rev3A_296 : vector<16xf32>
        %select_n3A_303 = arith.select %ge3A_302, %masked_sort3A_280, %rev3A_296 : vector<16xi1>, vector<16xf32>
        %select_n3A_304 = arith.select %ge3A_302, %masked_sort3A_281, %rev3A_301 : vector<16xi1>, vector<16xi32>
        %masked_sort3A_305 = arith.constant dense<true> : vector<16xi1>
        %masked_sort3A_306, %masked_sort3A_307, %masked_sort3A_308 = tpu.sort %select_n3A_303, %select_n3A_304 masked %masked_sort3A_305 {descending = true} : (vector<16xf32>, vector<16xi32>, vector<16xi1>) -> (vector<16xi1>, vector<16xf32>, vector<16xi32>)
        %add3A_309 = arith.constant 76800 : i32
        %add3A_310 = arith.addi %add3A_309, %mul3A_162 : i32
        %add3A_311 = arith.constant 64 : i32
        %add3A_312 = arith.addi %add3A_310, %add3A_311 : i32
        %broadcast_in_dim3A_313 = vector.broadcast %add3A_312 : i32 to vector<16xi32>
        %add3A_314 = arith.addi %broadcast_in_dim3A_313, %iota3A : vector<16xi32>
        %masked_sort3A_315 = arith.constant dense<true> : vector<16xi1>
        %masked_sort3A_316, %masked_sort3A_317, %masked_sort3A_318 = tpu.sort %get3A_181, %add3A_314 masked %masked_sort3A_315 {descending = true} : (vector<16xf32>, vector<16xi32>, vector<16xi1>) -> (vector<16xi1>, vector<16xf32>, vector<16xi32>)
        %rev3A_319 = arith.constant 15 : i32
        %rev3A_320 = vector.broadcast %rev3A_319 : i32 to vector<16xi32>
        %rev3A_321 = tpu.iota {dimensions = array<i32: 0>} : vector<16xi32>
        %rev3A_322 = arith.subi %rev3A_320, %rev3A_321 : vector<16xi32>
        %rev3A_323 = tpu.dynamic_gather %masked_sort3A_317[%rev3A_322] in [0] : vector<16xf32>, vector<16xi32> -> vector<16xf32>
        %rev3A_324 = arith.constant 15 : i32
        %rev3A_325 = vector.broadcast %rev3A_324 : i32 to vector<16xi32>
        %rev3A_326 = tpu.iota {dimensions = array<i32: 0>} : vector<16xi32>
        %rev3A_327 = arith.subi %rev3A_325, %rev3A_326 : vector<16xi32>
        %rev3A_328 = tpu.dynamic_gather %masked_sort3A_318[%rev3A_327] in [0] : vector<16xi32>, vector<16xi32> -> vector<16xi32>
        %ge3A_329 = arith.cmpf oge, %masked_sort3A_307, %rev3A_323 : vector<16xf32>
        %select_n3A_330 = arith.select %ge3A_329, %masked_sort3A_307, %rev3A_323 : vector<16xi1>, vector<16xf32>
        %select_n3A_331 = arith.select %ge3A_329, %masked_sort3A_308, %rev3A_328 : vector<16xi1>, vector<16xi32>
        %masked_sort3A_332 = arith.constant dense<true> : vector<16xi1>
        %masked_sort3A_333, %masked_sort3A_334, %masked_sort3A_335 = tpu.sort %select_n3A_330, %select_n3A_331 masked %masked_sort3A_332 {descending = true} : (vector<16xf32>, vector<16xi32>, vector<16xi1>) -> (vector<16xi1>, vector<16xf32>, vector<16xi32>)
        %add3A_336 = arith.constant 76800 : i32
        %add3A_337 = arith.addi %add3A_336, %mul3A_162 : i32
        %add3A_338 = arith.constant 80 : i32
        %add3A_339 = arith.addi %add3A_337, %add3A_338 : i32
        %broadcast_in_dim3A_340 = vector.broadcast %add3A_339 : i32 to vector<16xi32>
        %add3A_341 = arith.addi %broadcast_in_dim3A_340, %iota3A : vector<16xi32>
        %masked_sort3A_342 = arith.constant dense<true> : vector<16xi1>
        %masked_sort3A_343, %masked_sort3A_344, %masked_sort3A_345 = tpu.sort %get3A_185, %add3A_341 masked %masked_sort3A_342 {descending = true} : (vector<16xf32>, vector<16xi32>, vector<16xi1>) -> (vector<16xi1>, vector<16xf32>, vector<16xi32>)
        %rev3A_346 = arith.constant 15 : i32
        %rev3A_347 = vector.broadcast %rev3A_346 : i32 to vector<16xi32>
        %rev3A_348 = tpu.iota {dimensions = array<i32: 0>} : vector<16xi32>
        %rev3A_349 = arith.subi %rev3A_347, %rev3A_348 : vector<16xi32>
        %rev3A_350 = tpu.dynamic_gather %masked_sort3A_344[%rev3A_349] in [0] : vector<16xf32>, vector<16xi32> -> vector<16xf32>
        %rev3A_351 = arith.constant 15 : i32
        %rev3A_352 = vector.broadcast %rev3A_351 : i32 to vector<16xi32>
        %rev3A_353 = tpu.iota {dimensions = array<i32: 0>} : vector<16xi32>
        %rev3A_354 = arith.subi %rev3A_352, %rev3A_353 : vector<16xi32>
        %rev3A_355 = tpu.dynamic_gather %masked_sort3A_345[%rev3A_354] in [0] : vector<16xi32>, vector<16xi32> -> vector<16xi32>
        %ge3A_356 = arith.cmpf oge, %masked_sort3A_334, %rev3A_350 : vector<16xf32>
        %select_n3A_357 = arith.select %ge3A_356, %masked_sort3A_334, %rev3A_350 : vector<16xi1>, vector<16xf32>
        %select_n3A_358 = arith.select %ge3A_356, %masked_sort3A_335, %rev3A_355 : vector<16xi1>, vector<16xi32>
        %masked_sort3A_359 = arith.constant dense<true> : vector<16xi1>
        %masked_sort3A_360, %masked_sort3A_361, %masked_sort3A_362 = tpu.sort %select_n3A_357, %select_n3A_358 masked %masked_sort3A_359 {descending = true} : (vector<16xf32>, vector<16xi32>, vector<16xi1>) -> (vector<16xi1>, vector<16xf32>, vector<16xi32>)
        %add3A_363 = arith.constant 76800 : i32
        %add3A_364 = arith.addi %add3A_363, %mul3A_162 : i32
        %add3A_365 = arith.constant 96 : i32
        %add3A_366 = arith.addi %add3A_364, %add3A_365 : i32
        %broadcast_in_dim3A_367 = vector.broadcast %add3A_366 : i32 to vector<16xi32>
        %add3A_368 = arith.addi %broadcast_in_dim3A_367, %iota3A : vector<16xi32>
        %masked_sort3A_369 = arith.constant dense<true> : vector<16xi1>
        %masked_sort3A_370, %masked_sort3A_371, %masked_sort3A_372 = tpu.sort %get3A_189, %add3A_368 masked %masked_sort3A_369 {descending = true} : (vector<16xf32>, vector<16xi32>, vector<16xi1>) -> (vector<16xi1>, vector<16xf32>, vector<16xi32>)
        %rev3A_373 = arith.constant 15 : i32
        %rev3A_374 = vector.broadcast %rev3A_373 : i32 to vector<16xi32>
        %rev3A_375 = tpu.iota {dimensions = array<i32: 0>} : vector<16xi32>
        %rev3A_376 = arith.subi %rev3A_374, %rev3A_375 : vector<16xi32>
        %rev3A_377 = tpu.dynamic_gather %masked_sort3A_371[%rev3A_376] in [0] : vector<16xf32>, vector<16xi32> -> vector<16xf32>
        %rev3A_378 = arith.constant 15 : i32
        %rev3A_379 = vector.broadcast %rev3A_378 : i32 to vector<16xi32>
        %rev3A_380 = tpu.iota {dimensions = array<i32: 0>} : vector<16xi32>
        %rev3A_381 = arith.subi %rev3A_379, %rev3A_380 : vector<16xi32>
        %rev3A_382 = tpu.dynamic_gather %masked_sort3A_372[%rev3A_381] in [0] : vector<16xi32>, vector<16xi32> -> vector<16xi32>
        %ge3A_383 = arith.cmpf oge, %masked_sort3A_361, %rev3A_377 : vector<16xf32>
        %select_n3A_384 = arith.select %ge3A_383, %masked_sort3A_361, %rev3A_377 : vector<16xi1>, vector<16xf32>
        %select_n3A_385 = arith.select %ge3A_383, %masked_sort3A_362, %rev3A_382 : vector<16xi1>, vector<16xi32>
        %masked_sort3A_386 = arith.constant dense<true> : vector<16xi1>
        %masked_sort3A_387, %masked_sort3A_388, %masked_sort3A_389 = tpu.sort %select_n3A_384, %select_n3A_385 masked %masked_sort3A_386 {descending = true} : (vector<16xf32>, vector<16xi32>, vector<16xi1>) -> (vector<16xi1>, vector<16xf32>, vector<16xi32>)
        %add3A_390 = arith.constant 76800 : i32
        %add3A_391 = arith.addi %add3A_390, %mul3A_162 : i32
        %add3A_392 = arith.constant 112 : i32
        %add3A_393 = arith.addi %add3A_391, %add3A_392 : i32
        %broadcast_in_dim3A_394 = vector.broadcast %add3A_393 : i32 to vector<16xi32>
        %add3A_395 = arith.addi %broadcast_in_dim3A_394, %iota3A : vector<16xi32>
        %masked_sort3A_396 = arith.constant dense<true> : vector<16xi1>
        %masked_sort3A_397, %masked_sort3A_398, %masked_sort3A_399 = tpu.sort %get3A_193, %add3A_395 masked %masked_sort3A_396 {descending = true} : (vector<16xf32>, vector<16xi32>, vector<16xi1>) -> (vector<16xi1>, vector<16xf32>, vector<16xi32>)
        %rev3A_400 = arith.constant 15 : i32
        %rev3A_401 = vector.broadcast %rev3A_400 : i32 to vector<16xi32>
        %rev3A_402 = tpu.iota {dimensions = array<i32: 0>} : vector<16xi32>
        %rev3A_403 = arith.subi %rev3A_401, %rev3A_402 : vector<16xi32>
        %rev3A_404 = tpu.dynamic_gather %masked_sort3A_398[%rev3A_403] in [0] : vector<16xf32>, vector<16xi32> -> vector<16xf32>
        %rev3A_405 = arith.constant 15 : i32
        %rev3A_406 = vector.broadcast %rev3A_405 : i32 to vector<16xi32>
        %rev3A_407 = tpu.iota {dimensions = array<i32: 0>} : vector<16xi32>
        %rev3A_408 = arith.subi %rev3A_406, %rev3A_407 : vector<16xi32>
        %rev3A_409 = tpu.dynamic_gather %masked_sort3A_399[%rev3A_408] in [0] : vector<16xi32>, vector<16xi32> -> vector<16xi32>
        %ge3A_410 = arith.cmpf oge, %masked_sort3A_388, %rev3A_404 : vector<16xf32>
        %select_n3A_411 = arith.select %ge3A_410, %masked_sort3A_388, %rev3A_404 : vector<16xi1>, vector<16xf32>
        %select_n3A_412 = arith.select %ge3A_410, %masked_sort3A_389, %rev3A_409 : vector<16xi1>, vector<16xi32>
        %masked_sort3A_413 = arith.constant dense<true> : vector<16xi1>
        %masked_sort3A_414, %masked_sort3A_415, %masked_sort3A_416 = tpu.sort %select_n3A_411, %select_n3A_412 masked %masked_sort3A_413 {descending = true} : (vector<16xf32>, vector<16xi32>, vector<16xi1>) -> (vector<16xi1>, vector<16xf32>, vector<16xi32>)
        %eq3A = arith.constant 7 : i32
        %eq3A_417 = vector.broadcast %eq3A : i32 to vector<16xi32>
        %eq3A_418 = arith.cmpi eq, %iota3A, %eq3A_417 : vector<16xi32>
        %broadcast_in_dim3A_419 = vector.broadcast %scan3A_134 : f32 to vector<16xf32>
        %select_n3A_420 = arith.select %eq3A_418, %masked_sort3A_415, %broadcast_in_dim3A_419 : vector<16xi1>, vector<16xf32>
        %reduce_max3A_421 = arith.constant true
        %reduce_max3A_422 = vector.broadcast %reduce_max3A_421 : i1 to vector<16xi1>
        %reduce_max3A_423 = tpu.scan <max>, %select_n3A_420 masked %reduce_max3A_422 : vector<16xf32>, vector<16xi1> -> vector<16xf32>
        %reduce_max3A_424 = vector.extract %reduce_max3A_423[15] : f32 from vector<16xf32>
        scf.yield %masked_sort3A_415, %masked_sort3A_416, %reduce_max3A_424 : vector<16xf32>, vector<16xi32>, f32
      } else {
        scf.yield %scan3A_158, %scan3A_159, %scan3A_160 : vector<16xf32>, vector<16xi32>, f32
      }
      scf.yield %cond3A_204#0, %cond3A_204#1, %cond3A_204#2 : vector<16xf32>, vector<16xi32>, f32
    }
    %scan3A_140 = arith.constant 100 : i32
    %dma_wait3A_141 = arith.constant 89600 : i32
    %dma_wait3A_142 = tpu.memref_slice %arg2[%add3A, %dma_wait3A_141] : memref<32x102400xf32, #tpu.memory_space<hbm>> -> memref<1x12800xf32, #tpu.memory_space<hbm>>
    %dma_wait3A_143 = tpu.memref_squeeze %dma_wait3A_142 : memref<1x12800xf32, #tpu.memory_space<hbm>> -> memref<12800xf32, #tpu.memory_space<hbm>>
    %dma_wait3A_144 = arith.constant 89600 : i32
    %dma_wait3A_145 = tpu.memref_slice %arg2[%add3A, %dma_wait3A_144] : memref<32x102400xf32, #tpu.memory_space<hbm>> -> memref<1x12800xf32, #tpu.memory_space<hbm>>
    %dma_wait3A_146 = tpu.memref_squeeze %dma_wait3A_145 : memref<1x12800xf32, #tpu.memory_space<hbm>> -> memref<12800xf32, #tpu.memory_space<hbm>>
    tpu.wait_dma2 semaphore(%arg10 : memref<!tpu.dma_semaphore, #tpu.memory_space<semaphore_mem>>) src(%dma_wait3A_146 : memref<12800xf32, #tpu.memory_space<hbm>>) dst(%arg6 : memref<12800xf32, #tpu.memory_space<vmem>>)
    %scan3A_147 = arith.constant 0xFF800000 : f32
    %scan3A_148 = arith.constant 0 : i32
    %scan3A_149 = arith.constant 100 : i32
    %scan3A_150 = arith.addi %scan3A_148, %scan3A_149 : i32
    %scan3A_151 = arith.constant 1 : i32
    %scan3A_152:3 = scf.for %scan3A_157 = %scan3A_148 to %scan3A_150 step %scan3A_151 iter_args(%scan3A_158 = %scan3A_139#0, %scan3A_159 = %scan3A_139#1, %scan3A_160 = %scan3A_139#2) -> (vector<16xf32>, vector<16xi32>, f32)  : i32 {
      %mul3A_161 = arith.constant 128 : i32
      %mul3A_162 = arith.muli %scan3A_157, %mul3A_161 : i32
      %add3A_163 = arith.constant 0 : i32
      %add3A_164 = arith.addi %mul3A_162, %add3A_163 : i32
      %get3A = arith.index_cast %add3A_164 : i32 to index
      %get3A_165 = tpu.vector_load %arg6[%get3A] {strides = array<i32>} : memref<12800xf32, #tpu.memory_space<vmem>>, vector<16xf32>,
      %add3A_166 = arith.constant 16 : i32
      %add3A_167 = arith.addi %mul3A_162, %add3A_166 : i32
      %get3A_168 = arith.index_cast %add3A_167 : i32 to index
      %get3A_169 = tpu.vector_load %arg6[%get3A_168] {strides = array<i32>} : memref<12800xf32, #tpu.memory_space<vmem>>, vector<16xf32>,
      %add3A_170 = arith.constant 32 : i32
      %add3A_171 = arith.addi %mul3A_162, %add3A_170 : i32
      %get3A_172 = arith.index_cast %add3A_171 : i32 to index
      %get3A_173 = tpu.vector_load %arg6[%get3A_172] {strides = array<i32>} : memref<12800xf32, #tpu.memory_space<vmem>>, vector<16xf32>,
      %add3A_174 = arith.constant 48 : i32
      %add3A_175 = arith.addi %mul3A_162, %add3A_174 : i32
      %get3A_176 = arith.index_cast %add3A_175 : i32 to index
      %get3A_177 = tpu.vector_load %arg6[%get3A_176] {strides = array<i32>} : memref<12800xf32, #tpu.memory_space<vmem>>, vector<16xf32>,
      %add3A_178 = arith.constant 64 : i32
      %add3A_179 = arith.addi %mul3A_162, %add3A_178 : i32
      %get3A_180 = arith.index_cast %add3A_179 : i32 to index
      %get3A_181 = tpu.vector_load %arg6[%get3A_180] {strides = array<i32>} : memref<12800xf32, #tpu.memory_space<vmem>>, vector<16xf32>,
      %add3A_182 = arith.constant 80 : i32
      %add3A_183 = arith.addi %mul3A_162, %add3A_182 : i32
      %get3A_184 = arith.index_cast %add3A_183 : i32 to index
      %get3A_185 = tpu.vector_load %arg6[%get3A_184] {strides = array<i32>} : memref<12800xf32, #tpu.memory_space<vmem>>, vector<16xf32>,
      %add3A_186 = arith.constant 96 : i32
      %add3A_187 = arith.addi %mul3A_162, %add3A_186 : i32
      %get3A_188 = arith.index_cast %add3A_187 : i32 to index
      %get3A_189 = tpu.vector_load %arg6[%get3A_188] {strides = array<i32>} : memref<12800xf32, #tpu.memory_space<vmem>>, vector<16xf32>,
      %add3A_190 = arith.constant 112 : i32
      %add3A_191 = arith.addi %mul3A_162, %add3A_190 : i32
      %get3A_192 = arith.index_cast %add3A_191 : i32 to index
      %get3A_193 = tpu.vector_load %arg6[%get3A_192] {strides = array<i32>} : memref<12800xf32, #tpu.memory_space<vmem>>, vector<16xf32>,
      %max3A = arith.maximumf %get3A_165, %get3A_169 : vector<16xf32>
      %max3A_194 = arith.maximumf %get3A_173, %get3A_177 : vector<16xf32>
      %max3A_195 = arith.maximumf %get3A_181, %get3A_185 : vector<16xf32>
      %max3A_196 = arith.maximumf %get3A_189, %get3A_193 : vector<16xf32>
      %max3A_197 = arith.maximumf %max3A, %max3A_194 : vector<16xf32>
      %max3A_198 = arith.maximumf %max3A_195, %max3A_196 : vector<16xf32>
      %max3A_199 = arith.maximumf %max3A_197, %max3A_198 : vector<16xf32>
      %reduce_max3A = arith.constant true
      %reduce_max3A_200 = vector.broadcast %reduce_max3A : i1 to vector<16xi1>
      %reduce_max3A_201 = tpu.scan <max>, %max3A_199 masked %reduce_max3A_200 : vector<16xf32>, vector<16xi1> -> vector<16xf32>
      %reduce_max3A_202 = vector.extract %reduce_max3A_201[15] : f32 from vector<16xf32>
      %gt3A = arith.cmpf ogt, %reduce_max3A_202, %scan3A_160 : f32
      %convert_element_type3A = arith.extui %gt3A : i1 to i32
      %cond3A = arith.constant 0 : i32
      %cond3A_203 = arith.cmpi ne, %convert_element_type3A, %cond3A : i32
      %cond3A_204:3 = scf.if %cond3A_203 -> (vector<16xf32>, vector<16xi32>, f32) {
        %add3A_205 = arith.constant 89600 : i32
        %add3A_206 = arith.addi %add3A_205, %mul3A_162 : i32
        %add3A_207 = arith.constant 0 : i32
        %add3A_208 = arith.addi %add3A_206, %add3A_207 : i32
        %broadcast_in_dim3A_209 = vector.broadcast %add3A_208 : i32 to vector<16xi32>
        %add3A_210 = arith.addi %broadcast_in_dim3A_209, %iota3A : vector<16xi32>
        %masked_sort3A = arith.constant dense<true> : vector<16xi1>
        %masked_sort3A_211, %masked_sort3A_212, %masked_sort3A_213 = tpu.sort %get3A_165, %add3A_210 masked %masked_sort3A {descending = true} : (vector<16xf32>, vector<16xi32>, vector<16xi1>) -> (vector<16xi1>, vector<16xf32>, vector<16xi32>)
        %rev3A = arith.constant 15 : i32
        %rev3A_214 = vector.broadcast %rev3A : i32 to vector<16xi32>
        %rev3A_215 = tpu.iota {dimensions = array<i32: 0>} : vector<16xi32>
        %rev3A_216 = arith.subi %rev3A_214, %rev3A_215 : vector<16xi32>
        %rev3A_217 = tpu.dynamic_gather %masked_sort3A_212[%rev3A_216] in [0] : vector<16xf32>, vector<16xi32> -> vector<16xf32>
        %rev3A_218 = arith.constant 15 : i32
        %rev3A_219 = vector.broadcast %rev3A_218 : i32 to vector<16xi32>
        %rev3A_220 = tpu.iota {dimensions = array<i32: 0>} : vector<16xi32>
        %rev3A_221 = arith.subi %rev3A_219, %rev3A_220 : vector<16xi32>
        %rev3A_222 = tpu.dynamic_gather %masked_sort3A_213[%rev3A_221] in [0] : vector<16xi32>, vector<16xi32> -> vector<16xi32>
        %ge3A = arith.cmpf oge, %scan3A_158, %rev3A_217 : vector<16xf32>
        %select_n3A = arith.select %ge3A, %scan3A_158, %rev3A_217 : vector<16xi1>, vector<16xf32>
        %select_n3A_223 = arith.select %ge3A, %scan3A_159, %rev3A_222 : vector<16xi1>, vector<16xi32>
        %masked_sort3A_224 = arith.constant dense<true> : vector<16xi1>
        %masked_sort3A_225, %masked_sort3A_226, %masked_sort3A_227 = tpu.sort %select_n3A, %select_n3A_223 masked %masked_sort3A_224 {descending = true} : (vector<16xf32>, vector<16xi32>, vector<16xi1>) -> (vector<16xi1>, vector<16xf32>, vector<16xi32>)
        %add3A_228 = arith.constant 89600 : i32
        %add3A_229 = arith.addi %add3A_228, %mul3A_162 : i32
        %add3A_230 = arith.constant 16 : i32
        %add3A_231 = arith.addi %add3A_229, %add3A_230 : i32
        %broadcast_in_dim3A_232 = vector.broadcast %add3A_231 : i32 to vector<16xi32>
        %add3A_233 = arith.addi %broadcast_in_dim3A_232, %iota3A : vector<16xi32>
        %masked_sort3A_234 = arith.constant dense<true> : vector<16xi1>
        %masked_sort3A_235, %masked_sort3A_236, %masked_sort3A_237 = tpu.sort %get3A_169, %add3A_233 masked %masked_sort3A_234 {descending = true} : (vector<16xf32>, vector<16xi32>, vector<16xi1>) -> (vector<16xi1>, vector<16xf32>, vector<16xi32>)
        %rev3A_238 = arith.constant 15 : i32
        %rev3A_239 = vector.broadcast %rev3A_238 : i32 to vector<16xi32>
        %rev3A_240 = tpu.iota {dimensions = array<i32: 0>} : vector<16xi32>
        %rev3A_241 = arith.subi %rev3A_239, %rev3A_240 : vector<16xi32>
        %rev3A_242 = tpu.dynamic_gather %masked_sort3A_236[%rev3A_241] in [0] : vector<16xf32>, vector<16xi32> -> vector<16xf32>
        %rev3A_243 = arith.constant 15 : i32
        %rev3A_244 = vector.broadcast %rev3A_243 : i32 to vector<16xi32>
        %rev3A_245 = tpu.iota {dimensions = array<i32: 0>} : vector<16xi32>
        %rev3A_246 = arith.subi %rev3A_244, %rev3A_245 : vector<16xi32>
        %rev3A_247 = tpu.dynamic_gather %masked_sort3A_237[%rev3A_246] in [0] : vector<16xi32>, vector<16xi32> -> vector<16xi32>
        %ge3A_248 = arith.cmpf oge, %masked_sort3A_226, %rev3A_242 : vector<16xf32>
        %select_n3A_249 = arith.select %ge3A_248, %masked_sort3A_226, %rev3A_242 : vector<16xi1>, vector<16xf32>
        %select_n3A_250 = arith.select %ge3A_248, %masked_sort3A_227, %rev3A_247 : vector<16xi1>, vector<16xi32>
        %masked_sort3A_251 = arith.constant dense<true> : vector<16xi1>
        %masked_sort3A_252, %masked_sort3A_253, %masked_sort3A_254 = tpu.sort %select_n3A_249, %select_n3A_250 masked %masked_sort3A_251 {descending = true} : (vector<16xf32>, vector<16xi32>, vector<16xi1>) -> (vector<16xi1>, vector<16xf32>, vector<16xi32>)
        %add3A_255 = arith.constant 89600 : i32
        %add3A_256 = arith.addi %add3A_255, %mul3A_162 : i32
        %add3A_257 = arith.constant 32 : i32
        %add3A_258 = arith.addi %add3A_256, %add3A_257 : i32
        %broadcast_in_dim3A_259 = vector.broadcast %add3A_258 : i32 to vector<16xi32>
        %add3A_260 = arith.addi %broadcast_in_dim3A_259, %iota3A : vector<16xi32>
        %masked_sort3A_261 = arith.constant dense<true> : vector<16xi1>
        %masked_sort3A_262, %masked_sort3A_263, %masked_sort3A_264 = tpu.sort %get3A_173, %add3A_260 masked %masked_sort3A_261 {descending = true} : (vector<16xf32>, vector<16xi32>, vector<16xi1>) -> (vector<16xi1>, vector<16xf32>, vector<16xi32>)
        %rev3A_265 = arith.constant 15 : i32
        %rev3A_266 = vector.broadcast %rev3A_265 : i32 to vector<16xi32>
        %rev3A_267 = tpu.iota {dimensions = array<i32: 0>} : vector<16xi32>
        %rev3A_268 = arith.subi %rev3A_266, %rev3A_267 : vector<16xi32>
        %rev3A_269 = tpu.dynamic_gather %masked_sort3A_263[%rev3A_268] in [0] : vector<16xf32>, vector<16xi32> -> vector<16xf32>
        %rev3A_270 = arith.constant 15 : i32
        %rev3A_271 = vector.broadcast %rev3A_270 : i32 to vector<16xi32>
        %rev3A_272 = tpu.iota {dimensions = array<i32: 0>} : vector<16xi32>
        %rev3A_273 = arith.subi %rev3A_271, %rev3A_272 : vector<16xi32>
        %rev3A_274 = tpu.dynamic_gather %masked_sort3A_264[%rev3A_273] in [0] : vector<16xi32>, vector<16xi32> -> vector<16xi32>
        %ge3A_275 = arith.cmpf oge, %masked_sort3A_253, %rev3A_269 : vector<16xf32>
        %select_n3A_276 = arith.select %ge3A_275, %masked_sort3A_253, %rev3A_269 : vector<16xi1>, vector<16xf32>
        %select_n3A_277 = arith.select %ge3A_275, %masked_sort3A_254, %rev3A_274 : vector<16xi1>, vector<16xi32>
        %masked_sort3A_278 = arith.constant dense<true> : vector<16xi1>
        %masked_sort3A_279, %masked_sort3A_280, %masked_sort3A_281 = tpu.sort %select_n3A_276, %select_n3A_277 masked %masked_sort3A_278 {descending = true} : (vector<16xf32>, vector<16xi32>, vector<16xi1>) -> (vector<16xi1>, vector<16xf32>, vector<16xi32>)
        %add3A_282 = arith.constant 89600 : i32
        %add3A_283 = arith.addi %add3A_282, %mul3A_162 : i32
        %add3A_284 = arith.constant 48 : i32
        %add3A_285 = arith.addi %add3A_283, %add3A_284 : i32
        %broadcast_in_dim3A_286 = vector.broadcast %add3A_285 : i32 to vector<16xi32>
        %add3A_287 = arith.addi %broadcast_in_dim3A_286, %iota3A : vector<16xi32>
        %masked_sort3A_288 = arith.constant dense<true> : vector<16xi1>
        %masked_sort3A_289, %masked_sort3A_290, %masked_sort3A_291 = tpu.sort %get3A_177, %add3A_287 masked %masked_sort3A_288 {descending = true} : (vector<16xf32>, vector<16xi32>, vector<16xi1>) -> (vector<16xi1>, vector<16xf32>, vector<16xi32>)
        %rev3A_292 = arith.constant 15 : i32
        %rev3A_293 = vector.broadcast %rev3A_292 : i32 to vector<16xi32>
        %rev3A_294 = tpu.iota {dimensions = array<i32: 0>} : vector<16xi32>
        %rev3A_295 = arith.subi %rev3A_293, %rev3A_294 : vector<16xi32>
        %rev3A_296 = tpu.dynamic_gather %masked_sort3A_290[%rev3A_295] in [0] : vector<16xf32>, vector<16xi32> -> vector<16xf32>
        %rev3A_297 = arith.constant 15 : i32
        %rev3A_298 = vector.broadcast %rev3A_297 : i32 to vector<16xi32>
        %rev3A_299 = tpu.iota {dimensions = array<i32: 0>} : vector<16xi32>
        %rev3A_300 = arith.subi %rev3A_298, %rev3A_299 : vector<16xi32>
        %rev3A_301 = tpu.dynamic_gather %masked_sort3A_291[%rev3A_300] in [0] : vector<16xi32>, vector<16xi32> -> vector<16xi32>
        %ge3A_302 = arith.cmpf oge, %masked_sort3A_280, %rev3A_296 : vector<16xf32>
        %select_n3A_303 = arith.select %ge3A_302, %masked_sort3A_280, %rev3A_296 : vector<16xi1>, vector<16xf32>
        %select_n3A_304 = arith.select %ge3A_302, %masked_sort3A_281, %rev3A_301 : vector<16xi1>, vector<16xi32>
        %masked_sort3A_305 = arith.constant dense<true> : vector<16xi1>
        %masked_sort3A_306, %masked_sort3A_307, %masked_sort3A_308 = tpu.sort %select_n3A_303, %select_n3A_304 masked %masked_sort3A_305 {descending = true} : (vector<16xf32>, vector<16xi32>, vector<16xi1>) -> (vector<16xi1>, vector<16xf32>, vector<16xi32>)
        %add3A_309 = arith.constant 89600 : i32
        %add3A_310 = arith.addi %add3A_309, %mul3A_162 : i32
        %add3A_311 = arith.constant 64 : i32
        %add3A_312 = arith.addi %add3A_310, %add3A_311 : i32
        %broadcast_in_dim3A_313 = vector.broadcast %add3A_312 : i32 to vector<16xi32>
        %add3A_314 = arith.addi %broadcast_in_dim3A_313, %iota3A : vector<16xi32>
        %masked_sort3A_315 = arith.constant dense<true> : vector<16xi1>
        %masked_sort3A_316, %masked_sort3A_317, %masked_sort3A_318 = tpu.sort %get3A_181, %add3A_314 masked %masked_sort3A_315 {descending = true} : (vector<16xf32>, vector<16xi32>, vector<16xi1>) -> (vector<16xi1>, vector<16xf32>, vector<16xi32>)
        %rev3A_319 = arith.constant 15 : i32
        %rev3A_320 = vector.broadcast %rev3A_319 : i32 to vector<16xi32>
        %rev3A_321 = tpu.iota {dimensions = array<i32: 0>} : vector<16xi32>
        %rev3A_322 = arith.subi %rev3A_320, %rev3A_321 : vector<16xi32>
        %rev3A_323 = tpu.dynamic_gather %masked_sort3A_317[%rev3A_322] in [0] : vector<16xf32>, vector<16xi32> -> vector<16xf32>
        %rev3A_324 = arith.constant 15 : i32
        %rev3A_325 = vector.broadcast %rev3A_324 : i32 to vector<16xi32>
        %rev3A_326 = tpu.iota {dimensions = array<i32: 0>} : vector<16xi32>
        %rev3A_327 = arith.subi %rev3A_325, %rev3A_326 : vector<16xi32>
        %rev3A_328 = tpu.dynamic_gather %masked_sort3A_318[%rev3A_327] in [0] : vector<16xi32>, vector<16xi32> -> vector<16xi32>
        %ge3A_329 = arith.cmpf oge, %masked_sort3A_307, %rev3A_323 : vector<16xf32>
        %select_n3A_330 = arith.select %ge3A_329, %masked_sort3A_307, %rev3A_323 : vector<16xi1>, vector<16xf32>
        %select_n3A_331 = arith.select %ge3A_329, %masked_sort3A_308, %rev3A_328 : vector<16xi1>, vector<16xi32>
        %masked_sort3A_332 = arith.constant dense<true> : vector<16xi1>
        %masked_sort3A_333, %masked_sort3A_334, %masked_sort3A_335 = tpu.sort %select_n3A_330, %select_n3A_331 masked %masked_sort3A_332 {descending = true} : (vector<16xf32>, vector<16xi32>, vector<16xi1>) -> (vector<16xi1>, vector<16xf32>, vector<16xi32>)
        %add3A_336 = arith.constant 89600 : i32
        %add3A_337 = arith.addi %add3A_336, %mul3A_162 : i32
        %add3A_338 = arith.constant 80 : i32
        %add3A_339 = arith.addi %add3A_337, %add3A_338 : i32
        %broadcast_in_dim3A_340 = vector.broadcast %add3A_339 : i32 to vector<16xi32>
        %add3A_341 = arith.addi %broadcast_in_dim3A_340, %iota3A : vector<16xi32>
        %masked_sort3A_342 = arith.constant dense<true> : vector<16xi1>
        %masked_sort3A_343, %masked_sort3A_344, %masked_sort3A_345 = tpu.sort %get3A_185, %add3A_341 masked %masked_sort3A_342 {descending = true} : (vector<16xf32>, vector<16xi32>, vector<16xi1>) -> (vector<16xi1>, vector<16xf32>, vector<16xi32>)
        %rev3A_346 = arith.constant 15 : i32
        %rev3A_347 = vector.broadcast %rev3A_346 : i32 to vector<16xi32>
        %rev3A_348 = tpu.iota {dimensions = array<i32: 0>} : vector<16xi32>
        %rev3A_349 = arith.subi %rev3A_347, %rev3A_348 : vector<16xi32>
        %rev3A_350 = tpu.dynamic_gather %masked_sort3A_344[%rev3A_349] in [0] : vector<16xf32>, vector<16xi32> -> vector<16xf32>
        %rev3A_351 = arith.constant 15 : i32
        %rev3A_352 = vector.broadcast %rev3A_351 : i32 to vector<16xi32>
        %rev3A_353 = tpu.iota {dimensions = array<i32: 0>} : vector<16xi32>
        %rev3A_354 = arith.subi %rev3A_352, %rev3A_353 : vector<16xi32>
        %rev3A_355 = tpu.dynamic_gather %masked_sort3A_345[%rev3A_354] in [0] : vector<16xi32>, vector<16xi32> -> vector<16xi32>
        %ge3A_356 = arith.cmpf oge, %masked_sort3A_334, %rev3A_350 : vector<16xf32>
        %select_n3A_357 = arith.select %ge3A_356, %masked_sort3A_334, %rev3A_350 : vector<16xi1>, vector<16xf32>
        %select_n3A_358 = arith.select %ge3A_356, %masked_sort3A_335, %rev3A_355 : vector<16xi1>, vector<16xi32>
        %masked_sort3A_359 = arith.constant dense<true> : vector<16xi1>
        %masked_sort3A_360, %masked_sort3A_361, %masked_sort3A_362 = tpu.sort %select_n3A_357, %select_n3A_358 masked %masked_sort3A_359 {descending = true} : (vector<16xf32>, vector<16xi32>, vector<16xi1>) -> (vector<16xi1>, vector<16xf32>, vector<16xi32>)
        %add3A_363 = arith.constant 89600 : i32
        %add3A_364 = arith.addi %add3A_363, %mul3A_162 : i32
        %add3A_365 = arith.constant 96 : i32
        %add3A_366 = arith.addi %add3A_364, %add3A_365 : i32
        %broadcast_in_dim3A_367 = vector.broadcast %add3A_366 : i32 to vector<16xi32>
        %add3A_368 = arith.addi %broadcast_in_dim3A_367, %iota3A : vector<16xi32>
        %masked_sort3A_369 = arith.constant dense<true> : vector<16xi1>
        %masked_sort3A_370, %masked_sort3A_371, %masked_sort3A_372 = tpu.sort %get3A_189, %add3A_368 masked %masked_sort3A_369 {descending = true} : (vector<16xf32>, vector<16xi32>, vector<16xi1>) -> (vector<16xi1>, vector<16xf32>, vector<16xi32>)
        %rev3A_373 = arith.constant 15 : i32
        %rev3A_374 = vector.broadcast %rev3A_373 : i32 to vector<16xi32>
        %rev3A_375 = tpu.iota {dimensions = array<i32: 0>} : vector<16xi32>
        %rev3A_376 = arith.subi %rev3A_374, %rev3A_375 : vector<16xi32>
        %rev3A_377 = tpu.dynamic_gather %masked_sort3A_371[%rev3A_376] in [0] : vector<16xf32>, vector<16xi32> -> vector<16xf32>
        %rev3A_378 = arith.constant 15 : i32
        %rev3A_379 = vector.broadcast %rev3A_378 : i32 to vector<16xi32>
        %rev3A_380 = tpu.iota {dimensions = array<i32: 0>} : vector<16xi32>
        %rev3A_381 = arith.subi %rev3A_379, %rev3A_380 : vector<16xi32>
        %rev3A_382 = tpu.dynamic_gather %masked_sort3A_372[%rev3A_381] in [0] : vector<16xi32>, vector<16xi32> -> vector<16xi32>
        %ge3A_383 = arith.cmpf oge, %masked_sort3A_361, %rev3A_377 : vector<16xf32>
        %select_n3A_384 = arith.select %ge3A_383, %masked_sort3A_361, %rev3A_377 : vector<16xi1>, vector<16xf32>
        %select_n3A_385 = arith.select %ge3A_383, %masked_sort3A_362, %rev3A_382 : vector<16xi1>, vector<16xi32>
        %masked_sort3A_386 = arith.constant dense<true> : vector<16xi1>
        %masked_sort3A_387, %masked_sort3A_388, %masked_sort3A_389 = tpu.sort %select_n3A_384, %select_n3A_385 masked %masked_sort3A_386 {descending = true} : (vector<16xf32>, vector<16xi32>, vector<16xi1>) -> (vector<16xi1>, vector<16xf32>, vector<16xi32>)
        %add3A_390 = arith.constant 89600 : i32
        %add3A_391 = arith.addi %add3A_390, %mul3A_162 : i32
        %add3A_392 = arith.constant 112 : i32
        %add3A_393 = arith.addi %add3A_391, %add3A_392 : i32
        %broadcast_in_dim3A_394 = vector.broadcast %add3A_393 : i32 to vector<16xi32>
        %add3A_395 = arith.addi %broadcast_in_dim3A_394, %iota3A : vector<16xi32>
        %masked_sort3A_396 = arith.constant dense<true> : vector<16xi1>
        %masked_sort3A_397, %masked_sort3A_398, %masked_sort3A_399 = tpu.sort %get3A_193, %add3A_395 masked %masked_sort3A_396 {descending = true} : (vector<16xf32>, vector<16xi32>, vector<16xi1>) -> (vector<16xi1>, vector<16xf32>, vector<16xi32>)
        %rev3A_400 = arith.constant 15 : i32
        %rev3A_401 = vector.broadcast %rev3A_400 : i32 to vector<16xi32>
        %rev3A_402 = tpu.iota {dimensions = array<i32: 0>} : vector<16xi32>
        %rev3A_403 = arith.subi %rev3A_401, %rev3A_402 : vector<16xi32>
        %rev3A_404 = tpu.dynamic_gather %masked_sort3A_398[%rev3A_403] in [0] : vector<16xf32>, vector<16xi32> -> vector<16xf32>
        %rev3A_405 = arith.constant 15 : i32
        %rev3A_406 = vector.broadcast %rev3A_405 : i32 to vector<16xi32>
        %rev3A_407 = tpu.iota {dimensions = array<i32: 0>} : vector<16xi32>
        %rev3A_408 = arith.subi %rev3A_406, %rev3A_407 : vector<16xi32>
        %rev3A_409 = tpu.dynamic_gather %masked_sort3A_399[%rev3A_408] in [0] : vector<16xi32>, vector<16xi32> -> vector<16xi32>
        %ge3A_410 = arith.cmpf oge, %masked_sort3A_388, %rev3A_404 : vector<16xf32>
        %select_n3A_411 = arith.select %ge3A_410, %masked_sort3A_388, %rev3A_404 : vector<16xi1>, vector<16xf32>
        %select_n3A_412 = arith.select %ge3A_410, %masked_sort3A_389, %rev3A_409 : vector<16xi1>, vector<16xi32>
        %masked_sort3A_413 = arith.constant dense<true> : vector<16xi1>
        %masked_sort3A_414, %masked_sort3A_415, %masked_sort3A_416 = tpu.sort %select_n3A_411, %select_n3A_412 masked %masked_sort3A_413 {descending = true} : (vector<16xf32>, vector<16xi32>, vector<16xi1>) -> (vector<16xi1>, vector<16xf32>, vector<16xi32>)
        %eq3A = arith.constant 7 : i32
        %eq3A_417 = vector.broadcast %eq3A : i32 to vector<16xi32>
        %eq3A_418 = arith.cmpi eq, %iota3A, %eq3A_417 : vector<16xi32>
        %broadcast_in_dim3A_419 = vector.broadcast %scan3A_147 : f32 to vector<16xf32>
        %select_n3A_420 = arith.select %eq3A_418, %masked_sort3A_415, %broadcast_in_dim3A_419 : vector<16xi1>, vector<16xf32>
        %reduce_max3A_421 = arith.constant true
        %reduce_max3A_422 = vector.broadcast %reduce_max3A_421 : i1 to vector<16xi1>
        %reduce_max3A_423 = tpu.scan <max>, %select_n3A_420 masked %reduce_max3A_422 : vector<16xf32>, vector<16xi1> -> vector<16xf32>
        %reduce_max3A_424 = vector.extract %reduce_max3A_423[15] : f32 from vector<16xf32>
        scf.yield %masked_sort3A_415, %masked_sort3A_416, %reduce_max3A_424 : vector<16xf32>, vector<16xi32>, f32
      } else {
        scf.yield %scan3A_158, %scan3A_159, %scan3A_160 : vector<16xf32>, vector<16xi32>, f32
      }
      scf.yield %cond3A_204#0, %cond3A_204#1, %cond3A_204#2 : vector<16xf32>, vector<16xi32>, f32
    }
    %scan3A_153 = arith.constant 100 : i32
    %swap3A = arith.constant 0 : index
    %swap3A_154 = tpu.vector_load %arg7[%swap3A] {strides = array<i32>} : memref<16xf32, #tpu.memory_space<vmem>>, vector<16xf32>,
    tpu.vector_store %arg7[%swap3A], %scan3A_152#0 {strides = array<i32>} : memref<16xf32, #tpu.memory_space<vmem>>, vector<16xf32>,
    %swap3A_155 = arith.constant 0 : index
    %swap3A_156 = tpu.vector_load %arg8[%swap3A_155] {strides = array<i32>} : memref<16xi32, #tpu.memory_space<vmem>>, vector<16xi32>,
    tpu.vector_store %arg8[%swap3A_155], %scan3A_152#1 {strides = array<i32>} : memref<16xi32, #tpu.memory_space<vmem>>, vector<16xi32>,
    "tpu.region"() ({
      %run_scoped3A = tpu.sem_alloc : memref<!tpu.dma_semaphore, #tpu.memory_space<semaphore_mem>>
      %dma_start3A_157 = arith.constant 0 : i32
      %dma_start3A_158 = tpu.memref_slice %arg3[%add3A, %dma_start3A_157] : memref<32x16xf32, #tpu.memory_space<hbm>> -> memref<1x16xf32, #tpu.memory_space<hbm>>
      %dma_start3A_159 = tpu.memref_squeeze %dma_start3A_158 : memref<1x16xf32, #tpu.memory_space<hbm>> -> memref<16xf32, #tpu.memory_space<hbm>>
      %dma_start3A_160 = arith.constant 0 : i32
      %dma_start3A_161 = tpu.memref_slice %arg3[%add3A, %dma_start3A_160] : memref<32x16xf32, #tpu.memory_space<hbm>> -> memref<1x16xf32, #tpu.memory_space<hbm>>
      %dma_start3A_162 = tpu.memref_squeeze %dma_start3A_161 : memref<1x16xf32, #tpu.memory_space<hbm>> -> memref<16xf32, #tpu.memory_space<hbm>>
      tpu.enqueue_dma source(%arg7 : memref<16xf32, #tpu.memory_space<vmem>>) target(%dma_start3A_162 : memref<16xf32, #tpu.memory_space<hbm>>) target_semaphore(%run_scoped3A : memref<!tpu.dma_semaphore, #tpu.memory_space<semaphore_mem>>)
      %dma_wait3A_163 = arith.constant 0 : i32
      %dma_wait3A_164 = tpu.memref_slice %arg3[%add3A, %dma_wait3A_163] : memref<32x16xf32, #tpu.memory_space<hbm>> -> memref<1x16xf32, #tpu.memory_space<hbm>>
      %dma_wait3A_165 = tpu.memref_squeeze %dma_wait3A_164 : memref<1x16xf32, #tpu.memory_space<hbm>> -> memref<16xf32, #tpu.memory_space<hbm>>
      %dma_wait3A_166 = arith.constant 0 : i32
      %dma_wait3A_167 = tpu.memref_slice %arg3[%add3A, %dma_wait3A_166] : memref<32x16xf32, #tpu.memory_space<hbm>> -> memref<1x16xf32, #tpu.memory_space<hbm>>
      %dma_wait3A_168 = tpu.memref_squeeze %dma_wait3A_167 : memref<1x16xf32, #tpu.memory_space<hbm>> -> memref<16xf32, #tpu.memory_space<hbm>>
      tpu.wait_dma2 semaphore(%run_scoped3A : memref<!tpu.dma_semaphore, #tpu.memory_space<semaphore_mem>>) src(%arg7 : memref<16xf32, #tpu.memory_space<vmem>>) dst(%dma_wait3A_168 : memref<16xf32, #tpu.memory_space<hbm>>)
      tpu.yield
    }) : () -> ()
    "tpu.region"() ({
      %run_scoped3A = tpu.sem_alloc : memref<!tpu.dma_semaphore, #tpu.memory_space<semaphore_mem>>
      %dma_start3A_157 = arith.constant 0 : i32
      %dma_start3A_158 = tpu.memref_slice %arg4[%add3A, %dma_start3A_157] : memref<32x16xi32, #tpu.memory_space<hbm>> -> memref<1x16xi32, #tpu.memory_space<hbm>>
      %dma_start3A_159 = tpu.memref_squeeze %dma_start3A_158 : memref<1x16xi32, #tpu.memory_space<hbm>> -> memref<16xi32, #tpu.memory_space<hbm>>
      %dma_start3A_160 = arith.constant 0 : i32
      %dma_start3A_161 = tpu.memref_slice %arg4[%add3A, %dma_start3A_160] : memref<32x16xi32, #tpu.memory_space<hbm>> -> memref<1x16xi32, #tpu.memory_space<hbm>>
      %dma_start3A_162 = tpu.memref_squeeze %dma_start3A_161 : memref<1x16xi32, #tpu.memory_space<hbm>> -> memref<16xi32, #tpu.memory_space<hbm>>
      tpu.enqueue_dma source(%arg8 : memref<16xi32, #tpu.memory_space<vmem>>) target(%dma_start3A_162 : memref<16xi32, #tpu.memory_space<hbm>>) target_semaphore(%run_scoped3A : memref<!tpu.dma_semaphore, #tpu.memory_space<semaphore_mem>>)
      %dma_wait3A_163 = arith.constant 0 : i32
      %dma_wait3A_164 = tpu.memref_slice %arg4[%add3A, %dma_wait3A_163] : memref<32x16xi32, #tpu.memory_space<hbm>> -> memref<1x16xi32, #tpu.memory_space<hbm>>
      %dma_wait3A_165 = tpu.memref_squeeze %dma_wait3A_164 : memref<1x16xi32, #tpu.memory_space<hbm>> -> memref<16xi32, #tpu.memory_space<hbm>>
      %dma_wait3A_166 = arith.constant 0 : i32
      %dma_wait3A_167 = tpu.memref_slice %arg4[%add3A, %dma_wait3A_166] : memref<32x16xi32, #tpu.memory_space<hbm>> -> memref<1x16xi32, #tpu.memory_space<hbm>>
      %dma_wait3A_168 = tpu.memref_squeeze %dma_wait3A_167 : memref<1x16xi32, #tpu.memory_space<hbm>> -> memref<16xi32, #tpu.memory_space<hbm>>
      tpu.wait_dma2 semaphore(%run_scoped3A : memref<!tpu.dma_semaphore, #tpu.memory_space<semaphore_mem>>) src(%arg8 : memref<16xi32, #tpu.memory_space<vmem>>) dst(%dma_wait3A_168 : memref<16xi32, #tpu.memory_space<hbm>>)
      tpu.yield
    }) : () -> ()
    return
  }
}

module attributes {stable_mosaic.version = 14 : i64} {
  func.func @_score_kernel(%arg0: i32, %arg1: memref<32x384xbf16, #tpu.memory_space<vmem>>, %arg2: memref<4096x384xf32, #tpu.memory_space<vmem>>, %arg3: memref<32x4096xf32, #tpu.memory_space<vmem>>) attributes {dimension_semantics = [#tpu.dimension_semantics<arbitrary>], iteration_bounds = array<i64: 25>, scalar_prefetch = 0 : i64, scratch_operands = 0 : i64, tpu.core_type = #tpu.core_type<tc>, window_params = [{pipeline_mode = #tpu.pipeline_mode<synchronous>, transform_indices = @transform_0, window_bounds = array<i64: 32, 384>}, {transform_indices = @transform_1, window_bounds = array<i64: 4096, 384>}, {transform_indices = @transform_2, window_bounds = array<i64: 32, 4096>}]} {
    %get3A = arith.constant 0 : index
    %get3A_0 = arith.constant 0 : index
    %get3A_1 = vector.load %arg2[%get3A, %get3A_0] : memref<4096x384xf32, #tpu.memory_space<vmem>>, vector<4096x384xf32>
    %mul3A = arith.mulf %get3A_1, %get3A_1 : vector<4096x384xf32>
    %reduce_sum3A = arith.constant dense<0.000000e+00> : vector<4096xf32>
    %reduce_sum3A_2 = vector.multi_reduction <add>, %mul3A, %reduce_sum3A [1] : vector<4096x384xf32> to vector<4096xf32>
    %broadcast_in_dim3A = vector.shape_cast %reduce_sum3A_2 : vector<4096xf32> to vector<4096x1xf32>
    %sqrt3A = math.sqrt %broadcast_in_dim3A : vector<4096x1xf32>
    %max3A = arith.constant 9.99999996E-13 : f32
    %max3A_3 = vector.broadcast %max3A : f32 to vector<4096x1xf32>
    %max3A_4 = arith.maximumf %sqrt3A, %max3A_3 : vector<4096x1xf32>
    %div3A = arith.constant 1.000000e+00 : f32
    %div3A_5 = vector.broadcast %div3A : f32 to vector<4096x1xf32>
    %div3A_6 = arith.divf %div3A_5, %max3A_4 : vector<4096x1xf32>
    %mul3A_7 = vector.broadcast %div3A_6 : vector<4096x1xf32> to vector<4096x384xf32>
    %mul3A_8 = arith.mulf %get3A_1, %mul3A_7 : vector<4096x384xf32>
    %get3A_9 = arith.constant 0 : index
    %get3A_10 = arith.constant 0 : index
    %get3A_11 = vector.load %arg1[%get3A_9, %get3A_10] : memref<32x384xbf16, #tpu.memory_space<vmem>>, vector<32x384xbf16>
    %convert_element_type3A = arith.truncf %mul3A_8 : vector<4096x384xf32> to vector<4096x384xbf16>
    %dot_general3A = arith.constant dense<0.000000e+00> : vector<32x4096xf32>
    %dot_general3A_12 = tpu.matmul %get3A_11, %convert_element_type3A, %dot_general3A {dimension_numbers = #tpu.dot_dimension_numbers<[1], [1], [0], [0], [0, 0, 1, 0], [], []>, transpose_lhs_hint = false} : vector<32x384xbf16>, vector<4096x384xbf16>, vector<32x4096xf32> -> vector<32x4096xf32>
    %lt3A = arith.constant 24 : i32
    %lt3A_13 = arith.cmpi slt, %arg0, %lt3A : i32
    %convert_element_type3A_14 = arith.extui %lt3A_13 : i1 to i32
    %cond3A = arith.constant 0 : i32
    %cond3A_15 = arith.cmpi ne, %convert_element_type3A_14, %cond3A : i32
    scf.if %cond3A_15 {
      %swap3A = arith.constant 0 : index
      %swap3A_20 = arith.constant 0 : index
      %swap3A_21 = vector.load %arg3[%swap3A, %swap3A_20] : memref<32x4096xf32, #tpu.memory_space<vmem>>, vector<32x4096xf32>
      tpu.vector_store %arg3[%swap3A, %swap3A_20], %dot_general3A_12 {strides = array<i32>} : memref<32x4096xf32, #tpu.memory_space<vmem>>, vector<32x4096xf32>,
    } else {
    }
    %eq3A = arith.constant 24 : i32
    %eq3A_16 = arith.cmpi eq, %arg0, %eq3A : i32
    %convert_element_type3A_17 = arith.extui %eq3A_16 : i1 to i32
    %cond3A_18 = arith.constant 0 : i32
    %cond3A_19 = arith.cmpi ne, %convert_element_type3A_17, %cond3A_18 : i32
    scf.if %cond3A_19 {
      %iota3A = tpu.iota {dimensions = array<i32: 1>} : vector<32x4096xi32>
      %mul3A_20 = arith.constant 4096 : i32
      %mul3A_21 = arith.muli %arg0, %mul3A_20 : i32
      %add3A = vector.broadcast %mul3A_21 : i32 to vector<32x4096xi32>
      %add3A_22 = arith.addi %iota3A, %add3A : vector<32x4096xi32>
      %lt3A_23 = arith.constant 100000 : i32
      %lt3A_24 = vector.broadcast %lt3A_23 : i32 to vector<32x4096xi32>
      %lt3A_25 = arith.cmpi slt, %add3A_22, %lt3A_24 : vector<32x4096xi32>
      %jit3A = arith.constant 0xFF800000 : f32
      %broadcast_in_dim3A_26 = vector.broadcast %jit3A : f32 to vector<32x4096xf32>
      %select_n3A = arith.select %lt3A_25, %dot_general3A_12, %broadcast_in_dim3A_26 : vector<32x4096xi1>, vector<32x4096xf32>
      %swap3A = arith.constant 0 : index
      %swap3A_27 = arith.constant 0 : index
      %swap3A_28 = vector.load %arg3[%swap3A, %swap3A_27] : memref<32x4096xf32, #tpu.memory_space<vmem>>, vector<32x4096xf32>
      tpu.vector_store %arg3[%swap3A, %swap3A_27], %select_n3A {strides = array<i32>} : memref<32x4096xf32, #tpu.memory_space<vmem>>, vector<32x4096xf32>,
    } else {
    }
    return
  }
  func.func @transform_0(%arg0: i32) -> (i32, i32) {
    %c0_i32 = arith.constant 0 : i32
    %c0_i32_0 = arith.constant 0 : i32
    %c0_i32_1 = arith.constant 0 : i32
    return %c0_i32, %c0_i32_0 : i32, i32
  }
  func.func @transform_1(%arg0: i32) -> (i32, i32) {
    %c0_i32 = arith.constant 0 : i32
    %c0_i32_0 = arith.constant 0 : i32
    return %arg0, %c0_i32 : i32, i32
  }
  func.func @transform_2(%arg0: i32) -> (i32, i32) {
    %c0_i32 = arith.constant 0 : i32
    %c0_i32_0 = arith.constant 0 : i32
    return %c0_i32, %arg0 : i32, i32
  }
}

</mosaic_0001>

<sc_bundles>
// kernel: kernel.4.cloned.1.call-start
scs
__scs_entry_jumppad:
0x0: {  	(pc) =	sbr.rel $0x88, $3  }
0x1: {  	(tag) =	ssettag $0x0;
	lr =	simm.s32 $0x1  }
0x2: {  	[smem:$0x3F9F] =	sst lr;
	_ =	strace $0xD0000000  }
0x3: {  	_ = 	snop  }
0x4: {  	_ = 	snop  }
0x5: {  	_ = 	snop  }
0x6: {  	_ = 	snop  }
0x7: {  	_ = 	snop  }
__scs_overlays_trampoline_lowered:
0x8: {  	[smem:$0x3FAE] =	sst s0  }
0x9: {  	[smem:$0x3FAF] =	sst s1  }
0xa: {  	[smem:$0x3FB0] =	sst s2  }
0xb: {  	[smem:$0x3FB1] =	sst s3  }
0xc: {  	[smem:$0x3FB2] =	sst s4  }
0xd: {  	[smem:$0x3FB3] =	sst s5  }
0xe: {  	[smem:$0x3FB4] =	sst s6  }
0xf: {  	[smem:$0x3FB5] =	sst s7  }
0x10: {  	[smem:$0x3FB6] =	sst s8  }
0x11: {  	[smem:$0x3FB7] =	sst s9;
	s0 =	simm.s32 @!p0 $0x0  }
0x12: {  	s1 =	sld [smem:$0x3F9D];
	s0 =	simm.s32 @p0 $0x1  }
0x13: {  	[smem:$0x3FB8] =	sst s0;
	s0 =	simm.s32 @!p1 $0x0  }
0x14: {  	s2 =	sld [smem:$0x3F9C];
	s0 =	simm.s32 @p1 $0x1  }
0x15: {  	[smem:$0x3FB9] =	sst s0;
	s0 =	simm.s32 @!p2 $0x0  }
0x16: {  	s3 =	sld [smem:$0x3FDB];
	s0 =	simm.s32 @p2 $0x1  }
0x17: {  	s4 =	simm.s32 $0x1BF5;
	[smem:$0x3FBB] =	sst s0  }
0x18: {  	s0 =	sld [smem:$0x3F9E];
	_ =	swait.ge [sflag:s4], $0x0  }
0x19: {  	s7 =	sld [smem:$0x3F9F]  }
0x1a: {  	s8 =	sadd.s32 $0xFFFFE003, lr  }
0x1b: {  	s9 =	sadd.s32 $0xFFFFFEF7, lr;
	s5 =	simm.s32 $0xFFFFFFFF;
	p2 =	slt.u32 s8, $0xFFFFF086  }
0x1c: {  	p1 =	slt.u32 s9, $0xF7A;
	s5 =	simm.s32 @!p2 $0x0  }
0x1d: {  	s5 =	simm.s32 @p1 $0x1;
	p0 =	seq.s32 s7, s2  }
0x1e: {  	s7 =	smul.u32 @!p0 $0xF7A, s2;
	p2 =	seq.s32 @!p0 s5, $0x0  }
0x1f: {  	s9 =	smul.u32 $0xF7A, s1;
	s8 =	simm.s32 @!p0 $0x1BF5;
	p2 =	por !p2, p0  }
0x20: {  	[sflag:s8] =	ssyncset.s32 @!p0 $0xFFFFF086;
	s6 =	sadd.s32 @!p0 s3, s7;
	s7 =	simm.s32 @!p0 $0x108  }
0x21: {  	s3 =	sadd.s32 s3, s9;
	s6 =	sadd.s32 @!p0 $0x88, s6;
	s7 =	simm.s32 @p2 $0x1082  }
0x22: {  	[simem:s7], [sflag:s8] =	dma.local @!p0 [hbm:s6], $0xF7A  }
0x23: {  	s9 =	sor.u32 $0xD0000000, s2;
	s6 =	simm.s32 $0x108;
	_ =	swait.ge @!p0 [sflag:s8], $0x0  }
0x24: {  	s3 =	sadd.s32 $0x88, s3;
	s6 =	simm.s32 @!p1 $0x1082;
	[sflag:s4] =	ssyncset.s32 $0xFFFFF086  }
0x25: {  	[simem:s6], [sflag:s4] =	dma.local [hbm:s3], $0xF7A  }
0x26: {  	[smem:$0x3F9F] =	sst s1;
	(tag) =	ssettag s2;
	_ =	strace s9  }
0x27: {  	s1 =	sld [smem:$0x3FAF]  }
0x28: {  	s2 =	sld [smem:$0x3FB0]  }
0x29: {  	s4 =	sld [smem:$0x3FB2]  }
0x2a: {  	p0 =	seq.s32 s5, $0x0;
	s5 =	sld [smem:$0x3FB3]  }
0x2b: {  	s6 =	sld [smem:$0x3FB4]  }
0x2c: {  	s7 =	sld [smem:$0x3FB5]  }
0x2d: {  	s3 =	simm.s32 $0x108;
	s8 =	sld [smem:$0x3FB6]  }
0x2e: {  	s3 =	simm.s32 @!p0 $0x1082;
	s9 =	sld [smem:$0x3FB7]  }
0x2f: {  	lr =	sadd.s32 s0, s3;
	s0 =	sld [smem:$0x3FAE]  }
0x30: {  	s3 =	sld [smem:$0x3FB1]  }
0x31: {  	[smem:$0x3FBA] =	sst s10  }
0x32: {  	s10 =	sld [smem:$0x3FB8];
	_ =	sdelay $0x3  }
0x33: {  	p0 =	seq.s32 s10, $0x1;
	s10 =	sld [smem:$0x3FBA];
	_ =	sdelay $0x3  }
0x34: {  	[smem:$0x3FBA] =	sst s10  }
0x35: {  	s10 =	sld [smem:$0x3FB9];
	_ =	sdelay $0x3  }
0x36: {  	p1 =	seq.s32 s10, $0x1;
	s10 =	sld [smem:$0x3FBA];
	_ =	sdelay $0x3  }
0x37: {  	[smem:$0x3FBA] =	sst s10  }
0x38: {  	s10 =	sld [smem:$0x3FBB]  }
0x39: {  	_ = 	snop;
	(pc) =	sbr.ind lr, $3  }
0x3a: {  	_ = 	snop  }
0x3b: {  	_ = 	snop  }
0x3c: {  	p2 =	seq.s32 s10, $0x1;
	s10 =	sld [smem:$0x3FBA]  }
0x3d: {  	_ =	shalt  }
0x3e: {  	_ =	shalt  }
0x3f: {  	_ =	shalt  }
0x40: {  	_ =	shalt  }
0x41: {  	_ =	shalt  }
0x42: {  	_ =	shalt  }
0x43: {  	_ =	shalt  }
0x44: {  	_ =	shalt  }
0x45: {  	_ =	shalt  }
0x46: {  	_ =	shalt  }
0x47: {  	_ =	shalt  }
0x48: {  	_ =	shalt  }
0x49: {  	_ =	shalt  }
0x4a: {  	_ =	shalt  }
0x4b: {  	_ =	shalt  }
0x4c: {  	_ =	shalt  }
0x4d: {  	_ =	shalt  }
0x4e: {  	_ =	shalt  }
0x4f: {  	_ =	shalt  }
0x50: {  	_ =	shalt  }
0x51: {  	_ =	shalt  }
0x52: {  	_ =	shalt  }
0x53: {  	_ =	shalt  }
0x54: {  	_ =	shalt  }
0x55: {  	_ =	shalt  }
0x56: {  	_ =	shalt  }
0x57: {  	_ =	shalt  }
0x58: {  	_ =	shalt  }
0x59: {  	_ =	shalt  }
0x5a: {  	_ =	shalt  }
0x5b: {  	_ =	shalt  }
0x5c: {  	_ =	shalt  }
0x5d: {  	_ =	shalt  }
0x5e: {  	_ =	shalt  }
0x5f: {  	_ =	shalt  }
0x60: {  	_ =	shalt  }
0x61: {  	_ =	shalt  }
0x62: {  	_ =	shalt  }
0x63: {  	_ =	shalt  }
0x64: {  	_ =	shalt  }
0x65: {  	_ =	shalt  }
0x66: {  	_ =	shalt  }
0x67: {  	_ =	shalt  }
0x68: {  	_ =	shalt  }
0x69: {  	_ =	shalt  }
0x6a: {  	_ =	shalt  }
0x6b: {  	_ =	shalt  }
0x6c: {  	_ =	shalt  }
0x6d: {  	_ =	shalt  }
0x6e: {  	_ =	shalt  }
0x6f: {  	_ =	shalt  }
0x70: {  	_ =	shalt  }
0x71: {  	_ =	shalt  }
0x72: {  	_ =	shalt  }
0x73: {  	_ =	shalt  }
0x74: {  	_ =	shalt  }
0x75: {  	_ =	shalt  }
0x76: {  	_ =	shalt  }
0x77: {  	_ =	shalt  }
0x78: {  	_ =	shalt  }
0x79: {  	_ =	shalt  }
0x7a: {  	_ =	shalt  }
0x7b: {  	_ =	shalt  }
0x7c: {  	_ =	shalt  }
0x7d: {  	_ =	shalt  }
0x7e: {  	_ =	shalt  }
0x7f: {  	_ =	shalt  }
0x80: {  	_ =	shalt  }
0x81: {  	_ =	shalt  }
0x82: {  	_ =	shalt  }
0x83: {  	_ =	shalt  }
0x84: {  	_ =	shalt  }
0x85: {  	_ =	shalt  }
0x86: {  	_ =	shalt  }
0x87: {  	_ =	shalt  }
.Lfunc_end0:
.L_simem_size_0:
called_computation_lowered:
.L_overlay_start_0:
0x88: {  	s2 =	sld [smem:$0x3FD9]  }
0x89: {  	s3 =	sld [smem:$0x3FFE];
	_ =	sdelay $0x1  }
0x8a: {  	s1 =	srdreg.scid  }
0x8b: {  	s0 =	sand.u32 $0x1, s1  }
0x8c: {  	s16 =	sshll.u32 s0, $0xA;
	s2 =	sadd.s32 s3, s2  }
0x8d: {  	s2 =	sadd.s32 s2, s16  }
0x8e: {  	[smem:$0x3FC6] =	sst s2  }
0x8f: {  	_ = 	snop  }
0x90: {  	(tm) =	ssettm $0x1  }
0x91: {  	s17 =	sld [smem:$0x3FFB];
	_ =	sdelay $0x3  }
0x92: {  	_ =	strace s17  }
0x93: {  	s2 =	sld [smem:$0x3FFC];
	_ =	sdelay $0x3  }
0x94: {  	_ =	strace s2  }
0x95: {  	s2 =	sld [smem:$0x3FFD];
	_ =	sdelay $0x3  }
0x96: {  	_ =	strace s2  }
0x97: {  	_ =	strace $0x8FFFFFFF  }
0x98: {  	s18 =	sld [smem:$0x3FDB];
	_ =	sdelay $0x1  }
0x99: {  	s19 =	simm.s32 $_scs_section_size  }
0x9a: {  	s4 =	simm.s32 $_size__tile_overlayer_lowered;
	s5 =	simm.s32 $_tile_overlayer_lowered  }
0x9b: {  	s22 =	simm.s32 $0x1BFF;
	s21 =	sshll.u32 s5, $0x1;
	s2 =	sadd.s32 s19, s18  }
0x9c: {  	s6 =	simm.s32 $0x0;
	s20 =	sshll.u32 s4, $0x1;
	s4 =	sadd.s32 s21, s2  }
0x9d: {  	[timem:s6], [sflag:s22] =	dma.local [hbm:s4], s20  }
0x9e: {  	_ =	swait.ge [sflag:s22], s20  }
0x9f: {  	s3 =	ssub.s32 $0x0, s20;
	[sflag:s22] =	ssyncset.done $0x0  }
0xa0: {  	[sflag:s22] =	ssyncadd.s32 s3;
	_ =	sdelay $0x1  }
0xa1: {  	s23 =	simm.s32 $0x1B8B  }
0xa2: {  	_ =	swait.ge [sflag:s23], $0x1  }
0xa3: {  	[sflag:s23] =	ssyncset.done $0x0  }
0xa4: {  	s25 =	simm.s32 $0x1B8E;
	s24 =	sld [smem:$0x3FFE];
	[sflag:s23] =	ssyncadd.s32 $0xFFFFFFFF  }
0xa5: {  	s26 =	simm.s32 $execute0_lowered;
	[smem:$0x3FD2] =	sst s25  }
0xa6: {  	s4 =	sshll.u32 s26, $0x1;
	_ =	strace $0x80000046;
	[dreg:$0x1] =	wrdreg $0xFFFFFFFF  }
0xa7: {  	s28 =	simm.s32 $_size_execute0_lowered;
	s2 =	sadd.s32 s2, s4;
	[dreg:$0x0] =	wrdreg $0x0  }
0xa8: {  	s4 =	sshll.u32 s28, $0x1;
	[dreg:$0x2] =	wrdreg s2  }
0xa9: {  	[dreg:$0x3] =	wrdreg s4  }
0xaa: {  	[dreg:$0x4] =	wrdreg $0xC0  }
0xab: {  	_ =	task [dreg:s6], $0x5FFFF  }
0xac: {  	[dreg:$0x1] =	wrdreg $0xFFFFFFFF  }
0xad: {  	[dreg:$0x0] =	wrdreg $0x60  }
0xae: {  	[dreg:$0x2] =	wrdreg s24  }
0xaf: {  	[dreg:$0x3] =	wrdreg $0x9  }
0xb0: {  	_ =	task.clear_ibuf [dreg:s6], $0x4FFFF;
	_ =	strace $0x90000046  }
0xb1: {  	s29 =	simm.s32 $0x9;
	_ =	strace $0x80000048  }
0xb2: {  	_ =	swait.ge [sflag:s29], $0x1  }
0xb3: {  	[sflag:s29] =	ssyncadd.s32 $0xFFFFFFFF  }
0xb4: {  	_ =	strace $0x90000048  }
0xb5: {  	_ =	sfence  }
0xb6: {  	s30 =	sld [smem:$0x0];
	_ =	sdelay $0x2  }
0xb7: {  	s31 =	sshll.u32 s1, $0xD;
	s1 =	sshrl.u32 s1, $0x2  }
0xb8: {  	s3 =	sand.u32 $0x4000, s31;
	s1 =	sadd.s32 s1, s30  }
0xb9: {  	s0 =	sor.u32 s3, s0;
	s1 =	sshll.u32 s1, $0x11  }
0xba: {  	s0 =	sor.u32 s1, s0  }
0xbb: {  	s0 =	sadd.s32 $0x8F2B, s0  }
0xbc: {  	[sflag:s0] =	ssyncadd.remote.s32 $0x1  }
0xbd: {  	_ =	sfence.sel $0xFFFF  }
0xbe: {  	[dreg:$0x0] =	wrdreg $0xFFFFFFFF;
	(pc) =	sbr.abs _section_cstart, $3  }
0xbf: {  	[dreg:$0x1] =	wrdreg $0xFFFFFFFF  }
0xc0: {  	_ =	task.clear_ibuf [dreg:s6], $0x2FFFF;
	_ =	strace $0x9FFFFFFF  }
0xc1: {  	(tm) =	ssettm $0x7FFFFFFF  }
tec
execute0_lowered:
.L_overlay_start_1:
0x0: {  	(tag) =	ssettag $0x1  }
0x1: {  	s3 =	rddreg [dreg:$0x0]  }
0x2: {  	s0 =	rddreg [dreg:$0x1]  }
0x3: {  	s2 =	simm.s32 $0x0;
	s4 =	srdreg.scid;
	s1 =	stileid.u32  }
0x4: {  	s15 =	simm.s32 $0x400;
	s16 =	simm.s32 $0x3200;
	s17 =	simm.s32 $0x1  }
0x5: {  	s18 =	simm.s32 $0x2;
	s19 =	simm.s32 $0x6400;
	s20 =	simm.s32 $0x3  }
0x6: {  	s21 =	simm.s32 $0x6480;
	s22 =	simm.s32 $0x0;
	[smem:$0x7FF] =	sst s2  }
0x7: {  	s4 =	sand.u32 $0x1, s4;
	s5 =	sshll.u32 s1, $0x8;
	s6 =	sshrl.u32 s1, $0x2  }
0x8: {  	s10 =	sadd.s32 $0x600, s3;
	s7 =	sshll.u32 s4, $0x7;
	s5 =	sand.u32 $0x300, s5  }
0x9: {  	s24 =	sshll.u32 s6, $0xA;
	s6 =	smul.u32 $0xC8000, s6;
	s25 =	ssub.s32 $0x2, s4  }
0xa: {  	_ =	strace $0x80000047;
	s5 =	sor.u32 s7, s5;
	s28 =	sshrl.u32 s25, $0x1  }
0xb: {  	s7 =	sor.u32 s24, s5;
	s8 =	sor.u32 s6, s5;
	s13 =	ssub.s32 s25, s28  }
0xc: {  	s7 =	sshrl.u32 s7, $0x3;
	s26 =	sadd.s32 $0x19000, s8;
	s6 =	sshrl.u32 s8, $0x3  }
0xd: {  	s29 =	sadd.s32 $0x32000, s8;
	s30 =	sadd.s32 $0x4B000, s8;
	s31 =	sadd.s32 $0x64000, s8  }
0xe: {  	s9 =	sadd.s32 $0x7D000, s8;
	s11 =	sadd.s32 $0x96000, s8;
	s8 =	sadd.s32 $0xAF000, s8  }
0xf: {  	s13 =	smax.u32 s13, $0x1;
	s12 =	sadd.s32 s7, s3;
	s4 =	sshrl.u32 s26, $0x3  }
0x10: {  	s3 =	sadd.s32 s10, s6;
	s5 =	sshrl.u32 s29, $0x3;
	s6 =	sshrl.u32 s30, $0x3  }
.Ltmp0:
0x11: {  	s7 =	sshrl.u32 s31, $0x3;
	s9 =	sshrl.u32 s9, $0x3;
	(pc) =	sbr.rel .LBB2_1-.Ltmp0, $4  }
0x12: {  	v0 =	vlaneseq.u32;
	s11 =	sshrl.u32 s11, $0x3;
	s14 =	sshrl.u32 s8, $0x3;
	s4 =	sadd.s32 s10, s4  }
0x13: {  	v1 =	vmul.u32 $0xFFFFFFFF, v0;
	s5 =	sadd.s32 s10, s5;
	s6 =	sadd.s32 s10, s6;
	s7 =	sadd.s32 s10, s7  }
0x14: {  	s8 =	sadd.s32 s10, s9;
	s9 =	sadd.s32 s10, s11;
	s10 =	sadd.s32 s10, s14  }
0x15: {  	vm0 =	vcmask $0x1B20;
	v1 =	vadd.s32 $0xF, v1;
	s11 =	sadd.s32 $0x64600, s12;
	s12 =	sadd.s32 $0x64800, s12;
	s14 =	simm.s32 $0x80  }
.LBB2_33:
0x16: {  	[tilespmem:$0x6400] =	vst v3  }
0x17: {  	[tilespmem:$0x6480] =	vst v2  }
0x18: {  	[hbm4b:s11+s2] =	stream.linear.scatter [tilespmem:s19], [sflag:$0x3], $0x80, $0x38;
	[tilespmem:$0x6500] =	vst v63  }
0x19: {  	s22 =	sadd.s32 $0x1, s22;
	_ =	swait.ge [sflag:s20], $0x80  }
0x1a: {  	p0 =	sne.s32 s22, s13;
	[sflag:s20] =	ssyncset.done $0x0  }
.Ltmp1:
0x1b: {  	[sflag:s20] =	ssyncadd.s32 $0xFFFFFF80;
	(pc) =	sbr.rel @!p0 .LBB2_34-.Ltmp1, $4  }
0x1c: {  	[hbm4b:s12+s2] =	stream.linear.scatter [tilespmem:s21], [sflag:$0x3], $0x80, $0x38;
	[tilespmem:$0x6500] =	vst v63  }
0x1d: {  	_ =	swait.ge [sflag:s20], $0x80  }
0x1e: {  	[sflag:s20] =	ssyncset.done $0x0  }
0x1f: {  	[sflag:s20] =	ssyncadd.s32 $0xFFFFFF80  }
.LBB2_1:
0x20: {  	[tilespmem:s2], [sflag:$0x1] =	stream.strided.gather [hbm4b:s3+s14], $0x3200, s15, s14, $0x38;
	[tilespmem:$0x6500] =	vst v63  }
.Ltmp2:
0x21: {  	_ = 	snop;
	(pc) =	sbr.rel .LBB2_2-.Ltmp2, $4  }
0x22: {  	[tilespmem:s16], [sflag:$0x2] =	stream.strided.gather [hbm4b:s4+s14], $0x3200, s15, s14, $0x38;
	[tilespmem:$0x6500] =	vst v63  }
0x23: {  	_ =	swait.ge [sflag:s17], $0x3200  }
0x24: {  	s23 =	simm.f32 $-Inf;
	[sflag:s17] =	ssyncset.done $0x0  }
0x25: {  	v3 =	vimm.f32 $-Inf;
	v2 =	vimm.s32 $0x0;
	s24 =	simm.s32 $0x70;
	s25 =	simm.s32 $0x40;
	[sflag:s17] =	ssyncadd.s32 $0xFFFFCE00  }
.LBB2_4:
0x26: {  	s24 =	sadd.s32 $0x80, s24  }
0x27: {  	p0 =	sne.s32 s24, $0x3270  }
.Ltmp3:
0x28: {  	_ = 	snop;
	(pc) =	sbr.rel @!p0 .LBB2_5-.Ltmp3, $2  }
0x29: {  	_ =	sdelay $0x2  }
0x2a: {  	s25 =	sadd.s32 $0x80, s25  }
.LBB2_2:
0x2b: {  	v11 =	vld [tilespmem:s25+$0xFFFFFFC0]  }
0x2c: {  	v10 =	vld [tilespmem:s25+$0xFFFFFFD0]  }
0x2d: {  	v9 =	vld [tilespmem:s25+$0xFFFFFFE0]  }
0x2e: {  	v8 =	vld [tilespmem:s25+$0xFFFFFFF0]  }
0x2f: {  	v7 =	vld [tilespmem:s25+$0x0]  }
0x30: {  	v6 =	vld [tilespmem:s25+$0x10]  }
0x31: {  	v5 =	vld [tilespmem:s25+$0x20]  }
0x32: {  	v4 =	vld [tilespmem:s25+$0x30];
	_ =	sdelay $0x3  }
0x33: {  	v12 =	vmax.f32 v11, v10  }
0x34: {  	v13 =	vmax.f32 v9, v8;
	v14 =	vmax.f32 v7, v6;
	v15 =	vmax.f32 v5, v4  }
0x35: {  	v12 =	vmax.f32 v12, v13;
	v63 =	vmax.f32 v14, v15  }
0x36: {  	v12 =	vmax.f32 v12, v63  }
0x37: {  	(xrf0) =	vmax.scan.msk.f32 $0xffff, v12;
	_ =	sdelay $0x5  }
0x38: {  	v12, _, _ =	vpop (xrf0)  }
0x39: {  	(v2sf) =	vpush v12, $0xF;
	_ =	sdelay $0xe  }
0x3a: {  	s26 =	spop (v2sf)  }
0x3b: {  	p0 =	sgt.f32 s26, s23  }
.Ltmp4:
0x3c: {  	_ = 	snop;
	(pc) =	sbr.rel @!p0 .LBB2_4-.Ltmp4, $1  }
0x3d: {  	_ =	sdelay $0x3  }
0x3e: {  	s23 =	sadd.s32 $0xFFFFFF90, s24  }
0x3f: {  	v12 =	vor.u32 s23, v0  }
0x40: {  	(xrf1) =	vsort.dscd.msk.f32 $0xffff, v11, v12;
	_ =	sdelay $0xd  }
0x41: {  	v11, v12, _ =	vpop (xrf1)  }
0x42: {  	v11 =	vperm.xlane v11, v1  }
0x43: {  	v12 =	vperm.xlane v12, v1  }
0x44: {  	vm1 =	vge.f32 v3, v11  }
0x45: {  	s31 =	sadd.s32 $0xFFFFFFA0, s24;
	v3 =	vsel vm1, v3, v11;
	v2 =	vsel vm1, v2, v12  }
0x46: {  	(xrf1) =	vsort.dscd.msk.f32 $0xffff, v3, v2;
	v2 =	vor.u32 s31, v0  }
0x47: {  	(xrf1) =	vsort.dscd.msk.f32 $0xffff, v10, v2;
	_ =	sdelay $0xc  }
0x48: {  	v2, v3, _ =	vpop (xrf1)  }
0x49: {  	v10, v58, _ =	vpop (xrf1)  }
0x4a: {  	v10 =	vperm.xlane v10, v1  }
0x4b: {  	v11 =	vperm.xlane v58, v1  }
0x4c: {  	vm1 =	vge.f32 v2, v10  }
0x4d: {  	s26 =	sadd.s32 $0xFFFFFFB0, s24;
	v2 =	vsel vm1, v2, v10;
	v3 =	vsel vm1, v3, v11  }
0x4e: {  	(xrf1) =	vsort.dscd.msk.f32 $0xffff, v2, v3;
	v2 =	vor.u32 s26, v0  }
0x4f: {  	(xrf1) =	vsort.dscd.msk.f32 $0xffff, v9, v2;
	_ =	sdelay $0xc  }
0x50: {  	v2, v3, _ =	vpop (xrf1)  }
0x51: {  	v9, v59, _ =	vpop (xrf1)  }
0x52: {  	v9 =	vperm.xlane v9, v1  }
0x53: {  	v10 =	vperm.xlane v59, v1  }
0x54: {  	vm1 =	vge.f32 v2, v9  }
0x55: {  	s28 =	sadd.s32 $0xFFFFFFC0, s24;
	v2 =	vsel vm1, v2, v9;
	v3 =	vsel vm1, v3, v10  }
0x56: {  	(xrf1) =	vsort.dscd.msk.f32 $0xffff, v2, v3;
	v2 =	vor.u32 s28, v0  }
0x57: {  	(xrf1) =	vsort.dscd.msk.f32 $0xffff, v8, v2;
	_ =	sdelay $0xc  }
0x58: {  	v2, v3, _ =	vpop (xrf1)  }
0x59: {  	v8, v60, _ =	vpop (xrf1)  }
0x5a: {  	v8 =	vperm.xlane v8, v1  }
0x5b: {  	v9 =	vperm.xlane v60, v1  }
0x5c: {  	vm1 =	vge.f32 v2, v8  }
0x5d: {  	s29 =	sadd.s32 $0xFFFFFFD0, s24;
	v2 =	vsel vm1, v2, v8;
	v3 =	vsel vm1, v3, v9  }
0x5e: {  	(xrf1) =	vsort.dscd.msk.f32 $0xffff, v2, v3;
	v2 =	vor.u32 s29, v0  }
0x5f: {  	(xrf1) =	vsort.dscd.msk.f32 $0xffff, v7, v2;
	_ =	sdelay $0xc  }
0x60: {  	v2, v3, _ =	vpop (xrf1)  }
0x61: {  	v7, v61, _ =	vpop (xrf1)  }
0x62: {  	v7 =	vperm.xlane v7, v1  }
0x63: {  	v8 =	vperm.xlane v61, v1  }
0x64: {  	vm1 =	vge.f32 v2, v7  }
0x65: {  	s30 =	sadd.s32 $0xFFFFFFE0, s24;
	v2 =	vsel vm1, v2, v7;
	v3 =	vsel vm1, v3, v8  }
0x66: {  	(xrf1) =	vsort.dscd.msk.f32 $0xffff, v2, v3;
	v2 =	vor.u32 s30, v0  }
0x67: {  	(xrf1) =	vsort.dscd.msk.f32 $0xffff, v6, v2;
	_ =	sdelay $0xc  }
0x68: {  	v2, v3, _ =	vpop (xrf1)  }
0x69: {  	v6, v62, _ =	vpop (xrf1)  }
0x6a: {  	v6 =	vperm.xlane v6, v1  }
0x6b: {  	v7 =	vperm.xlane v62, v1  }
0x6c: {  	vm1 =	vge.f32 v2, v6  }
0x6d: {  	s31 =	sadd.s32 $0xFFFFFFF0, s24;
	v2 =	vsel vm1, v2, v6;
	v3 =	vsel vm1, v3, v7  }
0x6e: {  	(xrf1) =	vsort.dscd.msk.f32 $0xffff, v2, v3;
	v2 =	vor.u32 s31, v0  }
0x6f: {  	(xrf1) =	vsort.dscd.msk.f32 $0xffff, v5, v2;
	_ =	sdelay $0xc  }
0x70: {  	v2, v3, _ =	vpop (xrf1)  }
0x71: {  	v5, v63, _ =	vpop (xrf1)  }
0x72: {  	v5 =	vperm.xlane v5, v1  }
0x73: {  	v6 =	vperm.xlane v63, v1  }
0x74: {  	vm1 =	vge.f32 v2, v5  }
0x75: {  	v2 =	vsel vm1, v2, v5;
	v3 =	vsel vm1, v3, v6  }
0x76: {  	(xrf1) =	vsort.dscd.msk.f32 $0xffff, v2, v3;
	v2 =	vor.u32 s24, v0  }
0x77: {  	(xrf1) =	vsort.dscd.msk.f32 $0xffff, v4, v2;
	_ =	sdelay $0xc  }
0x78: {  	v2, v3, _ =	vpop (xrf1)  }
0x79: {  	v4, v5, _ =	vpop (xrf1)  }
0x7a: {  	v4 =	vperm.xlane v4, v1  }
0x7b: {  	v5 =	vperm.xlane v5, v1  }
0x7c: {  	vm1 =	vge.f32 v2, v4  }
0x7d: {  	v2 =	vsel vm1, v2, v4;
	v3 =	vsel vm1, v3, v5  }
0x7e: {  	(xrf1) =	vsort.dscd.msk.f32 $0xffff, v2, v3;
	_ =	sdelay $0xd  }
0x7f: {  	v3, v2, _ =	vpop (xrf1)  }
0x80: {  	v4 =	vsel vm0, $0xFF800000, v3  }
0x81: {  	(xrf0) =	vmax.scan.msk.f32 $0xffff, v4;
	_ =	sdelay $0x5  }
0x82: {  	v4, _, _ =	vpop (xrf0)  }
0x83: {  	(v2sf) =	vpush v4, $0xF;
	_ =	sdelay $0xa  }
.Ltmp5:
0x84: {  	_ = 	snop;
	(pc) =	sbr.rel .LBB2_4-.Ltmp5, $2  }
0x85: {  	_ =	sdelay $0x2  }
0x86: {  	s23 =	spop (v2sf)  }
.LBB2_5:
.Ltmp6:
0x87: {  	(pc) =	sbr.rel .LBB2_6-.Ltmp6, $4  }
0x88: {  	[tilespmem:s2], [sflag:$0x1] =	stream.strided.gather [hbm4b:s5+s14], $0x3200, s15, s14, $0x38;
	[tilespmem:$0x6500] =	vst v63  }
0x89: {  	_ =	swait.ge [sflag:s18], $0x3200  }
0x8a: {  	[sflag:s18] =	ssyncset.done $0x0  }
0x8b: {  	s24 =	simm.s32 $0x3200;
	s25 =	simm.s32 $0x3240;
	[sflag:s18] =	ssyncadd.s32 $0xFFFFCE00  }
.LBB2_8:
0x8c: {  	s24 =	sadd.s32 $0x80, s24  }
0x8d: {  	p0 =	sne.s32 s24, $0x6400  }
.Ltmp7:
0x8e: {  	_ = 	snop;
	(pc) =	sbr.rel @!p0 .LBB2_9-.Ltmp7, $2  }
0x8f: {  	_ =	sdelay $0x2  }
0x90: {  	s25 =	sadd.s32 $0x80, s25  }
.LBB2_6:
0x91: {  	v11 =	vld [tilespmem:s25+$0xFFFFFFC0]  }
0x92: {  	v10 =	vld [tilespmem:s25+$0xFFFFFFD0]  }
0x93: {  	v9 =	vld [tilespmem:s25+$0xFFFFFFE0]  }
0x94: {  	v8 =	vld [tilespmem:s25+$0xFFFFFFF0]  }
0x95: {  	v7 =	vld [tilespmem:s25+$0x0]  }
0x96: {  	v6 =	vld [tilespmem:s25+$0x10]  }
0x97: {  	v5 =	vld [tilespmem:s25+$0x20]  }
0x98: {  	v4 =	vld [tilespmem:s25+$0x30];
	_ =	sdelay $0x3  }
0x99: {  	v12 =	vmax.f32 v11, v10  }
0x9a: {  	v13 =	vmax.f32 v9, v8;
	v14 =	vmax.f32 v7, v6;
	v15 =	vmax.f32 v5, v4  }
0x9b: {  	v12 =	vmax.f32 v12, v13;
	v63 =	vmax.f32 v14, v15  }
0x9c: {  	v12 =	vmax.f32 v12, v63  }
0x9d: {  	(xrf0) =	vmax.scan.msk.f32 $0xffff, v12;
	_ =	sdelay $0x5  }
0x9e: {  	v12, _, _ =	vpop (xrf0)  }
0x9f: {  	(v2sf) =	vpush v12, $0xF;
	_ =	sdelay $0xe  }
0xa0: {  	s26 =	spop (v2sf)  }
0xa1: {  	p0 =	sgt.f32 s26, s23  }
.Ltmp8:
0xa2: {  	_ = 	snop;
	(pc) =	sbr.rel @!p0 .LBB2_8-.Ltmp8, $1  }
0xa3: {  	_ =	sdelay $0x3  }
0xa4: {  	v12 =	vor.u32 s24, v0  }
0xa5: {  	(xrf1) =	vsort.dscd.msk.f32 $0xffff, v11, v12;
	_ =	sdelay $0xd  }
0xa6: {  	v11, v12, _ =	vpop (xrf1)  }
0xa7: {  	v11 =	vperm.xlane v11, v1  }
0xa8: {  	v12 =	vperm.xlane v12, v1  }
0xa9: {  	vm1 =	vge.f32 v3, v11  }
0xaa: {  	s23 =	sadd.s32 $0x10, s24;
	v3 =	vsel vm1, v3, v11;
	v2 =	vsel vm1, v2, v12  }
0xab: {  	(xrf1) =	vsort.dscd.msk.f32 $0xffff, v3, v2;
	v2 =	vor.u32 s23, v0  }
0xac: {  	(xrf1) =	vsort.dscd.msk.f32 $0xffff, v10, v2;
	_ =	sdelay $0xc  }
0xad: {  	v2, v3, _ =	vpop (xrf1)  }
0xae: {  	v10, v58, _ =	vpop (xrf1)  }
0xaf: {  	v10 =	vperm.xlane v10, v1  }
0xb0: {  	v11 =	vperm.xlane v58, v1  }
0xb1: {  	vm1 =	vge.f32 v2, v10  }
0xb2: {  	s31 =	sadd.s32 $0x20, s24;
	v2 =	vsel vm1, v2, v10;
	v3 =	vsel vm1, v3, v11  }
0xb3: {  	(xrf1) =	vsort.dscd.msk.f32 $0xffff, v2, v3;
	v2 =	vor.u32 s31, v0  }
0xb4: {  	(xrf1) =	vsort.dscd.msk.f32 $0xffff, v9, v2;
	_ =	sdelay $0xc  }
0xb5: {  	v2, v3, _ =	vpop (xrf1)  }
0xb6: {  	v9, v59, _ =	vpop (xrf1)  }
0xb7: {  	v9 =	vperm.xlane v9, v1  }
0xb8: {  	v10 =	vperm.xlane v59, v1  }
0xb9: {  	vm1 =	vge.f32 v2, v9  }
0xba: {  	s26 =	sadd.s32 $0x30, s24;
	v2 =	vsel vm1, v2, v9;
	v3 =	vsel vm1, v3, v10  }
0xbb: {  	(xrf1) =	vsort.dscd.msk.f32 $0xffff, v2, v3;
	v2 =	vor.u32 s26, v0  }
0xbc: {  	(xrf1) =	vsort.dscd.msk.f32 $0xffff, v8, v2;
	_ =	sdelay $0xc  }
0xbd: {  	v2, v3, _ =	vpop (xrf1)  }
0xbe: {  	v8, v60, _ =	vpop (xrf1)  }
0xbf: {  	v8 =	vperm.xlane v8, v1  }
0xc0: {  	v9 =	vperm.xlane v60, v1  }
0xc1: {  	vm1 =	vge.f32 v2, v8  }
0xc2: {  	s28 =	sadd.s32 $0x40, s24;
	v2 =	vsel vm1, v2, v8;
	v3 =	vsel vm1, v3, v9  }
0xc3: {  	(xrf1) =	vsort.dscd.msk.f32 $0xffff, v2, v3;
	v2 =	vor.u32 s28, v0  }
0xc4: {  	(xrf1) =	vsort.dscd.msk.f32 $0xffff, v7, v2;
	_ =	sdelay $0xc  }
0xc5: {  	v2, v3, _ =	vpop (xrf1)  }
0xc6: {  	v7, v61, _ =	vpop (xrf1)  }
0xc7: {  	v7 =	vperm.xlane v7, v1  }
0xc8: {  	v8 =	vperm.xlane v61, v1  }
0xc9: {  	vm1 =	vge.f32 v2, v7  }
0xca: {  	s29 =	sadd.s32 $0x50, s24;
	v2 =	vsel vm1, v2, v7;
	v3 =	vsel vm1, v3, v8  }
0xcb: {  	(xrf1) =	vsort.dscd.msk.f32 $0xffff, v2, v3;
	v2 =	vor.u32 s29, v0  }
0xcc: {  	(xrf1) =	vsort.dscd.msk.f32 $0xffff, v6, v2;
	_ =	sdelay $0xc  }
0xcd: {  	v2, v3, _ =	vpop (xrf1)  }
0xce: {  	v6, v62, _ =	vpop (xrf1)  }
0xcf: {  	v6 =	vperm.xlane v6, v1  }
0xd0: {  	v7 =	vperm.xlane v62, v1  }
0xd1: {  	vm1 =	vge.f32 v2, v6  }
0xd2: {  	s30 =	sadd.s32 $0x60, s24;
	v2 =	vsel vm1, v2, v6;
	v3 =	vsel vm1, v3, v7  }
0xd3: {  	(xrf1) =	vsort.dscd.msk.f32 $0xffff, v2, v3;
	v2 =	vor.u32 s30, v0  }
0xd4: {  	(xrf1) =	vsort.dscd.msk.f32 $0xffff, v5, v2;
	_ =	sdelay $0xc  }
0xd5: {  	v2, v3, _ =	vpop (xrf1)  }
0xd6: {  	v5, v63, _ =	vpop (xrf1)  }
0xd7: {  	v5 =	vperm.xlane v5, v1  }
0xd8: {  	v6 =	vperm.xlane v63, v1  }
0xd9: {  	vm1 =	vge.f32 v2, v5  }
0xda: {  	s31 =	sadd.s32 $0x70, s24;
	v2 =	vsel vm1, v2, v5;
	v3 =	vsel vm1, v3, v6  }
0xdb: {  	(xrf1) =	vsort.dscd.msk.f32 $0xffff, v2, v3;
	v2 =	vor.u32 s31, v0  }
0xdc: {  	(xrf1) =	vsort.dscd.msk.f32 $0xffff, v4, v2;
	_ =	sdelay $0xc  }
0xdd: {  	v2, v3, _ =	vpop (xrf1)  }
0xde: {  	v4, v5, _ =	vpop (xrf1)  }
0xdf: {  	v4 =	vperm.xlane v4, v1  }
0xe0: {  	v5 =	vperm.xlane v5, v1  }
0xe1: {  	vm1 =	vge.f32 v2, v4  }
0xe2: {  	v2 =	vsel vm1, v2, v4;
	v3 =	vsel vm1, v3, v5  }
0xe3: {  	(xrf1) =	vsort.dscd.msk.f32 $0xffff, v2, v3;
	_ =	sdelay $0xd  }
0xe4: {  	v3, v2, _ =	vpop (xrf1)  }
0xe5: {  	v4 =	vsel vm0, $0xFF800000, v3  }
0xe6: {  	(xrf0) =	vmax.scan.msk.f32 $0xffff, v4;
	_ =	sdelay $0x5  }
0xe7: {  	v4, _, _ =	vpop (xrf0)  }
0xe8: {  	(v2sf) =	vpush v4, $0xF;
	_ =	sdelay $0xa  }
.Ltmp9:
0xe9: {  	_ = 	snop;
	(pc) =	sbr.rel .LBB2_8-.Ltmp9, $2  }
0xea: {  	_ =	sdelay $0x2  }
0xeb: {  	s23 =	spop (v2sf)  }
.LBB2_9:
.Ltmp10:
0xec: {  	(pc) =	sbr.rel .LBB2_10-.Ltmp10, $4  }
0xed: {  	[tilespmem:s16], [sflag:$0x2] =	stream.strided.gather [hbm4b:s6+s14], $0x3200, s15, s14, $0x38;
	[tilespmem:$0x6500] =	vst v63  }
0xee: {  	_ =	swait.ge [sflag:s17], $0x3200  }
0xef: {  	[sflag:s17] =	ssyncset.done $0x0  }
0xf0: {  	s24 =	simm.s32 $0x6400;
	s25 =	simm.s32 $0x40;
	[sflag:s17] =	ssyncadd.s32 $0xFFFFCE00  }
.LBB2_12:
0xf1: {  	s24 =	sadd.s32 $0x80, s24  }
0xf2: {  	p0 =	sne.s32 s24, $0x9600  }
.Ltmp11:
0xf3: {  	_ = 	snop;
	(pc) =	sbr.rel @!p0 .LBB2_13-.Ltmp11, $2  }
0xf4: {  	_ =	sdelay $0x2  }
0xf5: {  	s25 =	sadd.s32 $0x80, s25  }
.LBB2_10:
0xf6: {  	v11 =	vld [tilespmem:s25+$0xFFFFFFC0]  }
0xf7: {  	v10 =	vld [tilespmem:s25+$0xFFFFFFD0]  }
0xf8: {  	v9 =	vld [tilespmem:s25+$0xFFFFFFE0]  }
0xf9: {  	v8 =	vld [tilespmem:s25+$0xFFFFFFF0]  }
0xfa: {  	v7 =	vld [tilespmem:s25+$0x0]  }
0xfb: {  	v6 =	vld [tilespmem:s25+$0x10]  }
0xfc: {  	v5 =	vld [tilespmem:s25+$0x20]  }
0xfd: {  	v4 =	vld [tilespmem:s25+$0x30];
	_ =	sdelay $0x3  }
0xfe: {  	v12 =	vmax.f32 v11, v10  }
0xff: {  	v13 =	vmax.f32 v9, v8;
	v14 =	vmax.f32 v7, v6;
	v15 =	vmax.f32 v5, v4  }
0x100: {  	v12 =	vmax.f32 v12, v13;
	v63 =	vmax.f32 v14, v15  }
0x101: {  	v12 =	vmax.f32 v12, v63  }
0x102: {  	(xrf0) =	vmax.scan.msk.f32 $0xffff, v12;
	_ =	sdelay $0x5  }
0x103: {  	v12, _, _ =	vpop (xrf0)  }
0x104: {  	(v2sf) =	vpush v12, $0xF;
	_ =	sdelay $0xe  }
0x105: {  	s26 =	spop (v2sf)  }
0x106: {  	p0 =	sgt.f32 s26, s23  }
.Ltmp12:
0x107: {  	_ = 	snop;
	(pc) =	sbr.rel @!p0 .LBB2_12-.Ltmp12, $1  }
0x108: {  	_ =	sdelay $0x3  }
0x109: {  	v12 =	vor.u32 s24, v0  }
0x10a: {  	(xrf1) =	vsort.dscd.msk.f32 $0xffff, v11, v12;
	_ =	sdelay $0xd  }
0x10b: {  	v11, v12, _ =	vpop (xrf1)  }
0x10c: {  	v11 =	vperm.xlane v11, v1  }
0x10d: {  	v12 =	vperm.xlane v12, v1  }
0x10e: {  	vm1 =	vge.f32 v3, v11  }
0x10f: {  	s23 =	sadd.s32 $0x10, s24;
	v3 =	vsel vm1, v3, v11;
	v2 =	vsel vm1, v2, v12  }
0x110: {  	(xrf1) =	vsort.dscd.msk.f32 $0xffff, v3, v2;
	v2 =	vor.u32 s23, v0  }
0x111: {  	(xrf1) =	vsort.dscd.msk.f32 $0xffff, v10, v2;
	_ =	sdelay $0xc  }
0x112: {  	v2, v3, _ =	vpop (xrf1)  }
0x113: {  	v10, v58, _ =	vpop (xrf1)  }
0x114: {  	v10 =	vperm.xlane v10, v1  }
0x115: {  	v11 =	vperm.xlane v58, v1  }
0x116: {  	vm1 =	vge.f32 v2, v10  }
0x117: {  	s31 =	sadd.s32 $0x20, s24;
	v2 =	vsel vm1, v2, v10;
	v3 =	vsel vm1, v3, v11  }
0x118: {  	(xrf1) =	vsort.dscd.msk.f32 $0xffff, v2, v3;
	v2 =	vor.u32 s31, v0  }
0x119: {  	(xrf1) =	vsort.dscd.msk.f32 $0xffff, v9, v2;
	_ =	sdelay $0xc  }
0x11a: {  	v2, v3, _ =	vpop (xrf1)  }
0x11b: {  	v9, v59, _ =	vpop (xrf1)  }
0x11c: {  	v9 =	vperm.xlane v9, v1  }
0x11d: {  	v10 =	vperm.xlane v59, v1  }
0x11e: {  	vm1 =	vge.f32 v2, v9  }
0x11f: {  	s26 =	sadd.s32 $0x30, s24;
	v2 =	vsel vm1, v2, v9;
	v3 =	vsel vm1, v3, v10  }
0x120: {  	(xrf1) =	vsort.dscd.msk.f32 $0xffff, v2, v3;
	v2 =	vor.u32 s26, v0  }
0x121: {  	(xrf1) =	vsort.dscd.msk.f32 $0xffff, v8, v2;
	_ =	sdelay $0xc  }
0x122: {  	v2, v3, _ =	vpop (xrf1)  }
0x123: {  	v8, v60, _ =	vpop (xrf1)  }
0x124: {  	v8 =	vperm.xlane v8, v1  }
0x125: {  	v9 =	vperm.xlane v60, v1  }
0x126: {  	vm1 =	vge.f32 v2, v8  }
0x127: {  	s28 =	sadd.s32 $0x40, s24;
	v2 =	vsel vm1, v2, v8;
	v3 =	vsel vm1, v3, v9  }
0x128: {  	(xrf1) =	vsort.dscd.msk.f32 $0xffff, v2, v3;
	v2 =	vor.u32 s28, v0  }
0x129: {  	(xrf1) =	vsort.dscd.msk.f32 $0xffff, v7, v2;
	_ =	sdelay $0xc  }
0x12a: {  	v2, v3, _ =	vpop (xrf1)  }
0x12b: {  	v7, v61, _ =	vpop (xrf1)  }
0x12c: {  	v7 =	vperm.xlane v7, v1  }
0x12d: {  	v8 =	vperm.xlane v61, v1  }
0x12e: {  	vm1 =	vge.f32 v2, v7  }
0x12f: {  	s29 =	sadd.s32 $0x50, s24;
	v2 =	vsel vm1, v2, v7;
	v3 =	vsel vm1, v3, v8  }
0x130: {  	(xrf1) =	vsort.dscd.msk.f32 $0xffff, v2, v3;
	v2 =	vor.u32 s29, v0  }
0x131: {  	(xrf1) =	vsort.dscd.msk.f32 $0xffff, v6, v2;
	_ =	sdelay $0xc  }
0x132: {  	v2, v3, _ =	vpop (xrf1)  }
0x133: {  	v6, v62, _ =	vpop (xrf1)  }
0x134: {  	v6 =	vperm.xlane v6, v1  }
0x135: {  	v7 =	vperm.xlane v62, v1  }
0x136: {  	vm1 =	vge.f32 v2, v6  }
0x137: {  	s30 =	sadd.s32 $0x60, s24;
	v2 =	vsel vm1, v2, v6;
	v3 =	vsel vm1, v3, v7  }
0x138: {  	(xrf1) =	vsort.dscd.msk.f32 $0xffff, v2, v3;
	v2 =	vor.u32 s30, v0  }
0x139: {  	(xrf1) =	vsort.dscd.msk.f32 $0xffff, v5, v2;
	_ =	sdelay $0xc  }
0x13a: {  	v2, v3, _ =	vpop (xrf1)  }
0x13b: {  	v5, v63, _ =	vpop (xrf1)  }
0x13c: {  	v5 =	vperm.xlane v5, v1  }
0x13d: {  	v6 =	vperm.xlane v63, v1  }
0x13e: {  	vm1 =	vge.f32 v2, v5  }
0x13f: {  	s31 =	sadd.s32 $0x70, s24;
	v2 =	vsel vm1, v2, v5;
	v3 =	vsel vm1, v3, v6  }
0x140: {  	(xrf1) =	vsort.dscd.msk.f32 $0xffff, v2, v3;
	v2 =	vor.u32 s31, v0  }
0x141: {  	(xrf1) =	vsort.dscd.msk.f32 $0xffff, v4, v2;
	_ =	sdelay $0xc  }
0x142: {  	v2, v3, _ =	vpop (xrf1)  }
0x143: {  	v4, v5, _ =	vpop (xrf1)  }
0x144: {  	v4 =	vperm.xlane v4, v1  }
0x145: {  	v5 =	vperm.xlane v5, v1  }
0x146: {  	vm1 =	vge.f32 v2, v4  }
0x147: {  	v2 =	vsel vm1, v2, v4;
	v3 =	vsel vm1, v3, v5  }
0x148: {  	(xrf1) =	vsort.dscd.msk.f32 $0xffff, v2, v3;
	_ =	sdelay $0xd  }
0x149: {  	v3, v2, _ =	vpop (xrf1)  }
0x14a: {  	v4 =	vsel vm0, $0xFF800000, v3  }
0x14b: {  	(xrf0) =	vmax.scan.msk.f32 $0xffff, v4;
	_ =	sdelay $0x5  }
0x14c: {  	v4, _, _ =	vpop (xrf0)  }
0x14d: {  	(v2sf) =	vpush v4, $0xF;
	_ =	sdelay $0xa  }
.Ltmp13:
0x14e: {  	_ = 	snop;
	(pc) =	sbr.rel .LBB2_12-.Ltmp13, $2  }
0x14f: {  	_ =	sdelay $0x2  }
0x150: {  	s23 =	spop (v2sf)  }
.LBB2_13:
.Ltmp14:
0x151: {  	(pc) =	sbr.rel .LBB2_14-.Ltmp14, $4  }
0x152: {  	[tilespmem:s2], [sflag:$0x1] =	stream.strided.gather [hbm4b:s7+s14], $0x3200, s15, s14, $0x38;
	[tilespmem:$0x6500] =	vst v63  }
0x153: {  	_ =	swait.ge [sflag:s18], $0x3200  }
0x154: {  	[sflag:s18] =	ssyncset.done $0x0  }
0x155: {  	s24 =	simm.s32 $0x9600;
	s25 =	simm.s32 $0x3240;
	[sflag:s18] =	ssyncadd.s32 $0xFFFFCE00  }
.LBB2_16:
0x156: {  	s24 =	sadd.s32 $0x80, s24  }
0x157: {  	p0 =	sne.s32 s24, $0xC800  }
.Ltmp15:
0x158: {  	_ = 	snop;
	(pc) =	sbr.rel @!p0 .LBB2_17-.Ltmp15, $2  }
0x159: {  	_ =	sdelay $0x2  }
0x15a: {  	s25 =	sadd.s32 $0x80, s25  }
.LBB2_14:
0x15b: {  	v11 =	vld [tilespmem:s25+$0xFFFFFFC0]  }
0x15c: {  	v10 =	vld [tilespmem:s25+$0xFFFFFFD0]  }
0x15d: {  	v9 =	vld [tilespmem:s25+$0xFFFFFFE0]  }
0x15e: {  	v8 =	vld [tilespmem:s25+$0xFFFFFFF0]  }
0x15f: {  	v7 =	vld [tilespmem:s25+$0x0]  }
0x160: {  	v6 =	vld [tilespmem:s25+$0x10]  }
0x161: {  	v5 =	vld [tilespmem:s25+$0x20]  }
0x162: {  	v4 =	vld [tilespmem:s25+$0x30];
	_ =	sdelay $0x3  }
0x163: {  	v12 =	vmax.f32 v11, v10  }
0x164: {  	v13 =	vmax.f32 v9, v8;
	v14 =	vmax.f32 v7, v6;
	v15 =	vmax.f32 v5, v4  }
0x165: {  	v12 =	vmax.f32 v12, v13;
	v63 =	vmax.f32 v14, v15  }
0x166: {  	v12 =	vmax.f32 v12, v63  }
0x167: {  	(xrf0) =	vmax.scan.msk.f32 $0xffff, v12;
	_ =	sdelay $0x5  }
0x168: {  	v12, _, _ =	vpop (xrf0)  }
0x169: {  	(v2sf) =	vpush v12, $0xF;
	_ =	sdelay $0xe  }
0x16a: {  	s26 =	spop (v2sf)  }
0x16b: {  	p0 =	sgt.f32 s26, s23  }
.Ltmp16:
0x16c: {  	_ = 	snop;
	(pc) =	sbr.rel @!p0 .LBB2_16-.Ltmp16, $1  }
0x16d: {  	_ =	sdelay $0x3  }
0x16e: {  	v12 =	vor.u32 s24, v0  }
0x16f: {  	(xrf1) =	vsort.dscd.msk.f32 $0xffff, v11, v12;
	_ =	sdelay $0xd  }
0x170: {  	v11, v12, _ =	vpop (xrf1)  }
0x171: {  	v11 =	vperm.xlane v11, v1  }
0x172: {  	v12 =	vperm.xlane v12, v1  }
0x173: {  	vm1 =	vge.f32 v3, v11  }
0x174: {  	s23 =	sadd.s32 $0x10, s24;
	v3 =	vsel vm1, v3, v11;
	v2 =	vsel vm1, v2, v12  }
0x175: {  	(xrf1) =	vsort.dscd.msk.f32 $0xffff, v3, v2;
	v2 =	vor.u32 s23, v0  }
0x176: {  	(xrf1) =	vsort.dscd.msk.f32 $0xffff, v10, v2;
	_ =	sdelay $0xc  }
0x177: {  	v2, v3, _ =	vpop (xrf1)  }
0x178: {  	v10, v58, _ =	vpop (xrf1)  }
0x179: {  	v10 =	vperm.xlane v10, v1  }
0x17a: {  	v11 =	vperm.xlane v58, v1  }
0x17b: {  	vm1 =	vge.f32 v2, v10  }
0x17c: {  	s31 =	sadd.s32 $0x20, s24;
	v2 =	vsel vm1, v2, v10;
	v3 =	vsel vm1, v3, v11  }
0x17d: {  	(xrf1) =	vsort.dscd.msk.f32 $0xffff, v2, v3;
	v2 =	vor.u32 s31, v0  }
0x17e: {  	(xrf1) =	vsort.dscd.msk.f32 $0xffff, v9, v2;
	_ =	sdelay $0xc  }
0x17f: {  	v2, v3, _ =	vpop (xrf1)  }
0x180: {  	v9, v59, _ =	vpop (xrf1)  }
0x181: {  	v9 =	vperm.xlane v9, v1  }
0x182: {  	v10 =	vperm.xlane v59, v1  }
0x183: {  	vm1 =	vge.f32 v2, v9  }
0x184: {  	s26 =	sadd.s32 $0x30, s24;
	v2 =	vsel vm1, v2, v9;
	v3 =	vsel vm1, v3, v10  }
0x185: {  	(xrf1) =	vsort.dscd.msk.f32 $0xffff, v2, v3;
	v2 =	vor.u32 s26, v0  }
0x186: {  	(xrf1) =	vsort.dscd.msk.f32 $0xffff, v8, v2;
	_ =	sdelay $0xc  }
0x187: {  	v2, v3, _ =	vpop (xrf1)  }
0x188: {  	v8, v60, _ =	vpop (xrf1)  }
0x189: {  	v8 =	vperm.xlane v8, v1  }
0x18a: {  	v9 =	vperm.xlane v60, v1  }
0x18b: {  	vm1 =	vge.f32 v2, v8  }
0x18c: {  	s28 =	sadd.s32 $0x40, s24;
	v2 =	vsel vm1, v2, v8;
	v3 =	vsel vm1, v3, v9  }
0x18d: {  	(xrf1) =	vsort.dscd.msk.f32 $0xffff, v2, v3;
	v2 =	vor.u32 s28, v0  }
0x18e: {  	(xrf1) =	vsort.dscd.msk.f32 $0xffff, v7, v2;
	_ =	sdelay $0xc  }
0x18f: {  	v2, v3, _ =	vpop (xrf1)  }
0x190: {  	v7, v61, _ =	vpop (xrf1)  }
0x191: {  	v7 =	vperm.xlane v7, v1  }
0x192: {  	v8 =	vperm.xlane v61, v1  }
0x193: {  	vm1 =	vge.f32 v2, v7  }
0x194: {  	s29 =	sadd.s32 $0x50, s24;
	v2 =	vsel vm1, v2, v7;
	v3 =	vsel vm1, v3, v8  }
0x195: {  	(xrf1) =	vsort.dscd.msk.f32 $0xffff, v2, v3;
	v2 =	vor.u32 s29, v0  }
0x196: {  	(xrf1) =	vsort.dscd.msk.f32 $0xffff, v6, v2;
	_ =	sdelay $0xc  }
0x197: {  	v2, v3, _ =	vpop (xrf1)  }
0x198: {  	v6, v62, _ =	vpop (xrf1)  }
0x199: {  	v6 =	vperm.xlane v6, v1  }
0x19a: {  	v7 =	vperm.xlane v62, v1  }
0x19b: {  	vm1 =	vge.f32 v2, v6  }
0x19c: {  	s30 =	sadd.s32 $0x60, s24;
	v2 =	vsel vm1, v2, v6;
	v3 =	vsel vm1, v3, v7  }
0x19d: {  	(xrf1) =	vsort.dscd.msk.f32 $0xffff, v2, v3;
	v2 =	vor.u32 s30, v0  }
0x19e: {  	(xrf1) =	vsort.dscd.msk.f32 $0xffff, v5, v2;
	_ =	sdelay $0xc  }
0x19f: {  	v2, v3, _ =	vpop (xrf1)  }
0x1a0: {  	v5, v63, _ =	vpop (xrf1)  }
0x1a1: {  	v5 =	vperm.xlane v5, v1  }
0x1a2: {  	v6 =	vperm.xlane v63, v1  }
0x1a3: {  	vm1 =	vge.f32 v2, v5  }
0x1a4: {  	s31 =	sadd.s32 $0x70, s24;
	v2 =	vsel vm1, v2, v5;
	v3 =	vsel vm1, v3, v6  }
0x1a5: {  	(xrf1) =	vsort.dscd.msk.f32 $0xffff, v2, v3;
	v2 =	vor.u32 s31, v0  }
0x1a6: {  	(xrf1) =	vsort.dscd.msk.f32 $0xffff, v4, v2;
	_ =	sdelay $0xc  }
0x1a7: {  	v2, v3, _ =	vpop (xrf1)  }
0x1a8: {  	v4, v5, _ =	vpop (xrf1)  }
0x1a9: {  	v4 =	vperm.xlane v4, v1  }
0x1aa: {  	v5 =	vperm.xlane v5, v1  }
0x1ab: {  	vm1 =	vge.f32 v2, v4  }
0x1ac: {  	v2 =	vsel vm1, v2, v4;
	v3 =	vsel vm1, v3, v5  }
0x1ad: {  	(xrf1) =	vsort.dscd.msk.f32 $0xffff, v2, v3;
	_ =	sdelay $0xd  }
0x1ae: {  	v3, v2, _ =	vpop (xrf1)  }
0x1af: {  	v4 =	vsel vm0, $0xFF800000, v3  }
0x1b0: {  	(xrf0) =	vmax.scan.msk.f32 $0xffff, v4;
	_ =	sdelay $0x5  }
0x1b1: {  	v4, _, _ =	vpop (xrf0)  }
0x1b2: {  	(v2sf) =	vpush v4, $0xF;
	_ =	sdelay $0xa  }
.Ltmp17:
0x1b3: {  	_ = 	snop;
	(pc) =	sbr.rel .LBB2_16-.Ltmp17, $2  }
0x1b4: {  	_ =	sdelay $0x2  }
0x1b5: {  	s23 =	spop (v2sf)  }
.LBB2_17:
.Ltmp18:
0x1b6: {  	(pc) =	sbr.rel .LBB2_18-.Ltmp18, $4  }
0x1b7: {  	[tilespmem:s16], [sflag:$0x2] =	stream.strided.gather [hbm4b:s8+s14], $0x3200, s15, s14, $0x38;
	[tilespmem:$0x6500] =	vst v63  }
0x1b8: {  	_ =	swait.ge [sflag:s17], $0x3200  }
0x1b9: {  	[sflag:s17] =	ssyncset.done $0x0  }
0x1ba: {  	s24 =	simm.s32 $0xC800;
	s25 =	simm.s32 $0x40;
	[sflag:s17] =	ssyncadd.s32 $0xFFFFCE00  }
.LBB2_20:
0x1bb: {  	s24 =	sadd.s32 $0x80, s24  }
0x1bc: {  	p0 =	sne.s32 s24, $0xFA00  }
.Ltmp19:
0x1bd: {  	_ = 	snop;
	(pc) =	sbr.rel @!p0 .LBB2_21-.Ltmp19, $2  }
0x1be: {  	_ =	sdelay $0x2  }
0x1bf: {  	s25 =	sadd.s32 $0x80, s25  }
.LBB2_18:
0x1c0: {  	v11 =	vld [tilespmem:s25+$0xFFFFFFC0]  }
0x1c1: {  	v10 =	vld [tilespmem:s25+$0xFFFFFFD0]  }
0x1c2: {  	v9 =	vld [tilespmem:s25+$0xFFFFFFE0]  }
0x1c3: {  	v8 =	vld [tilespmem:s25+$0xFFFFFFF0]  }
0x1c4: {  	v7 =	vld [tilespmem:s25+$0x0]  }
0x1c5: {  	v6 =	vld [tilespmem:s25+$0x10]  }
0x1c6: {  	v5 =	vld [tilespmem:s25+$0x20]  }
0x1c7: {  	v4 =	vld [tilespmem:s25+$0x30];
	_ =	sdelay $0x3  }
0x1c8: {  	v12 =	vmax.f32 v11, v10  }
0x1c9: {  	v13 =	vmax.f32 v9, v8;
	v14 =	vmax.f32 v7, v6;
	v15 =	vmax.f32 v5, v4  }
0x1ca: {  	v12 =	vmax.f32 v12, v13;
	v63 =	vmax.f32 v14, v15  }
0x1cb: {  	v12 =	vmax.f32 v12, v63  }
0x1cc: {  	(xrf0) =	vmax.scan.msk.f32 $0xffff, v12;
	_ =	sdelay $0x5  }
0x1cd: {  	v12, _, _ =	vpop (xrf0)  }
0x1ce: {  	(v2sf) =	vpush v12, $0xF;
	_ =	sdelay $0xe  }
0x1cf: {  	s26 =	spop (v2sf)  }
0x1d0: {  	p0 =	sgt.f32 s26, s23  }
.Ltmp20:
0x1d1: {  	_ = 	snop;
	(pc) =	sbr.rel @!p0 .LBB2_20-.Ltmp20, $1  }
0x1d2: {  	_ =	sdelay $0x3  }
0x1d3: {  	v12 =	vor.u32 s24, v0  }
0x1d4: {  	(xrf1) =	vsort.dscd.msk.f32 $0xffff, v11, v12;
	_ =	sdelay $0xd  }
0x1d5: {  	v11, v12, _ =	vpop (xrf1)  }
0x1d6: {  	v11 =	vperm.xlane v11, v1  }
0x1d7: {  	v12 =	vperm.xlane v12, v1  }
0x1d8: {  	vm1 =	vge.f32 v3, v11  }
0x1d9: {  	s23 =	sadd.s32 $0x10, s24;
	v3 =	vsel vm1, v3, v11;
	v2 =	vsel vm1, v2, v12  }
0x1da: {  	(xrf1) =	vsort.dscd.msk.f32 $0xffff, v3, v2;
	v2 =	vor.u32 s23, v0  }
0x1db: {  	(xrf1) =	vsort.dscd.msk.f32 $0xffff, v10, v2;
	_ =	sdelay $0xc  }
0x1dc: {  	v2, v3, _ =	vpop (xrf1)  }
0x1dd: {  	v10, v58, _ =	vpop (xrf1)  }
0x1de: {  	v10 =	vperm.xlane v10, v1  }
0x1df: {  	v11 =	vperm.xlane v58, v1  }
0x1e0: {  	vm1 =	vge.f32 v2, v10  }
0x1e1: {  	s31 =	sadd.s32 $0x20, s24;
	v2 =	vsel vm1, v2, v10;
	v3 =	vsel vm1, v3, v11  }
0x1e2: {  	(xrf1) =	vsort.dscd.msk.f32 $0xffff, v2, v3;
	v2 =	vor.u32 s31, v0  }
0x1e3: {  	(xrf1) =	vsort.dscd.msk.f32 $0xffff, v9, v2;
	_ =	sdelay $0xc  }
0x1e4: {  	v2, v3, _ =	vpop (xrf1)  }
0x1e5: {  	v9, v59, _ =	vpop (xrf1)  }
0x1e6: {  	v9 =	vperm.xlane v9, v1  }
0x1e7: {  	v10 =	vperm.xlane v59, v1  }
0x1e8: {  	vm1 =	vge.f32 v2, v9  }
0x1e9: {  	s26 =	sadd.s32 $0x30, s24;
	v2 =	vsel vm1, v2, v9;
	v3 =	vsel vm1, v3, v10  }
0x1ea: {  	(xrf1) =	vsort.dscd.msk.f32 $0xffff, v2, v3;
	v2 =	vor.u32 s26, v0  }
0x1eb: {  	(xrf1) =	vsort.dscd.msk.f32 $0xffff, v8, v2;
	_ =	sdelay $0xc  }
0x1ec: {  	v2, v3, _ =	vpop (xrf1)  }
0x1ed: {  	v8, v60, _ =	vpop (xrf1)  }
0x1ee: {  	v8 =	vperm.xlane v8, v1  }
0x1ef: {  	v9 =	vperm.xlane v60, v1  }
0x1f0: {  	vm1 =	vge.f32 v2, v8  }
0x1f1: {  	s28 =	sadd.s32 $0x40, s24;
	v2 =	vsel vm1, v2, v8;
	v3 =	vsel vm1, v3, v9  }
0x1f2: {  	(xrf1) =	vsort.dscd.msk.f32 $0xffff, v2, v3;
	v2 =	vor.u32 s28, v0  }
0x1f3: {  	(xrf1) =	vsort.dscd.msk.f32 $0xffff, v7, v2;
	_ =	sdelay $0xc  }
0x1f4: {  	v2, v3, _ =	vpop (xrf1)  }
0x1f5: {  	v7, v61, _ =	vpop (xrf1)  }
0x1f6: {  	v7 =	vperm.xlane v7, v1  }
0x1f7: {  	v8 =	vperm.xlane v61, v1  }
0x1f8: {  	vm1 =	vge.f32 v2, v7  }
0x1f9: {  	s29 =	sadd.s32 $0x50, s24;
	v2 =	vsel vm1, v2, v7;
	v3 =	vsel vm1, v3, v8  }
0x1fa: {  	(xrf1) =	vsort.dscd.msk.f32 $0xffff, v2, v3;
	v2 =	vor.u32 s29, v0  }
0x1fb: {  	(xrf1) =	vsort.dscd.msk.f32 $0xffff, v6, v2;
	_ =	sdelay $0xc  }
0x1fc: {  	v2, v3, _ =	vpop (xrf1)  }
0x1fd: {  	v6, v62, _ =	vpop (xrf1)  }
0x1fe: {  	v6 =	vperm.xlane v6, v1  }
0x1ff: {  	v7 =	vperm.xlane v62, v1  }
0x200: {  	vm1 =	vge.f32 v2, v6  }
0x201: {  	s30 =	sadd.s32 $0x60, s24;
	v2 =	vsel vm1, v2, v6;
	v3 =	vsel vm1, v3, v7  }
0x202: {  	(xrf1) =	vsort.dscd.msk.f32 $0xffff, v2, v3;
	v2 =	vor.u32 s30, v0  }
0x203: {  	(xrf1) =	vsort.dscd.msk.f32 $0xffff, v5, v2;
	_ =	sdelay $0xc  }
0x204: {  	v2, v3, _ =	vpop (xrf1)  }
0x205: {  	v5, v63, _ =	vpop (xrf1)  }
0x206: {  	v5 =	vperm.xlane v5, v1  }
0x207: {  	v6 =	vperm.xlane v63, v1  }
0x208: {  	vm1 =	vge.f32 v2, v5  }
0x209: {  	s31 =	sadd.s32 $0x70, s24;
	v2 =	vsel vm1, v2, v5;
	v3 =	vsel vm1, v3, v6  }
0x20a: {  	(xrf1) =	vsort.dscd.msk.f32 $0xffff, v2, v3;
	v2 =	vor.u32 s31, v0  }
0x20b: {  	(xrf1) =	vsort.dscd.msk.f32 $0xffff, v4, v2;
	_ =	sdelay $0xc  }
0x20c: {  	v2, v3, _ =	vpop (xrf1)  }
0x20d: {  	v4, v5, _ =	vpop (xrf1)  }
0x20e: {  	v4 =	vperm.xlane v4, v1  }
0x20f: {  	v5 =	vperm.xlane v5, v1  }
0x210: {  	vm1 =	vge.f32 v2, v4  }
0x211: {  	v2 =	vsel vm1, v2, v4;
	v3 =	vsel vm1, v3, v5  }
0x212: {  	(xrf1) =	vsort.dscd.msk.f32 $0xffff, v2, v3;
	_ =	sdelay $0xd  }
0x213: {  	v3, v2, _ =	vpop (xrf1)  }
0x214: {  	v4 =	vsel vm0, $0xFF800000, v3  }
0x215: {  	(xrf0) =	vmax.scan.msk.f32 $0xffff, v4;
	_ =	sdelay $0x5  }
0x216: {  	v4, _, _ =	vpop (xrf0)  }
0x217: {  	(v2sf) =	vpush v4, $0xF;
	_ =	sdelay $0xa  }
.Ltmp21:
0x218: {  	_ = 	snop;
	(pc) =	sbr.rel .LBB2_20-.Ltmp21, $2  }
0x219: {  	_ =	sdelay $0x2  }
0x21a: {  	s23 =	spop (v2sf)  }
.LBB2_21:
.Ltmp22:
0x21b: {  	(pc) =	sbr.rel .LBB2_22-.Ltmp22, $4  }
0x21c: {  	[tilespmem:s2], [sflag:$0x1] =	stream.strided.gather [hbm4b:s9+s14], $0x3200, s15, s14, $0x38;
	[tilespmem:$0x6500] =	vst v63  }
0x21d: {  	_ =	swait.ge [sflag:s18], $0x3200  }
0x21e: {  	[sflag:s18] =	ssyncset.done $0x0  }
0x21f: {  	s24 =	simm.s32 $0xFA00;
	s25 =	simm.s32 $0x3240;
	[sflag:s18] =	ssyncadd.s32 $0xFFFFCE00  }
.LBB2_24:
0x220: {  	s24 =	sadd.s32 $0x80, s24  }
0x221: {  	p0 =	sne.s32 s24, $0x12C00  }
.Ltmp23:
0x222: {  	_ = 	snop;
	(pc) =	sbr.rel @!p0 .LBB2_25-.Ltmp23, $2  }
0x223: {  	_ =	sdelay $0x2  }
0x224: {  	s25 =	sadd.s32 $0x80, s25  }
.LBB2_22:
0x225: {  	v11 =	vld [tilespmem:s25+$0xFFFFFFC0]  }
0x226: {  	v10 =	vld [tilespmem:s25+$0xFFFFFFD0]  }
0x227: {  	v9 =	vld [tilespmem:s25+$0xFFFFFFE0]  }
0x228: {  	v8 =	vld [tilespmem:s25+$0xFFFFFFF0]  }
0x229: {  	v7 =	vld [tilespmem:s25+$0x0]  }
0x22a: {  	v6 =	vld [tilespmem:s25+$0x10]  }
0x22b: {  	v5 =	vld [tilespmem:s25+$0x20]  }
0x22c: {  	v4 =	vld [tilespmem:s25+$0x30];
	_ =	sdelay $0x3  }
0x22d: {  	v12 =	vmax.f32 v11, v10  }
0x22e: {  	v13 =	vmax.f32 v9, v8;
	v14 =	vmax.f32 v7, v6;
	v15 =	vmax.f32 v5, v4  }
0x22f: {  	v12 =	vmax.f32 v12, v13;
	v63 =	vmax.f32 v14, v15  }
0x230: {  	v12 =	vmax.f32 v12, v63  }
0x231: {  	(xrf0) =	vmax.scan.msk.f32 $0xffff, v12;
	_ =	sdelay $0x5  }
0x232: {  	v12, _, _ =	vpop (xrf0)  }
0x233: {  	(v2sf) =	vpush v12, $0xF;
	_ =	sdelay $0xe  }
0x234: {  	s26 =	spop (v2sf)  }
0x235: {  	p0 =	sgt.f32 s26, s23  }
.Ltmp24:
0x236: {  	_ = 	snop;
	(pc) =	sbr.rel @!p0 .LBB2_24-.Ltmp24, $1  }
0x237: {  	_ =	sdelay $0x3  }
0x238: {  	v12 =	vor.u32 s24, v0  }
0x239: {  	(xrf1) =	vsort.dscd.msk.f32 $0xffff, v11, v12;
	_ =	sdelay $0xd  }
0x23a: {  	v11, v12, _ =	vpop (xrf1)  }
0x23b: {  	v11 =	vperm.xlane v11, v1  }
0x23c: {  	v12 =	vperm.xlane v12, v1  }
0x23d: {  	vm1 =	vge.f32 v3, v11  }
0x23e: {  	s23 =	sadd.s32 $0x10, s24;
	v3 =	vsel vm1, v3, v11;
	v2 =	vsel vm1, v2, v12  }
0x23f: {  	(xrf1) =	vsort.dscd.msk.f32 $0xffff, v3, v2;
	v2 =	vor.u32 s23, v0  }
0x240: {  	(xrf1) =	vsort.dscd.msk.f32 $0xffff, v10, v2;
	_ =	sdelay $0xc  }
0x241: {  	v2, v3, _ =	vpop (xrf1)  }
0x242: {  	v10, v58, _ =	vpop (xrf1)  }
0x243: {  	v10 =	vperm.xlane v10, v1  }
0x244: {  	v11 =	vperm.xlane v58, v1  }
0x245: {  	vm1 =	vge.f32 v2, v10  }
0x246: {  	s31 =	sadd.s32 $0x20, s24;
	v2 =	vsel vm1, v2, v10;
	v3 =	vsel vm1, v3, v11  }
0x247: {  	(xrf1) =	vsort.dscd.msk.f32 $0xffff, v2, v3;
	v2 =	vor.u32 s31, v0  }
0x248: {  	(xrf1) =	vsort.dscd.msk.f32 $0xffff, v9, v2;
	_ =	sdelay $0xc  }
0x249: {  	v2, v3, _ =	vpop (xrf1)  }
0x24a: {  	v9, v59, _ =	vpop (xrf1)  }
0x24b: {  	v9 =	vperm.xlane v9, v1  }
0x24c: {  	v10 =	vperm.xlane v59, v1  }
0x24d: {  	vm1 =	vge.f32 v2, v9  }
0x24e: {  	s26 =	sadd.s32 $0x30, s24;
	v2 =	vsel vm1, v2, v9;
	v3 =	vsel vm1, v3, v10  }
0x24f: {  	(xrf1) =	vsort.dscd.msk.f32 $0xffff, v2, v3;
	v2 =	vor.u32 s26, v0  }
0x250: {  	(xrf1) =	vsort.dscd.msk.f32 $0xffff, v8, v2;
	_ =	sdelay $0xc  }
0x251: {  	v2, v3, _ =	vpop (xrf1)  }
0x252: {  	v8, v60, _ =	vpop (xrf1)  }
0x253: {  	v8 =	vperm.xlane v8, v1  }
0x254: {  	v9 =	vperm.xlane v60, v1  }
0x255: {  	vm1 =	vge.f32 v2, v8  }
0x256: {  	s28 =	sadd.s32 $0x40, s24;
	v2 =	vsel vm1, v2, v8;
	v3 =	vsel vm1, v3, v9  }
0x257: {  	(xrf1) =	vsort.dscd.msk.f32 $0xffff, v2, v3;
	v2 =	vor.u32 s28, v0  }
0x258: {  	(xrf1) =	vsort.dscd.msk.f32 $0xffff, v7, v2;
	_ =	sdelay $0xc  }
0x259: {  	v2, v3, _ =	vpop (xrf1)  }
0x25a: {  	v7, v61, _ =	vpop (xrf1)  }
0x25b: {  	v7 =	vperm.xlane v7, v1  }
0x25c: {  	v8 =	vperm.xlane v61, v1  }
0x25d: {  	vm1 =	vge.f32 v2, v7  }
0x25e: {  	s29 =	sadd.s32 $0x50, s24;
	v2 =	vsel vm1, v2, v7;
	v3 =	vsel vm1, v3, v8  }
0x25f: {  	(xrf1) =	vsort.dscd.msk.f32 $0xffff, v2, v3;
	v2 =	vor.u32 s29, v0  }
0x260: {  	(xrf1) =	vsort.dscd.msk.f32 $0xffff, v6, v2;
	_ =	sdelay $0xc  }
0x261: {  	v2, v3, _ =	vpop (xrf1)  }
0x262: {  	v6, v62, _ =	vpop (xrf1)  }
0x263: {  	v6 =	vperm.xlane v6, v1  }
0x264: {  	v7 =	vperm.xlane v62, v1  }
0x265: {  	vm1 =	vge.f32 v2, v6  }
0x266: {  	s30 =	sadd.s32 $0x60, s24;
	v2 =	vsel vm1, v2, v6;
	v3 =	vsel vm1, v3, v7  }
0x267: {  	(xrf1) =	vsort.dscd.msk.f32 $0xffff, v2, v3;
	v2 =	vor.u32 s30, v0  }
0x268: {  	(xrf1) =	vsort.dscd.msk.f32 $0xffff, v5, v2;
	_ =	sdelay $0xc  }
0x269: {  	v2, v3, _ =	vpop (xrf1)  }
0x26a: {  	v5, v63, _ =	vpop (xrf1)  }
0x26b: {  	v5 =	vperm.xlane v5, v1  }
0x26c: {  	v6 =	vperm.xlane v63, v1  }
0x26d: {  	vm1 =	vge.f32 v2, v5  }
0x26e: {  	s31 =	sadd.s32 $0x70, s24;
	v2 =	vsel vm1, v2, v5;
	v3 =	vsel vm1, v3, v6  }
0x26f: {  	(xrf1) =	vsort.dscd.msk.f32 $0xffff, v2, v3;
	v2 =	vor.u32 s31, v0  }
0x270: {  	(xrf1) =	vsort.dscd.msk.f32 $0xffff, v4, v2;
	_ =	sdelay $0xc  }
0x271: {  	v2, v3, _ =	vpop (xrf1)  }
0x272: {  	v4, v5, _ =	vpop (xrf1)  }
0x273: {  	v4 =	vperm.xlane v4, v1  }
0x274: {  	v5 =	vperm.xlane v5, v1  }
0x275: {  	vm1 =	vge.f32 v2, v4  }
0x276: {  	v2 =	vsel vm1, v2, v4;
	v3 =	vsel vm1, v3, v5  }
0x277: {  	(xrf1) =	vsort.dscd.msk.f32 $0xffff, v2, v3;
	_ =	sdelay $0xd  }
0x278: {  	v3, v2, _ =	vpop (xrf1)  }
0x279: {  	v4 =	vsel vm0, $0xFF800000, v3  }
0x27a: {  	(xrf0) =	vmax.scan.msk.f32 $0xffff, v4;
	_ =	sdelay $0x5  }
0x27b: {  	v4, _, _ =	vpop (xrf0)  }
0x27c: {  	(v2sf) =	vpush v4, $0xF;
	_ =	sdelay $0xa  }
.Ltmp25:
0x27d: {  	_ = 	snop;
	(pc) =	sbr.rel .LBB2_24-.Ltmp25, $2  }
0x27e: {  	_ =	sdelay $0x2  }
0x27f: {  	s23 =	spop (v2sf)  }
.LBB2_25:
.Ltmp26:
0x280: {  	(pc) =	sbr.rel .LBB2_26-.Ltmp26, $4  }
0x281: {  	[tilespmem:s16], [sflag:$0x2] =	stream.strided.gather [hbm4b:s10+s14], $0x3200, s15, s14, $0x38;
	[tilespmem:$0x6500] =	vst v63  }
0x282: {  	_ =	swait.ge [sflag:s17], $0x3200  }
0x283: {  	[sflag:s17] =	ssyncset.done $0x0  }
0x284: {  	s24 =	simm.s32 $0x12C00;
	s25 =	simm.s32 $0x40;
	[sflag:s17] =	ssyncadd.s32 $0xFFFFCE00  }
.LBB2_28:
0x285: {  	s24 =	sadd.s32 $0x80, s24  }
0x286: {  	p0 =	sne.s32 s24, $0x15E00  }
.Ltmp27:
0x287: {  	_ = 	snop;
	(pc) =	sbr.rel @!p0 .LBB2_29-.Ltmp27, $2  }
0x288: {  	_ =	sdelay $0x2  }
0x289: {  	s25 =	sadd.s32 $0x80, s25  }
.LBB2_26:
0x28a: {  	v11 =	vld [tilespmem:s25+$0xFFFFFFC0]  }
0x28b: {  	v10 =	vld [tilespmem:s25+$0xFFFFFFD0]  }
0x28c: {  	v9 =	vld [tilespmem:s25+$0xFFFFFFE0]  }
0x28d: {  	v8 =	vld [tilespmem:s25+$0xFFFFFFF0]  }
0x28e: {  	v7 =	vld [tilespmem:s25+$0x0]  }
0x28f: {  	v6 =	vld [tilespmem:s25+$0x10]  }
0x290: {  	v5 =	vld [tilespmem:s25+$0x20]  }
0x291: {  	v4 =	vld [tilespmem:s25+$0x30];
	_ =	sdelay $0x3  }
0x292: {  	v12 =	vmax.f32 v11, v10  }
0x293: {  	v13 =	vmax.f32 v9, v8;
	v14 =	vmax.f32 v7, v6;
	v15 =	vmax.f32 v5, v4  }
0x294: {  	v12 =	vmax.f32 v12, v13;
	v63 =	vmax.f32 v14, v15  }
0x295: {  	v12 =	vmax.f32 v12, v63  }
0x296: {  	(xrf0) =	vmax.scan.msk.f32 $0xffff, v12;
	_ =	sdelay $0x5  }
0x297: {  	v12, _, _ =	vpop (xrf0)  }
0x298: {  	(v2sf) =	vpush v12, $0xF;
	_ =	sdelay $0xe  }
0x299: {  	s26 =	spop (v2sf)  }
0x29a: {  	p0 =	sgt.f32 s26, s23  }
.Ltmp28:
0x29b: {  	_ = 	snop;
	(pc) =	sbr.rel @!p0 .LBB2_28-.Ltmp28, $1  }
0x29c: {  	_ =	sdelay $0x3  }
0x29d: {  	v12 =	vor.u32 s24, v0  }
0x29e: {  	(xrf1) =	vsort.dscd.msk.f32 $0xffff, v11, v12;
	_ =	sdelay $0xd  }
0x29f: {  	v11, v12, _ =	vpop (xrf1)  }
0x2a0: {  	v11 =	vperm.xlane v11, v1  }
0x2a1: {  	v12 =	vperm.xlane v12, v1  }
0x2a2: {  	vm1 =	vge.f32 v3, v11  }
0x2a3: {  	s23 =	sadd.s32 $0x10, s24;
	v3 =	vsel vm1, v3, v11;
	v2 =	vsel vm1, v2, v12  }
0x2a4: {  	(xrf1) =	vsort.dscd.msk.f32 $0xffff, v3, v2;
	v2 =	vor.u32 s23, v0  }
0x2a5: {  	(xrf1) =	vsort.dscd.msk.f32 $0xffff, v10, v2;
	_ =	sdelay $0xc  }
0x2a6: {  	v2, v3, _ =	vpop (xrf1)  }
0x2a7: {  	v10, v58, _ =	vpop (xrf1)  }
0x2a8: {  	v10 =	vperm.xlane v10, v1  }
0x2a9: {  	v11 =	vperm.xlane v58, v1  }
0x2aa: {  	vm1 =	vge.f32 v2, v10  }
0x2ab: {  	s31 =	sadd.s32 $0x20, s24;
	v2 =	vsel vm1, v2, v10;
	v3 =	vsel vm1, v3, v11  }
0x2ac: {  	(xrf1) =	vsort.dscd.msk.f32 $0xffff, v2, v3;
	v2 =	vor.u32 s31, v0  }
0x2ad: {  	(xrf1) =	vsort.dscd.msk.f32 $0xffff, v9, v2;
	_ =	sdelay $0xc  }
0x2ae: {  	v2, v3, _ =	vpop (xrf1)  }
0x2af: {  	v9, v59, _ =	vpop (xrf1)  }
0x2b0: {  	v9 =	vperm.xlane v9, v1  }
0x2b1: {  	v10 =	vperm.xlane v59, v1  }
0x2b2: {  	vm1 =	vge.f32 v2, v9  }
0x2b3: {  	s26 =	sadd.s32 $0x30, s24;
	v2 =	vsel vm1, v2, v9;
	v3 =	vsel vm1, v3, v10  }
0x2b4: {  	(xrf1) =	vsort.dscd.msk.f32 $0xffff, v2, v3;
	v2 =	vor.u32 s26, v0  }
0x2b5: {  	(xrf1) =	vsort.dscd.msk.f32 $0xffff, v8, v2;
	_ =	sdelay $0xc  }
0x2b6: {  	v2, v3, _ =	vpop (xrf1)  }
0x2b7: {  	v8, v60, _ =	vpop (xrf1)  }
0x2b8: {  	v8 =	vperm.xlane v8, v1  }
0x2b9: {  	v9 =	vperm.xlane v60, v1  }
0x2ba: {  	vm1 =	vge.f32 v2, v8  }
0x2bb: {  	s28 =	sadd.s32 $0x40, s24;
	v2 =	vsel vm1, v2, v8;
	v3 =	vsel vm1, v3, v9  }
0x2bc: {  	(xrf1) =	vsort.dscd.msk.f32 $0xffff, v2, v3;
	v2 =	vor.u32 s28, v0  }
0x2bd: {  	(xrf1) =	vsort.dscd.msk.f32 $0xffff, v7, v2;
	_ =	sdelay $0xc  }
0x2be: {  	v2, v3, _ =	vpop (xrf1)  }
0x2bf: {  	v7, v61, _ =	vpop (xrf1)  }
0x2c0: {  	v7 =	vperm.xlane v7, v1  }
0x2c1: {  	v8 =	vperm.xlane v61, v1  }
0x2c2: {  	vm1 =	vge.f32 v2, v7  }
0x2c3: {  	s29 =	sadd.s32 $0x50, s24;
	v2 =	vsel vm1, v2, v7;
	v3 =	vsel vm1, v3, v8  }
0x2c4: {  	(xrf1) =	vsort.dscd.msk.f32 $0xffff, v2, v3;
	v2 =	vor.u32 s29, v0  }
0x2c5: {  	(xrf1) =	vsort.dscd.msk.f32 $0xffff, v6, v2;
	_ =	sdelay $0xc  }
0x2c6: {  	v2, v3, _ =	vpop (xrf1)  }
0x2c7: {  	v6, v62, _ =	vpop (xrf1)  }
0x2c8: {  	v6 =	vperm.xlane v6, v1  }
0x2c9: {  	v7 =	vperm.xlane v62, v1  }
0x2ca: {  	vm1 =	vge.f32 v2, v6  }
0x2cb: {  	s30 =	sadd.s32 $0x60, s24;
	v2 =	vsel vm1, v2, v6;
	v3 =	vsel vm1, v3, v7  }
0x2cc: {  	(xrf1) =	vsort.dscd.msk.f32 $0xffff, v2, v3;
	v2 =	vor.u32 s30, v0  }
0x2cd: {  	(xrf1) =	vsort.dscd.msk.f32 $0xffff, v5, v2;
	_ =	sdelay $0xc  }
0x2ce: {  	v2, v3, _ =	vpop (xrf1)  }
0x2cf: {  	v5, v63, _ =	vpop (xrf1)  }
0x2d0: {  	v5 =	vperm.xlane v5, v1  }
0x2d1: {  	v6 =	vperm.xlane v63, v1  }
0x2d2: {  	vm1 =	vge.f32 v2, v5  }
0x2d3: {  	s31 =	sadd.s32 $0x70, s24;
	v2 =	vsel vm1, v2, v5;
	v3 =	vsel vm1, v3, v6  }
0x2d4: {  	(xrf1) =	vsort.dscd.msk.f32 $0xffff, v2, v3;
	v2 =	vor.u32 s31, v0  }
0x2d5: {  	(xrf1) =	vsort.dscd.msk.f32 $0xffff, v4, v2;
	_ =	sdelay $0xc  }
0x2d6: {  	v2, v3, _ =	vpop (xrf1)  }
0x2d7: {  	v4, v5, _ =	vpop (xrf1)  }
0x2d8: {  	v4 =	vperm.xlane v4, v1  }
0x2d9: {  	v5 =	vperm.xlane v5, v1  }
0x2da: {  	vm1 =	vge.f32 v2, v4  }
0x2db: {  	v2 =	vsel vm1, v2, v4;
	v3 =	vsel vm1, v3, v5  }
0x2dc: {  	(xrf1) =	vsort.dscd.msk.f32 $0xffff, v2, v3;
	_ =	sdelay $0xd  }
0x2dd: {  	v3, v2, _ =	vpop (xrf1)  }
0x2de: {  	v4 =	vsel vm0, $0xFF800000, v3  }
0x2df: {  	(xrf0) =	vmax.scan.msk.f32 $0xffff, v4;
	_ =	sdelay $0x5  }
0x2e0: {  	v4, _, _ =	vpop (xrf0)  }
0x2e1: {  	(v2sf) =	vpush v4, $0xF;
	_ =	sdelay $0xa  }
.Ltmp29:
0x2e2: {  	_ = 	snop;
	(pc) =	sbr.rel .LBB2_28-.Ltmp29, $2  }
0x2e3: {  	_ =	sdelay $0x2  }
0x2e4: {  	s23 =	spop (v2sf)  }
.LBB2_29:
.Ltmp30:
0x2e5: {  	(pc) =	sbr.rel .LBB2_30-.Ltmp30, $4  }
0x2e6: {  	_ = 	snop  }
0x2e7: {  	_ =	swait.ge [sflag:s18], $0x3200  }
0x2e8: {  	[sflag:s18] =	ssyncset.done $0x0  }
0x2e9: {  	s24 =	simm.s32 $0x15E00;
	s25 =	simm.s32 $0x3240;
	[sflag:s18] =	ssyncadd.s32 $0xFFFFCE00  }
.LBB2_32:
0x2ea: {  	s24 =	sadd.s32 $0x80, s24  }
0x2eb: {  	p0 =	sne.s32 s24, $0x19000  }
.Ltmp31:
0x2ec: {  	_ = 	snop;
	(pc) =	sbr.rel @!p0 .LBB2_33-.Ltmp31, $2  }
0x2ed: {  	_ =	sdelay $0x2  }
0x2ee: {  	s25 =	sadd.s32 $0x80, s25  }
.LBB2_30:
0x2ef: {  	v11 =	vld [tilespmem:s25+$0xFFFFFFC0]  }
0x2f0: {  	v10 =	vld [tilespmem:s25+$0xFFFFFFD0]  }
0x2f1: {  	v9 =	vld [tilespmem:s25+$0xFFFFFFE0]  }
0x2f2: {  	v8 =	vld [tilespmem:s25+$0xFFFFFFF0]  }
0x2f3: {  	v7 =	vld [tilespmem:s25+$0x0]  }
0x2f4: {  	v6 =	vld [tilespmem:s25+$0x10]  }
0x2f5: {  	v5 =	vld [tilespmem:s25+$0x20]  }
0x2f6: {  	v4 =	vld [tilespmem:s25+$0x30];
	_ =	sdelay $0x3  }
0x2f7: {  	v12 =	vmax.f32 v11, v10  }
0x2f8: {  	v13 =	vmax.f32 v9, v8;
	v14 =	vmax.f32 v7, v6;
	v15 =	vmax.f32 v5, v4  }
0x2f9: {  	v12 =	vmax.f32 v12, v13;
	v63 =	vmax.f32 v14, v15  }
0x2fa: {  	v12 =	vmax.f32 v12, v63  }
0x2fb: {  	(xrf0) =	vmax.scan.msk.f32 $0xffff, v12;
	_ =	sdelay $0x5  }
0x2fc: {  	v12, _, _ =	vpop (xrf0)  }
0x2fd: {  	(v2sf) =	vpush v12, $0xF;
	_ =	sdelay $0xe  }
0x2fe: {  	s26 =	spop (v2sf)  }
0x2ff: {  	p0 =	sgt.f32 s26, s23  }
.Ltmp32:
0x300: {  	_ = 	snop;
	(pc) =	sbr.rel @!p0 .LBB2_32-.Ltmp32, $1  }
0x301: {  	_ =	sdelay $0x3  }
0x302: {  	v12 =	vor.u32 s24, v0  }
0x303: {  	(xrf1) =	vsort.dscd.msk.f32 $0xffff, v11, v12;
	_ =	sdelay $0xd  }
0x304: {  	v11, v12, _ =	vpop (xrf1)  }
0x305: {  	v11 =	vperm.xlane v11, v1  }
0x306: {  	v12 =	vperm.xlane v12, v1  }
0x307: {  	vm1 =	vge.f32 v3, v11  }
0x308: {  	s23 =	sadd.s32 $0x10, s24;
	v3 =	vsel vm1, v3, v11;
	v2 =	vsel vm1, v2, v12  }
0x309: {  	(xrf1) =	vsort.dscd.msk.f32 $0xffff, v3, v2;
	v2 =	vor.u32 s23, v0  }
0x30a: {  	(xrf1) =	vsort.dscd.msk.f32 $0xffff, v10, v2;
	_ =	sdelay $0xc  }
0x30b: {  	v2, v3, _ =	vpop (xrf1)  }
0x30c: {  	v10, v58, _ =	vpop (xrf1)  }
0x30d: {  	v10 =	vperm.xlane v10, v1  }
0x30e: {  	v11 =	vperm.xlane v58, v1  }
0x30f: {  	vm1 =	vge.f32 v2, v10  }
0x310: {  	s31 =	sadd.s32 $0x20, s24;
	v2 =	vsel vm1, v2, v10;
	v3 =	vsel vm1, v3, v11  }
0x311: {  	(xrf1) =	vsort.dscd.msk.f32 $0xffff, v2, v3;
	v2 =	vor.u32 s31, v0  }
0x312: {  	(xrf1) =	vsort.dscd.msk.f32 $0xffff, v9, v2;
	_ =	sdelay $0xc  }
0x313: {  	v2, v3, _ =	vpop (xrf1)  }
0x314: {  	v9, v59, _ =	vpop (xrf1)  }
0x315: {  	v9 =	vperm.xlane v9, v1  }
0x316: {  	v10 =	vperm.xlane v59, v1  }
0x317: {  	vm1 =	vge.f32 v2, v9  }
0x318: {  	s26 =	sadd.s32 $0x30, s24;
	v2 =	vsel vm1, v2, v9;
	v3 =	vsel vm1, v3, v10  }
0x319: {  	(xrf1) =	vsort.dscd.msk.f32 $0xffff, v2, v3;
	v2 =	vor.u32 s26, v0  }
0x31a: {  	(xrf1) =	vsort.dscd.msk.f32 $0xffff, v8, v2;
	_ =	sdelay $0xc  }
0x31b: {  	v2, v3, _ =	vpop (xrf1)  }
0x31c: {  	v8, v60, _ =	vpop (xrf1)  }
0x31d: {  	v8 =	vperm.xlane v8, v1  }
0x31e: {  	v9 =	vperm.xlane v60, v1  }
0x31f: {  	vm1 =	vge.f32 v2, v8  }
0x320: {  	s28 =	sadd.s32 $0x40, s24;
	v2 =	vsel vm1, v2, v8;
	v3 =	vsel vm1, v3, v9  }
0x321: {  	(xrf1) =	vsort.dscd.msk.f32 $0xffff, v2, v3;
	v2 =	vor.u32 s28, v0  }
0x322: {  	(xrf1) =	vsort.dscd.msk.f32 $0xffff, v7, v2;
	_ =	sdelay $0xc  }
0x323: {  	v2, v3, _ =	vpop (xrf1)  }
0x324: {  	v7, v61, _ =	vpop (xrf1)  }
0x325: {  	v7 =	vperm.xlane v7, v1  }
0x326: {  	v8 =	vperm.xlane v61, v1  }
0x327: {  	vm1 =	vge.f32 v2, v7  }
0x328: {  	s29 =	sadd.s32 $0x50, s24;
	v2 =	vsel vm1, v2, v7;
	v3 =	vsel vm1, v3, v8  }
0x329: {  	(xrf1) =	vsort.dscd.msk.f32 $0xffff, v2, v3;
	v2 =	vor.u32 s29, v0  }
0x32a: {  	(xrf1) =	vsort.dscd.msk.f32 $0xffff, v6, v2;
	_ =	sdelay $0xc  }
0x32b: {  	v2, v3, _ =	vpop (xrf1)  }
0x32c: {  	v6, v62, _ =	vpop (xrf1)  }
0x32d: {  	v6 =	vperm.xlane v6, v1  }
0x32e: {  	v7 =	vperm.xlane v62, v1  }
0x32f: {  	vm1 =	vge.f32 v2, v6  }
0x330: {  	s30 =	sadd.s32 $0x60, s24;
	v2 =	vsel vm1, v2, v6;
	v3 =	vsel vm1, v3, v7  }
0x331: {  	(xrf1) =	vsort.dscd.msk.f32 $0xffff, v2, v3;
	v2 =	vor.u32 s30, v0  }
0x332: {  	(xrf1) =	vsort.dscd.msk.f32 $0xffff, v5, v2;
	_ =	sdelay $0xc  }
0x333: {  	v2, v3, _ =	vpop (xrf1)  }
0x334: {  	v5, v63, _ =	vpop (xrf1)  }
0x335: {  	v5 =	vperm.xlane v5, v1  }
0x336: {  	v6 =	vperm.xlane v63, v1  }
0x337: {  	vm1 =	vge.f32 v2, v5  }
0x338: {  	s31 =	sadd.s32 $0x70, s24;
	v2 =	vsel vm1, v2, v5;
	v3 =	vsel vm1, v3, v6  }
0x339: {  	(xrf1) =	vsort.dscd.msk.f32 $0xffff, v2, v3;
	v2 =	vor.u32 s31, v0  }
0x33a: {  	(xrf1) =	vsort.dscd.msk.f32 $0xffff, v4, v2;
	_ =	sdelay $0xc  }
0x33b: {  	v2, v3, _ =	vpop (xrf1)  }
0x33c: {  	v4, v5, _ =	vpop (xrf1)  }
0x33d: {  	v4 =	vperm.xlane v4, v1  }
0x33e: {  	v5 =	vperm.xlane v5, v1  }
0x33f: {  	vm1 =	vge.f32 v2, v4  }
0x340: {  	v2 =	vsel vm1, v2, v4;
	v3 =	vsel vm1, v3, v5  }
0x341: {  	(xrf1) =	vsort.dscd.msk.f32 $0xffff, v2, v3;
	_ =	sdelay $0xd  }
0x342: {  	v3, v2, _ =	vpop (xrf1)  }
0x343: {  	v4 =	vsel vm0, $0xFF800000, v3  }
0x344: {  	(xrf0) =	vmax.scan.msk.f32 $0xffff, v4;
	_ =	sdelay $0x5  }
0x345: {  	v4, _, _ =	vpop (xrf0)  }
0x346: {  	(v2sf) =	vpush v4, $0xF;
	_ =	sdelay $0xa  }
.Ltmp33:
0x347: {  	_ = 	snop;
	(pc) =	sbr.rel .LBB2_32-.Ltmp33, $2  }
0x348: {  	_ =	sdelay $0x2  }
0x349: {  	s23 =	spop (v2sf)  }
.LBB2_34:
0x34a: {  	_ =	sfence.sel $0x180000  }
0x34b: {  	[bflag:$0x0] =	sbarrier.arrive $0xFFFF  }
0x34c: {  	p0 =	sne.s32 s1, $0x0;
	_ =	strace $0x90000047  }
0x34d: {  	s0 =	sadd.s32 @!p0 $0x100000, s0;
	[bflag:$0x2] =	sbarrier.arrive $0xFFFF  }
0x34e: {  	[sflag:s0] =	ssyncadd.tile.s32 @!p0 $0x1;
	_ =	shalt  }
.Lfunc_end2:
_tile_overlayer_lowered:
.L_overlay_start_2:
0x34f: {  	(tag) =	ssettag $0x2  }
0x350: {  	s0 =	rddreg [dreg:$0x0];
	s2 =	stileid.u32  }
0x351: {  	s1 =	rddreg [dreg:$0x1];
	p0 =	sne.s32 s2, $0x0  }
0x352: {  	s3 =	rddreg [dreg:$0x2];
	[bflag:$0x3] =	sbarrier.arrive $0xFFFF;
	s2 =	simm.s32 @!p0 $0x1C03  }
0x353: {  	[timem:s3], [sflag:s2] =	dma.local @!p0 [hbm:s0], s1  }
0x354: {  	s0 =	simm.s32 @!p0 $0x3  }
0x355: {  	_ =	swait.ge @!p0 [sflag:s0], s1  }
0x356: {  	s1 =	ssub.s32 @!p0 $0x0, s1;
	[sflag:s0] =	ssyncset.done @!p0 $0x0  }
0x357: {  	[sflag:s0] =	ssyncadd.s32 @!p0 s1  }
0x358: {  	[bflag:$0x3] =	sbarrier.arrive $0xFFFF  }
0x359: {  	_ =	shalt  }

</sc_bundles>
